<compile_context>
chip_gen: v7x
topology: tpu7x:2x2x1
jax: 0.10.2.dev20260603
libtpu: 0.0.44.dev20260713+nightly
codegen_flags: <defaults>
</compile_context>

<pallas_src>
import functools

import jax
import jax.numpy as jnp
from jax import lax
from jax.experimental import pallas as pl
from jax.experimental.pallas import tpu as pltpu
from jax.experimental.pallas import tpu_sc as plsc

BATCH, SEQ, EMBED = 4096, 50, 128
NC, NS = 2, 16
NW = NC * NS
ROWS_PER_W = BATCH // NW
KB = 2
CHUNK = KB * SEQ
NCHUNK = ROWS_PER_W // KB
NBUF = 8
NGROUP = NCHUNK // NBUF


def _sc_body(idx_hbm, table_hbm, out_hbm, idx_v, rows_v, gsem):
    wid = lax.axis_index("s") * NC + lax.axis_index("c")
    base = wid * ROWS_PER_W

    pltpu.sync_copy(idx_hbm.at[wid], idx_v)

    def issue(j, b):
        pltpu.async_copy(table_hbm.at[idx_v.at[j]], rows_v.at[b], gsem.at[b])

    def drain(j, b):
        pltpu.make_async_copy(
            table_hbm.at[idx_v.at[0]], rows_v.at[b], gsem.at[b]
        ).wait()
        bb = base + j * KB
        for r in range(KB):
            pltpu.sync_copy(
                rows_v.at[b].at[pl.ds(r * SEQ, SEQ)], out_hbm.at[bb + r]
            )

    for b in range(NBUF):
        issue(b, b)

    def group(g, carry):
        for b in range(NBUF):
            j = g * NBUF + b
            drain(j, b)
            issue(j + NBUF, b)
        return carry

    lax.fori_loop(0, NGROUP - 1, group, 0)

    for b in range(NBUF):
        drain((NGROUP - 1) * NBUF + b, b)


def _sc_gather(idx, table):
    mesh = plsc.VectorSubcoreMesh(
        core_axis_name="c", subcore_axis_name="s", num_cores=NC, num_subcores=NS
    )
    run = functools.partial(
        pl.kernel,
        out_type=jax.ShapeDtypeStruct((BATCH, SEQ, EMBED), jnp.float32),
        mesh=mesh,
        scratch_types=[
            pltpu.VMEM((NCHUNK, CHUNK), jnp.int32),
            pltpu.VMEM((NBUF, CHUNK, EMBED), jnp.float32),
            pltpu.SemaphoreType.DMA((NBUF,)),
        ],
    )(_sc_body)
    return run(idx, table)


@jax.jit
def kernel(x, embedding):
    idx = x.astype(jnp.int32).reshape(NW, NCHUNK, CHUNK)
    return _sc_gather(idx, embedding)

# --- scband reference (transcript-rebuilt; emitter-appended) ---
"""Pipeline reference for scband-token-embedding-20220706030479 (READ-ONLY COPY).

The authoritative reference and input builder live on the scoring server;
editing this copy changes nothing except your own understanding.
"""

import jax, jax.numpy as jnp
import numpy as np

NUM_TOKENS = 100000
EMBED_DIM = 128  # n_heads(16) * head_dim(8)
BATCH = 4096
SEQ = 50


def setup_inputs(seed: int = 0) -> dict:
    key = jax.random.key(seed)
    k_idx, k_emb = jax.random.split(key)
    x = jax.random.randint(k_idx, (BATCH, SEQ), 0, NUM_TOKENS, dtype=jnp.int64 if jax.config.jax_enable_x64 else jnp.int32)
    # random_normal encoding: mean=0.0, std=0.01
    embedding = jax.random.normal(k_emb, (NUM_TOKENS, EMBED_DIM), dtype=jnp.float32) * 0.01
    return {"x": x, "embedding": embedding}


def reference(x, embedding):
    # TokenEmbedding.forward: embedding table gather
    return jnp.take(embedding, x, axis=0)

if __name__ == "__main__":
    import jax
    _d = setup_inputs()
    print(jax.jit(kernel)(*tuple(_d.values())))

</pallas_src>

<mosaic_0001>
#map = affine_map<(d0, d1) -> (0, 0, 0)>
#map1 = affine_map<(d0, d1) -> (0, 0)>
module attributes {stable_mosaic.version = 14 : i64} {
  func.func @_sc_body(%arg0: i32, %arg1: i32, %arg2: memref<32x64x100xi32, #tpu.memory_space<hbm>>, %arg3: memref<100000x128xf32, #tpu.memory_space<hbm>>, %arg4: memref<4096x50x128xf32, #tpu.memory_space<hbm>>, %arg5: memref<64x100xi32, #tpu.memory_space<vmem>>, %arg6: memref<8x100x128xf32, #tpu.memory_space<vmem>>, %arg7: memref<8x!tpu.dma_semaphore, #tpu.memory_space<semaphore_mem>>) attributes {dimension_semantics = [#tpu.dimension_semantics<core_parallel>, #tpu.dimension_semantics<subcore_parallel>], iteration_bounds = array<i64: 2, 16>, scalar_prefetch = 0 : i64, scratch_operands = 3 : i64, tpu.core_type = #tpu.core_type<sc_vector_subcore>, window_params = [{transform_indices = #map}, {transform_indices = #map1}, {transform_indices = #map}]} {
    %mul3A = arith.constant 2 : i32
    %mul3A_0 = arith.muli %arg1, %mul3A : i32
    %add3A = arith.addi %mul3A_0, %arg0 : i32
    %mul3A_1 = arith.constant 128 : i32
    %mul3A_2 = arith.muli %add3A, %mul3A_1 : i32
    "tpu.region"() ({
      %run_scoped3A_309 = tpu.sem_alloc : memref<!tpu.dma_semaphore, #tpu.memory_space<semaphore_mem>>
      %dma_start3A_310 = arith.constant 0 : i32
      %dma_start3A_311 = arith.constant 0 : i32
      %dma_start3A_312 = tpu.memref_slice %arg2[%add3A, %dma_start3A_310, %dma_start3A_311] : memref<32x64x100xi32, #tpu.memory_space<hbm>> -> memref<1x64x100xi32, #tpu.memory_space<hbm>>
      %dma_start3A_313 = tpu.memref_squeeze %dma_start3A_312 : memref<1x64x100xi32, #tpu.memory_space<hbm>> -> memref<64x100xi32, #tpu.memory_space<hbm>>
      %dma_start3A_314 = arith.constant 0 : i32
      %dma_start3A_315 = arith.constant 0 : i32
      %dma_start3A_316 = tpu.memref_slice %arg2[%add3A, %dma_start3A_314, %dma_start3A_315] : memref<32x64x100xi32, #tpu.memory_space<hbm>> -> memref<1x64x100xi32, #tpu.memory_space<hbm>>
      %dma_start3A_317 = tpu.memref_squeeze %dma_start3A_316 : memref<1x64x100xi32, #tpu.memory_space<hbm>> -> memref<64x100xi32, #tpu.memory_space<hbm>>
      tpu.enqueue_dma source(%dma_start3A_317 : memref<64x100xi32, #tpu.memory_space<hbm>>) target(%arg5 : memref<64x100xi32, #tpu.memory_space<vmem>>) target_semaphore(%run_scoped3A_309 : memref<!tpu.dma_semaphore, #tpu.memory_space<semaphore_mem>>)
      %dma_wait3A_318 = arith.constant 0 : i32
      %dma_wait3A_319 = arith.constant 0 : i32
      %dma_wait3A_320 = tpu.memref_slice %arg2[%add3A, %dma_wait3A_318, %dma_wait3A_319] : memref<32x64x100xi32, #tpu.memory_space<hbm>> -> memref<1x64x100xi32, #tpu.memory_space<hbm>>
      %dma_wait3A_321 = tpu.memref_squeeze %dma_wait3A_320 : memref<1x64x100xi32, #tpu.memory_space<hbm>> -> memref<64x100xi32, #tpu.memory_space<hbm>>
      %dma_wait3A_322 = arith.constant 0 : i32
      %dma_wait3A_323 = arith.constant 0 : i32
      %dma_wait3A_324 = tpu.memref_slice %arg2[%add3A, %dma_wait3A_322, %dma_wait3A_323] : memref<32x64x100xi32, #tpu.memory_space<hbm>> -> memref<1x64x100xi32, #tpu.memory_space<hbm>>
      %dma_wait3A_325 = tpu.memref_squeeze %dma_wait3A_324 : memref<1x64x100xi32, #tpu.memory_space<hbm>> -> memref<64x100xi32, #tpu.memory_space<hbm>>
      tpu.wait_dma2 semaphore(%run_scoped3A_309 : memref<!tpu.dma_semaphore, #tpu.memory_space<semaphore_mem>>) src(%dma_wait3A_325 : memref<64x100xi32, #tpu.memory_space<hbm>>) dst(%arg5 : memref<64x100xi32, #tpu.memory_space<vmem>>)
      tpu.yield
    }) : () -> ()
    %dma_start3A = arith.constant 0 : i32
    %dma_start3A_3 = arith.constant 0 : i32
    %dma_start3A_4 = arith.constant 0 : i32
    %dma_start3A_5 = arith.constant 0 : i32
    %dma_start3A_6 = arith.constant 0 : i32
    %dma_start3A_7 = tpu.memref_slice %arg6[%dma_start3A_3, %dma_start3A_5, %dma_start3A_6] : memref<8x100x128xf32, #tpu.memory_space<vmem>> -> memref<1x100x128xf32, #tpu.memory_space<vmem>>
    %dma_start3A_8 = tpu.memref_squeeze %dma_start3A_7 : memref<1x100x128xf32, #tpu.memory_space<vmem>> -> memref<100x128xf32, #tpu.memory_space<vmem>>
    %dma_start3A_9 = arith.constant 0 : i32
    %dma_start3A_10 = tpu.memref_slice %arg5[%dma_start3A, %dma_start3A_9] : memref<64x100xi32, #tpu.memory_space<vmem>> -> memref<1x100xi32, #tpu.memory_space<vmem>>
    %dma_start3A_11 = tpu.memref_squeeze %dma_start3A_10 : memref<1x100xi32, #tpu.memory_space<vmem>> -> memref<100xi32, #tpu.memory_space<vmem>>
    %dma_start3A_12 = arith.constant 0 : i32
    %dma_start3A_13 = arith.constant 0 : i32
    %dma_start3A_14 = tpu.memref_slice %arg3[%dma_start3A_12, %dma_start3A_13] : memref<100000x128xf32, #tpu.memory_space<hbm>> -> memref<100000x128xf32, #tpu.memory_space<hbm>>
    %dma_start3A_15 = tpu.memref_slice %arg7[%dma_start3A_4] : memref<8x!tpu.dma_semaphore, #tpu.memory_space<semaphore_mem>> -> memref<1x!tpu.dma_semaphore, #tpu.memory_space<semaphore_mem>>
    %dma_start3A_16 = tpu.memref_squeeze %dma_start3A_15 : memref<1x!tpu.dma_semaphore, #tpu.memory_space<semaphore_mem>> -> memref<!tpu.dma_semaphore, #tpu.memory_space<semaphore_mem>>
    tpu.enqueue_indirect_dma source(%dma_start3A_14 : memref<100000x128xf32, #tpu.memory_space<hbm>>) target(%dma_start3A_8 : memref<100x128xf32, #tpu.memory_space<vmem>>) offsets(%dma_start3A_11 : memref<100xi32, #tpu.memory_space<vmem>>) semaphore(%dma_start3A_16 : memref<!tpu.dma_semaphore, #tpu.memory_space<semaphore_mem>>)
    %dma_start3A_17 = arith.constant 1 : i32
    %dma_start3A_18 = arith.constant 1 : i32
    %dma_start3A_19 = arith.constant 1 : i32
    %dma_start3A_20 = arith.constant 0 : i32
    %dma_start3A_21 = arith.constant 0 : i32
    %dma_start3A_22 = tpu.memref_slice %arg6[%dma_start3A_18, %dma_start3A_20, %dma_start3A_21] : memref<8x100x128xf32, #tpu.memory_space<vmem>> -> memref<1x100x128xf32, #tpu.memory_space<vmem>>
    %dma_start3A_23 = tpu.memref_squeeze %dma_start3A_22 : memref<1x100x128xf32, #tpu.memory_space<vmem>> -> memref<100x128xf32, #tpu.memory_space<vmem>>
    %dma_start3A_24 = arith.constant 0 : i32
    %dma_start3A_25 = tpu.memref_slice %arg5[%dma_start3A_17, %dma_start3A_24] : memref<64x100xi32, #tpu.memory_space<vmem>> -> memref<1x100xi32, #tpu.memory_space<vmem>>
    %dma_start3A_26 = tpu.memref_squeeze %dma_start3A_25 : memref<1x100xi32, #tpu.memory_space<vmem>> -> memref<100xi32, #tpu.memory_space<vmem>>
    %dma_start3A_27 = arith.constant 0 : i32
    %dma_start3A_28 = arith.constant 0 : i32
    %dma_start3A_29 = tpu.memref_slice %arg3[%dma_start3A_27, %dma_start3A_28] : memref<100000x128xf32, #tpu.memory_space<hbm>> -> memref<100000x128xf32, #tpu.memory_space<hbm>>
    %dma_start3A_30 = tpu.memref_slice %arg7[%dma_start3A_19] : memref<8x!tpu.dma_semaphore, #tpu.memory_space<semaphore_mem>> -> memref<1x!tpu.dma_semaphore, #tpu.memory_space<semaphore_mem>>
    %dma_start3A_31 = tpu.memref_squeeze %dma_start3A_30 : memref<1x!tpu.dma_semaphore, #tpu.memory_space<semaphore_mem>> -> memref<!tpu.dma_semaphore, #tpu.memory_space<semaphore_mem>>
    tpu.enqueue_indirect_dma source(%dma_start3A_29 : memref<100000x128xf32, #tpu.memory_space<hbm>>) target(%dma_start3A_23 : memref<100x128xf32, #tpu.memory_space<vmem>>) offsets(%dma_start3A_26 : memref<100xi32, #tpu.memory_space<vmem>>) semaphore(%dma_start3A_31 : memref<!tpu.dma_semaphore, #tpu.memory_space<semaphore_mem>>)
    %dma_start3A_32 = arith.constant 2 : i32
    %dma_start3A_33 = arith.constant 2 : i32
    %dma_start3A_34 = arith.constant 2 : i32
    %dma_start3A_35 = arith.constant 0 : i32
    %dma_start3A_36 = arith.constant 0 : i32
    %dma_start3A_37 = tpu.memref_slice %arg6[%dma_start3A_33, %dma_start3A_35, %dma_start3A_36] : memref<8x100x128xf32, #tpu.memory_space<vmem>> -> memref<1x100x128xf32, #tpu.memory_space<vmem>>
    %dma_start3A_38 = tpu.memref_squeeze %dma_start3A_37 : memref<1x100x128xf32, #tpu.memory_space<vmem>> -> memref<100x128xf32, #tpu.memory_space<vmem>>
    %dma_start3A_39 = arith.constant 0 : i32
    %dma_start3A_40 = tpu.memref_slice %arg5[%dma_start3A_32, %dma_start3A_39] : memref<64x100xi32, #tpu.memory_space<vmem>> -> memref<1x100xi32, #tpu.memory_space<vmem>>
    %dma_start3A_41 = tpu.memref_squeeze %dma_start3A_40 : memref<1x100xi32, #tpu.memory_space<vmem>> -> memref<100xi32, #tpu.memory_space<vmem>>
    %dma_start3A_42 = arith.constant 0 : i32
    %dma_start3A_43 = arith.constant 0 : i32
    %dma_start3A_44 = tpu.memref_slice %arg3[%dma_start3A_42, %dma_start3A_43] : memref<100000x128xf32, #tpu.memory_space<hbm>> -> memref<100000x128xf32, #tpu.memory_space<hbm>>
    %dma_start3A_45 = tpu.memref_slice %arg7[%dma_start3A_34] : memref<8x!tpu.dma_semaphore, #tpu.memory_space<semaphore_mem>> -> memref<1x!tpu.dma_semaphore, #tpu.memory_space<semaphore_mem>>
    %dma_start3A_46 = tpu.memref_squeeze %dma_start3A_45 : memref<1x!tpu.dma_semaphore, #tpu.memory_space<semaphore_mem>> -> memref<!tpu.dma_semaphore, #tpu.memory_space<semaphore_mem>>
    tpu.enqueue_indirect_dma source(%dma_start3A_44 : memref<100000x128xf32, #tpu.memory_space<hbm>>) target(%dma_start3A_38 : memref<100x128xf32, #tpu.memory_space<vmem>>) offsets(%dma_start3A_41 : memref<100xi32, #tpu.memory_space<vmem>>) semaphore(%dma_start3A_46 : memref<!tpu.dma_semaphore, #tpu.memory_space<semaphore_mem>>)
    %dma_start3A_47 = arith.constant 3 : i32
    %dma_start3A_48 = arith.constant 3 : i32
    %dma_start3A_49 = arith.constant 3 : i32
    %dma_start3A_50 = arith.constant 0 : i32
    %dma_start3A_51 = arith.constant 0 : i32
    %dma_start3A_52 = tpu.memref_slice %arg6[%dma_start3A_48, %dma_start3A_50, %dma_start3A_51] : memref<8x100x128xf32, #tpu.memory_space<vmem>> -> memref<1x100x128xf32, #tpu.memory_space<vmem>>
    %dma_start3A_53 = tpu.memref_squeeze %dma_start3A_52 : memref<1x100x128xf32, #tpu.memory_space<vmem>> -> memref<100x128xf32, #tpu.memory_space<vmem>>
    %dma_start3A_54 = arith.constant 0 : i32
    %dma_start3A_55 = tpu.memref_slice %arg5[%dma_start3A_47, %dma_start3A_54] : memref<64x100xi32, #tpu.memory_space<vmem>> -> memref<1x100xi32, #tpu.memory_space<vmem>>
    %dma_start3A_56 = tpu.memref_squeeze %dma_start3A_55 : memref<1x100xi32, #tpu.memory_space<vmem>> -> memref<100xi32, #tpu.memory_space<vmem>>
    %dma_start3A_57 = arith.constant 0 : i32
    %dma_start3A_58 = arith.constant 0 : i32
    %dma_start3A_59 = tpu.memref_slice %arg3[%dma_start3A_57, %dma_start3A_58] : memref<100000x128xf32, #tpu.memory_space<hbm>> -> memref<100000x128xf32, #tpu.memory_space<hbm>>
    %dma_start3A_60 = tpu.memref_slice %arg7[%dma_start3A_49] : memref<8x!tpu.dma_semaphore, #tpu.memory_space<semaphore_mem>> -> memref<1x!tpu.dma_semaphore, #tpu.memory_space<semaphore_mem>>
    %dma_start3A_61 = tpu.memref_squeeze %dma_start3A_60 : memref<1x!tpu.dma_semaphore, #tpu.memory_space<semaphore_mem>> -> memref<!tpu.dma_semaphore, #tpu.memory_space<semaphore_mem>>
    tpu.enqueue_indirect_dma source(%dma_start3A_59 : memref<100000x128xf32, #tpu.memory_space<hbm>>) target(%dma_start3A_53 : memref<100x128xf32, #tpu.memory_space<vmem>>) offsets(%dma_start3A_56 : memref<100xi32, #tpu.memory_space<vmem>>) semaphore(%dma_start3A_61 : memref<!tpu.dma_semaphore, #tpu.memory_space<semaphore_mem>>)
    %dma_start3A_62 = arith.constant 4 : i32
    %dma_start3A_63 = arith.constant 4 : i32
    %dma_start3A_64 = arith.constant 4 : i32
    %dma_start3A_65 = arith.constant 0 : i32
    %dma_start3A_66 = arith.constant 0 : i32
    %dma_start3A_67 = tpu.memref_slice %arg6[%dma_start3A_63, %dma_start3A_65, %dma_start3A_66] : memref<8x100x128xf32, #tpu.memory_space<vmem>> -> memref<1x100x128xf32, #tpu.memory_space<vmem>>
    %dma_start3A_68 = tpu.memref_squeeze %dma_start3A_67 : memref<1x100x128xf32, #tpu.memory_space<vmem>> -> memref<100x128xf32, #tpu.memory_space<vmem>>
    %dma_start3A_69 = arith.constant 0 : i32
    %dma_start3A_70 = tpu.memref_slice %arg5[%dma_start3A_62, %dma_start3A_69] : memref<64x100xi32, #tpu.memory_space<vmem>> -> memref<1x100xi32, #tpu.memory_space<vmem>>
    %dma_start3A_71 = tpu.memref_squeeze %dma_start3A_70 : memref<1x100xi32, #tpu.memory_space<vmem>> -> memref<100xi32, #tpu.memory_space<vmem>>
    %dma_start3A_72 = arith.constant 0 : i32
    %dma_start3A_73 = arith.constant 0 : i32
    %dma_start3A_74 = tpu.memref_slice %arg3[%dma_start3A_72, %dma_start3A_73] : memref<100000x128xf32, #tpu.memory_space<hbm>> -> memref<100000x128xf32, #tpu.memory_space<hbm>>
    %dma_start3A_75 = tpu.memref_slice %arg7[%dma_start3A_64] : memref<8x!tpu.dma_semaphore, #tpu.memory_space<semaphore_mem>> -> memref<1x!tpu.dma_semaphore, #tpu.memory_space<semaphore_mem>>
    %dma_start3A_76 = tpu.memref_squeeze %dma_start3A_75 : memref<1x!tpu.dma_semaphore, #tpu.memory_space<semaphore_mem>> -> memref<!tpu.dma_semaphore, #tpu.memory_space<semaphore_mem>>
    tpu.enqueue_indirect_dma source(%dma_start3A_74 : memref<100000x128xf32, #tpu.memory_space<hbm>>) target(%dma_start3A_68 : memref<100x128xf32, #tpu.memory_space<vmem>>) offsets(%dma_start3A_71 : memref<100xi32, #tpu.memory_space<vmem>>) semaphore(%dma_start3A_76 : memref<!tpu.dma_semaphore, #tpu.memory_space<semaphore_mem>>)
    %dma_start3A_77 = arith.constant 5 : i32
    %dma_start3A_78 = arith.constant 5 : i32
    %dma_start3A_79 = arith.constant 5 : i32
    %dma_start3A_80 = arith.constant 0 : i32
    %dma_start3A_81 = arith.constant 0 : i32
    %dma_start3A_82 = tpu.memref_slice %arg6[%dma_start3A_78, %dma_start3A_80, %dma_start3A_81] : memref<8x100x128xf32, #tpu.memory_space<vmem>> -> memref<1x100x128xf32, #tpu.memory_space<vmem>>
    %dma_start3A_83 = tpu.memref_squeeze %dma_start3A_82 : memref<1x100x128xf32, #tpu.memory_space<vmem>> -> memref<100x128xf32, #tpu.memory_space<vmem>>
    %dma_start3A_84 = arith.constant 0 : i32
    %dma_start3A_85 = tpu.memref_slice %arg5[%dma_start3A_77, %dma_start3A_84] : memref<64x100xi32, #tpu.memory_space<vmem>> -> memref<1x100xi32, #tpu.memory_space<vmem>>
    %dma_start3A_86 = tpu.memref_squeeze %dma_start3A_85 : memref<1x100xi32, #tpu.memory_space<vmem>> -> memref<100xi32, #tpu.memory_space<vmem>>
    %dma_start3A_87 = arith.constant 0 : i32
    %dma_start3A_88 = arith.constant 0 : i32
    %dma_start3A_89 = tpu.memref_slice %arg3[%dma_start3A_87, %dma_start3A_88] : memref<100000x128xf32, #tpu.memory_space<hbm>> -> memref<100000x128xf32, #tpu.memory_space<hbm>>
    %dma_start3A_90 = tpu.memref_slice %arg7[%dma_start3A_79] : memref<8x!tpu.dma_semaphore, #tpu.memory_space<semaphore_mem>> -> memref<1x!tpu.dma_semaphore, #tpu.memory_space<semaphore_mem>>
    %dma_start3A_91 = tpu.memref_squeeze %dma_start3A_90 : memref<1x!tpu.dma_semaphore, #tpu.memory_space<semaphore_mem>> -> memref<!tpu.dma_semaphore, #tpu.memory_space<semaphore_mem>>
    tpu.enqueue_indirect_dma source(%dma_start3A_89 : memref<100000x128xf32, #tpu.memory_space<hbm>>) target(%dma_start3A_83 : memref<100x128xf32, #tpu.memory_space<vmem>>) offsets(%dma_start3A_86 : memref<100xi32, #tpu.memory_space<vmem>>) semaphore(%dma_start3A_91 : memref<!tpu.dma_semaphore, #tpu.memory_space<semaphore_mem>>)
    %dma_start3A_92 = arith.constant 6 : i32
    %dma_start3A_93 = arith.constant 6 : i32
    %dma_start3A_94 = arith.constant 6 : i32
    %dma_start3A_95 = arith.constant 0 : i32
    %dma_start3A_96 = arith.constant 0 : i32
    %dma_start3A_97 = tpu.memref_slice %arg6[%dma_start3A_93, %dma_start3A_95, %dma_start3A_96] : memref<8x100x128xf32, #tpu.memory_space<vmem>> -> memref<1x100x128xf32, #tpu.memory_space<vmem>>
    %dma_start3A_98 = tpu.memref_squeeze %dma_start3A_97 : memref<1x100x128xf32, #tpu.memory_space<vmem>> -> memref<100x128xf32, #tpu.memory_space<vmem>>
    %dma_start3A_99 = arith.constant 0 : i32
    %dma_start3A_100 = tpu.memref_slice %arg5[%dma_start3A_92, %dma_start3A_99] : memref<64x100xi32, #tpu.memory_space<vmem>> -> memref<1x100xi32, #tpu.memory_space<vmem>>
    %dma_start3A_101 = tpu.memref_squeeze %dma_start3A_100 : memref<1x100xi32, #tpu.memory_space<vmem>> -> memref<100xi32, #tpu.memory_space<vmem>>
    %dma_start3A_102 = arith.constant 0 : i32
    %dma_start3A_103 = arith.constant 0 : i32
    %dma_start3A_104 = tpu.memref_slice %arg3[%dma_start3A_102, %dma_start3A_103] : memref<100000x128xf32, #tpu.memory_space<hbm>> -> memref<100000x128xf32, #tpu.memory_space<hbm>>
    %dma_start3A_105 = tpu.memref_slice %arg7[%dma_start3A_94] : memref<8x!tpu.dma_semaphore, #tpu.memory_space<semaphore_mem>> -> memref<1x!tpu.dma_semaphore, #tpu.memory_space<semaphore_mem>>
    %dma_start3A_106 = tpu.memref_squeeze %dma_start3A_105 : memref<1x!tpu.dma_semaphore, #tpu.memory_space<semaphore_mem>> -> memref<!tpu.dma_semaphore, #tpu.memory_space<semaphore_mem>>
    tpu.enqueue_indirect_dma source(%dma_start3A_104 : memref<100000x128xf32, #tpu.memory_space<hbm>>) target(%dma_start3A_98 : memref<100x128xf32, #tpu.memory_space<vmem>>) offsets(%dma_start3A_101 : memref<100xi32, #tpu.memory_space<vmem>>) semaphore(%dma_start3A_106 : memref<!tpu.dma_semaphore, #tpu.memory_space<semaphore_mem>>)
    %dma_start3A_107 = arith.constant 7 : i32
    %dma_start3A_108 = arith.constant 7 : i32
    %dma_start3A_109 = arith.constant 7 : i32
    %dma_start3A_110 = arith.constant 0 : i32
    %dma_start3A_111 = arith.constant 0 : i32
    %dma_start3A_112 = tpu.memref_slice %arg6[%dma_start3A_108, %dma_start3A_110, %dma_start3A_111] : memref<8x100x128xf32, #tpu.memory_space<vmem>> -> memref<1x100x128xf32, #tpu.memory_space<vmem>>
    %dma_start3A_113 = tpu.memref_squeeze %dma_start3A_112 : memref<1x100x128xf32, #tpu.memory_space<vmem>> -> memref<100x128xf32, #tpu.memory_space<vmem>>
    %dma_start3A_114 = arith.constant 0 : i32
    %dma_start3A_115 = tpu.memref_slice %arg5[%dma_start3A_107, %dma_start3A_114] : memref<64x100xi32, #tpu.memory_space<vmem>> -> memref<1x100xi32, #tpu.memory_space<vmem>>
    %dma_start3A_116 = tpu.memref_squeeze %dma_start3A_115 : memref<1x100xi32, #tpu.memory_space<vmem>> -> memref<100xi32, #tpu.memory_space<vmem>>
    %dma_start3A_117 = arith.constant 0 : i32
    %dma_start3A_118 = arith.constant 0 : i32
    %dma_start3A_119 = tpu.memref_slice %arg3[%dma_start3A_117, %dma_start3A_118] : memref<100000x128xf32, #tpu.memory_space<hbm>> -> memref<100000x128xf32, #tpu.memory_space<hbm>>
    %dma_start3A_120 = tpu.memref_slice %arg7[%dma_start3A_109] : memref<8x!tpu.dma_semaphore, #tpu.memory_space<semaphore_mem>> -> memref<1x!tpu.dma_semaphore, #tpu.memory_space<semaphore_mem>>
    %dma_start3A_121 = tpu.memref_squeeze %dma_start3A_120 : memref<1x!tpu.dma_semaphore, #tpu.memory_space<semaphore_mem>> -> memref<!tpu.dma_semaphore, #tpu.memory_space<semaphore_mem>>
    tpu.enqueue_indirect_dma source(%dma_start3A_119 : memref<100000x128xf32, #tpu.memory_space<hbm>>) target(%dma_start3A_113 : memref<100x128xf32, #tpu.memory_space<vmem>>) offsets(%dma_start3A_116 : memref<100xi32, #tpu.memory_space<vmem>>) semaphore(%dma_start3A_121 : memref<!tpu.dma_semaphore, #tpu.memory_space<semaphore_mem>>)
    %scan3A = arith.constant 0 : i32
    %scan3A_122 = arith.constant 0 : i32
    %scan3A_123 = arith.constant 7 : i32
    %scan3A_124 = arith.addi %scan3A_122, %scan3A_123 : i32
    %scan3A_125 = arith.constant 1 : i32
    scf.for %scan3A_309 = %scan3A_122 to %scan3A_124 step %scan3A_125  : i32 {
      %mul3A_310 = arith.constant 8 : i32
      %mul3A_311 = arith.muli %scan3A_309, %mul3A_310 : i32
      %add3A_312 = arith.constant 0 : i32
      %add3A_313 = arith.addi %mul3A_311, %add3A_312 : i32
      %dma_wait3A_314 = arith.constant 0 : i32
      %dma_wait3A_315 = arith.constant 0 : i32
      %dma_wait3A_316 = arith.constant 0 : i32
      %dma_wait3A_317 = arith.constant 0 : i32
      %dma_wait3A_318 = arith.constant 0 : i32
      %dma_wait3A_319 = tpu.memref_slice %arg6[%dma_wait3A_315, %dma_wait3A_317, %dma_wait3A_318] : memref<8x100x128xf32, #tpu.memory_space<vmem>> -> memref<1x100x128xf32, #tpu.memory_space<vmem>>
      %dma_wait3A_320 = tpu.memref_squeeze %dma_wait3A_319 : memref<1x100x128xf32, #tpu.memory_space<vmem>> -> memref<100x128xf32, #tpu.memory_space<vmem>>
      %dma_wait3A_321 = arith.constant 0 : i32
      %dma_wait3A_322 = tpu.memref_slice %arg5[%dma_wait3A_314, %dma_wait3A_321] : memref<64x100xi32, #tpu.memory_space<vmem>> -> memref<1x100xi32, #tpu.memory_space<vmem>>
      %dma_wait3A_323 = tpu.memref_squeeze %dma_wait3A_322 : memref<1x100xi32, #tpu.memory_space<vmem>> -> memref<100xi32, #tpu.memory_space<vmem>>
      %dma_wait3A_324 = arith.constant 0 : i32
      %dma_wait3A_325 = arith.constant 0 : i32
      %dma_wait3A_326 = tpu.memref_slice %arg3[%dma_wait3A_324, %dma_wait3A_325] : memref<100000x128xf32, #tpu.memory_space<hbm>> -> memref<100000x128xf32, #tpu.memory_space<hbm>>
      %dma_wait3A_327 = tpu.memref_slice %arg7[%dma_wait3A_316] : memref<8x!tpu.dma_semaphore, #tpu.memory_space<semaphore_mem>> -> memref<1x!tpu.dma_semaphore, #tpu.memory_space<semaphore_mem>>
      %dma_wait3A_328 = tpu.memref_squeeze %dma_wait3A_327 : memref<1x!tpu.dma_semaphore, #tpu.memory_space<semaphore_mem>> -> memref<!tpu.dma_semaphore, #tpu.memory_space<semaphore_mem>>
      tpu.wait_indirect_dma semaphore(%dma_wait3A_328 : memref<!tpu.dma_semaphore, #tpu.memory_space<semaphore_mem>>) src(%dma_wait3A_326 : memref<100000x128xf32, #tpu.memory_space<hbm>>) dst(%dma_wait3A_320 : memref<100x128xf32, #tpu.memory_space<vmem>>)
      %mul3A_329 = arith.constant 2 : i32
      %mul3A_330 = arith.muli %add3A_313, %mul3A_329 : i32
      %add3A_331 = arith.addi %mul3A_2, %mul3A_330 : i32
      %add3A_332 = arith.constant 0 : i32
      %add3A_333 = arith.addi %add3A_331, %add3A_332 : i32
      %run_scoped3A_334 = arith.constant 0 : i32
      "tpu.region"() ({
        %run_scoped3A_662 = tpu.sem_alloc : memref<!tpu.dma_semaphore, #tpu.memory_space<semaphore_mem>>
        %dma_start3A_663 = arith.constant 0 : i32
        %dma_start3A_664 = arith.constant 0 : i32
        %dma_start3A_665 = tpu.memref_slice %arg6[%run_scoped3A_334, %dma_start3A_663, %dma_start3A_664] : memref<8x100x128xf32, #tpu.memory_space<vmem>> -> memref<1x100x128xf32, #tpu.memory_space<vmem>>
        %dma_start3A_666 = tpu.memref_squeeze %dma_start3A_665 : memref<1x100x128xf32, #tpu.memory_space<vmem>> -> memref<100x128xf32, #tpu.memory_space<vmem>>
        %dma_start3A_667 = arith.constant 0 : i32
        %dma_start3A_668 = arith.constant 0 : i32
        %dma_start3A_669 = tpu.memref_slice %dma_start3A_666[%dma_start3A_667, %dma_start3A_668] : memref<100x128xf32, #tpu.memory_space<vmem>> -> memref<50x128xf32, #tpu.memory_space<vmem>>
        %dma_start3A_670 = arith.constant 0 : i32
        %dma_start3A_671 = arith.constant 0 : i32
        %dma_start3A_672 = tpu.memref_slice %arg4[%add3A_333, %dma_start3A_670, %dma_start3A_671] : memref<4096x50x128xf32, #tpu.memory_space<hbm>> -> memref<1x50x128xf32, #tpu.memory_space<hbm>>
        %dma_start3A_673 = tpu.memref_squeeze %dma_start3A_672 : memref<1x50x128xf32, #tpu.memory_space<hbm>> -> memref<50x128xf32, #tpu.memory_space<hbm>>
        %dma_start3A_674 = arith.constant 0 : i32
        %dma_start3A_675 = arith.constant 0 : i32
        %dma_start3A_676 = tpu.memref_slice %arg4[%add3A_333, %dma_start3A_674, %dma_start3A_675] : memref<4096x50x128xf32, #tpu.memory_space<hbm>> -> memref<1x50x128xf32, #tpu.memory_space<hbm>>
        %dma_start3A_677 = tpu.memref_squeeze %dma_start3A_676 : memref<1x50x128xf32, #tpu.memory_space<hbm>> -> memref<50x128xf32, #tpu.memory_space<hbm>>
        %dma_start3A_678 = arith.constant 0 : i32
        %dma_start3A_679 = arith.constant 0 : i32
        %dma_start3A_680 = tpu.memref_slice %arg6[%run_scoped3A_334, %dma_start3A_678, %dma_start3A_679] : memref<8x100x128xf32, #tpu.memory_space<vmem>> -> memref<1x100x128xf32, #tpu.memory_space<vmem>>
        %dma_start3A_681 = tpu.memref_squeeze %dma_start3A_680 : memref<1x100x128xf32, #tpu.memory_space<vmem>> -> memref<100x128xf32, #tpu.memory_space<vmem>>
        %dma_start3A_682 = arith.constant 0 : i32
        %dma_start3A_683 = arith.constant 0 : i32
        %dma_start3A_684 = tpu.memref_slice %dma_start3A_681[%dma_start3A_682, %dma_start3A_683] : memref<100x128xf32, #tpu.memory_space<vmem>> -> memref<50x128xf32, #tpu.memory_space<vmem>>
        tpu.enqueue_dma source(%dma_start3A_684 : memref<50x128xf32, #tpu.memory_space<vmem>>) target(%dma_start3A_677 : memref<50x128xf32, #tpu.memory_space<hbm>>) target_semaphore(%run_scoped3A_662 : memref<!tpu.dma_semaphore, #tpu.memory_space<semaphore_mem>>)
        %dma_wait3A_685 = arith.constant 0 : i32
        %dma_wait3A_686 = arith.constant 0 : i32
        %dma_wait3A_687 = tpu.memref_slice %arg6[%run_scoped3A_334, %dma_wait3A_685, %dma_wait3A_686] : memref<8x100x128xf32, #tpu.memory_space<vmem>> -> memref<1x100x128xf32, #tpu.memory_space<vmem>>
        %dma_wait3A_688 = tpu.memref_squeeze %dma_wait3A_687 : memref<1x100x128xf32, #tpu.memory_space<vmem>> -> memref<100x128xf32, #tpu.memory_space<vmem>>
        %dma_wait3A_689 = arith.constant 0 : i32
        %dma_wait3A_690 = arith.constant 0 : i32
        %dma_wait3A_691 = tpu.memref_slice %dma_wait3A_688[%dma_wait3A_689, %dma_wait3A_690] : memref<100x128xf32, #tpu.memory_space<vmem>> -> memref<50x128xf32, #tpu.memory_space<vmem>>
        %dma_wait3A_692 = arith.constant 0 : i32
        %dma_wait3A_693 = arith.constant 0 : i32
        %dma_wait3A_694 = tpu.memref_slice %arg4[%add3A_333, %dma_wait3A_692, %dma_wait3A_693] : memref<4096x50x128xf32, #tpu.memory_space<hbm>> -> memref<1x50x128xf32, #tpu.memory_space<hbm>>
        %dma_wait3A_695 = tpu.memref_squeeze %dma_wait3A_694 : memref<1x50x128xf32, #tpu.memory_space<hbm>> -> memref<50x128xf32, #tpu.memory_space<hbm>>
        %dma_wait3A_696 = arith.constant 0 : i32
        %dma_wait3A_697 = arith.constant 0 : i32
        %dma_wait3A_698 = tpu.memref_slice %arg4[%add3A_333, %dma_wait3A_696, %dma_wait3A_697] : memref<4096x50x128xf32, #tpu.memory_space<hbm>> -> memref<1x50x128xf32, #tpu.memory_space<hbm>>
        %dma_wait3A_699 = tpu.memref_squeeze %dma_wait3A_698 : memref<1x50x128xf32, #tpu.memory_space<hbm>> -> memref<50x128xf32, #tpu.memory_space<hbm>>
        %dma_wait3A_700 = arith.constant 0 : i32
        %dma_wait3A_701 = arith.constant 0 : i32
        %dma_wait3A_702 = tpu.memref_slice %arg6[%run_scoped3A_334, %dma_wait3A_700, %dma_wait3A_701] : memref<8x100x128xf32, #tpu.memory_space<vmem>> -> memref<1x100x128xf32, #tpu.memory_space<vmem>>
        %dma_wait3A_703 = tpu.memref_squeeze %dma_wait3A_702 : memref<1x100x128xf32, #tpu.memory_space<vmem>> -> memref<100x128xf32, #tpu.memory_space<vmem>>
        %dma_wait3A_704 = arith.constant 0 : i32
        %dma_wait3A_705 = arith.constant 0 : i32
        %dma_wait3A_706 = tpu.memref_slice %dma_wait3A_703[%dma_wait3A_704, %dma_wait3A_705] : memref<100x128xf32, #tpu.memory_space<vmem>> -> memref<50x128xf32, #tpu.memory_space<vmem>>
        tpu.wait_dma2 semaphore(%run_scoped3A_662 : memref<!tpu.dma_semaphore, #tpu.memory_space<semaphore_mem>>) src(%dma_wait3A_706 : memref<50x128xf32, #tpu.memory_space<vmem>>) dst(%dma_wait3A_699 : memref<50x128xf32, #tpu.memory_space<hbm>>)
        tpu.yield
      }) : () -> ()
      %add3A_335 = arith.constant 1 : i32
      %add3A_336 = arith.addi %add3A_331, %add3A_335 : i32
      %run_scoped3A_337 = arith.constant 0 : i32
      "tpu.region"() ({
        %run_scoped3A_662 = tpu.sem_alloc : memref<!tpu.dma_semaphore, #tpu.memory_space<semaphore_mem>>
        %dma_start3A_663 = arith.constant 0 : i32
        %dma_start3A_664 = arith.constant 0 : i32
        %dma_start3A_665 = tpu.memref_slice %arg6[%run_scoped3A_337, %dma_start3A_663, %dma_start3A_664] : memref<8x100x128xf32, #tpu.memory_space<vmem>> -> memref<1x100x128xf32, #tpu.memory_space<vmem>>
        %dma_start3A_666 = tpu.memref_squeeze %dma_start3A_665 : memref<1x100x128xf32, #tpu.memory_space<vmem>> -> memref<100x128xf32, #tpu.memory_space<vmem>>
        %dma_start3A_667 = arith.constant 50 : i32
        %dma_start3A_668 = arith.constant 0 : i32
        %dma_start3A_669 = tpu.memref_slice %dma_start3A_666[%dma_start3A_667, %dma_start3A_668] : memref<100x128xf32, #tpu.memory_space<vmem>> -> memref<50x128xf32, #tpu.memory_space<vmem>>
        %dma_start3A_670 = arith.constant 0 : i32
        %dma_start3A_671 = arith.constant 0 : i32
        %dma_start3A_672 = tpu.memref_slice %arg4[%add3A_336, %dma_start3A_670, %dma_start3A_671] : memref<4096x50x128xf32, #tpu.memory_space<hbm>> -> memref<1x50x128xf32, #tpu.memory_space<hbm>>
        %dma_start3A_673 = tpu.memref_squeeze %dma_start3A_672 : memref<1x50x128xf32, #tpu.memory_space<hbm>> -> memref<50x128xf32, #tpu.memory_space<hbm>>
        %dma_start3A_674 = arith.constant 0 : i32
        %dma_start3A_675 = arith.constant 0 : i32
        %dma_start3A_676 = tpu.memref_slice %arg4[%add3A_336, %dma_start3A_674, %dma_start3A_675] : memref<4096x50x128xf32, #tpu.memory_space<hbm>> -> memref<1x50x128xf32, #tpu.memory_space<hbm>>
        %dma_start3A_677 = tpu.memref_squeeze %dma_start3A_676 : memref<1x50x128xf32, #tpu.memory_space<hbm>> -> memref<50x128xf32, #tpu.memory_space<hbm>>
        %dma_start3A_678 = arith.constant 0 : i32
        %dma_start3A_679 = arith.constant 0 : i32
        %dma_start3A_680 = tpu.memref_slice %arg6[%run_scoped3A_337, %dma_start3A_678, %dma_start3A_679] : memref<8x100x128xf32, #tpu.memory_space<vmem>> -> memref<1x100x128xf32, #tpu.memory_space<vmem>>
        %dma_start3A_681 = tpu.memref_squeeze %dma_start3A_680 : memref<1x100x128xf32, #tpu.memory_space<vmem>> -> memref<100x128xf32, #tpu.memory_space<vmem>>
        %dma_start3A_682 = arith.constant 50 : i32
        %dma_start3A_683 = arith.constant 0 : i32
        %dma_start3A_684 = tpu.memref_slice %dma_start3A_681[%dma_start3A_682, %dma_start3A_683] : memref<100x128xf32, #tpu.memory_space<vmem>> -> memref<50x128xf32, #tpu.memory_space<vmem>>
        tpu.enqueue_dma source(%dma_start3A_684 : memref<50x128xf32, #tpu.memory_space<vmem>>) target(%dma_start3A_677 : memref<50x128xf32, #tpu.memory_space<hbm>>) target_semaphore(%run_scoped3A_662 : memref<!tpu.dma_semaphore, #tpu.memory_space<semaphore_mem>>)
        %dma_wait3A_685 = arith.constant 0 : i32
        %dma_wait3A_686 = arith.constant 0 : i32
        %dma_wait3A_687 = tpu.memref_slice %arg6[%run_scoped3A_337, %dma_wait3A_685, %dma_wait3A_686] : memref<8x100x128xf32, #tpu.memory_space<vmem>> -> memref<1x100x128xf32, #tpu.memory_space<vmem>>
        %dma_wait3A_688 = tpu.memref_squeeze %dma_wait3A_687 : memref<1x100x128xf32, #tpu.memory_space<vmem>> -> memref<100x128xf32, #tpu.memory_space<vmem>>
        %dma_wait3A_689 = arith.constant 50 : i32
        %dma_wait3A_690 = arith.constant 0 : i32
        %dma_wait3A_691 = tpu.memref_slice %dma_wait3A_688[%dma_wait3A_689, %dma_wait3A_690] : memref<100x128xf32, #tpu.memory_space<vmem>> -> memref<50x128xf32, #tpu.memory_space<vmem>>
        %dma_wait3A_692 = arith.constant 0 : i32
        %dma_wait3A_693 = arith.constant 0 : i32
        %dma_wait3A_694 = tpu.memref_slice %arg4[%add3A_336, %dma_wait3A_692, %dma_wait3A_693] : memref<4096x50x128xf32, #tpu.memory_space<hbm>> -> memref<1x50x128xf32, #tpu.memory_space<hbm>>
        %dma_wait3A_695 = tpu.memref_squeeze %dma_wait3A_694 : memref<1x50x128xf32, #tpu.memory_space<hbm>> -> memref<50x128xf32, #tpu.memory_space<hbm>>
        %dma_wait3A_696 = arith.constant 0 : i32
        %dma_wait3A_697 = arith.constant 0 : i32
        %dma_wait3A_698 = tpu.memref_slice %arg4[%add3A_336, %dma_wait3A_696, %dma_wait3A_697] : memref<4096x50x128xf32, #tpu.memory_space<hbm>> -> memref<1x50x128xf32, #tpu.memory_space<hbm>>
        %dma_wait3A_699 = tpu.memref_squeeze %dma_wait3A_698 : memref<1x50x128xf32, #tpu.memory_space<hbm>> -> memref<50x128xf32, #tpu.memory_space<hbm>>
        %dma_wait3A_700 = arith.constant 0 : i32
        %dma_wait3A_701 = arith.constant 0 : i32
        %dma_wait3A_702 = tpu.memref_slice %arg6[%run_scoped3A_337, %dma_wait3A_700, %dma_wait3A_701] : memref<8x100x128xf32, #tpu.memory_space<vmem>> -> memref<1x100x128xf32, #tpu.memory_space<vmem>>
        %dma_wait3A_703 = tpu.memref_squeeze %dma_wait3A_702 : memref<1x100x128xf32, #tpu.memory_space<vmem>> -> memref<100x128xf32, #tpu.memory_space<vmem>>
        %dma_wait3A_704 = arith.constant 50 : i32
        %dma_wait3A_705 = arith.constant 0 : i32
        %dma_wait3A_706 = tpu.memref_slice %dma_wait3A_703[%dma_wait3A_704, %dma_wait3A_705] : memref<100x128xf32, #tpu.memory_space<vmem>> -> memref<50x128xf32, #tpu.memory_space<vmem>>
        tpu.wait_dma2 semaphore(%run_scoped3A_662 : memref<!tpu.dma_semaphore, #tpu.memory_space<semaphore_mem>>) src(%dma_wait3A_706 : memref<50x128xf32, #tpu.memory_space<vmem>>) dst(%dma_wait3A_699 : memref<50x128xf32, #tpu.memory_space<hbm>>)
        tpu.yield
      }) : () -> ()
      %add3A_338 = arith.constant 8 : i32
      %add3A_339 = arith.addi %add3A_313, %add3A_338 : i32
      %dma_start3A_340 = arith.constant 0 : i32
      %dma_start3A_341 = arith.constant 0 : i32
      %dma_start3A_342 = arith.constant 0 : i32
      %dma_start3A_343 = arith.constant 0 : i32
      %dma_start3A_344 = tpu.memref_slice %arg6[%dma_start3A_340, %dma_start3A_342, %dma_start3A_343] : memref<8x100x128xf32, #tpu.memory_space<vmem>> -> memref<1x100x128xf32, #tpu.memory_space<vmem>>
      %dma_start3A_345 = tpu.memref_squeeze %dma_start3A_344 : memref<1x100x128xf32, #tpu.memory_space<vmem>> -> memref<100x128xf32, #tpu.memory_space<vmem>>
      %dma_start3A_346 = arith.constant 0 : i32
      %dma_start3A_347 = tpu.memref_slice %arg5[%add3A_339, %dma_start3A_346] : memref<64x100xi32, #tpu.memory_space<vmem>> -> memref<1x100xi32, #tpu.memory_space<vmem>>
      %dma_start3A_348 = tpu.memref_squeeze %dma_start3A_347 : memref<1x100xi32, #tpu.memory_space<vmem>> -> memref<100xi32, #tpu.memory_space<vmem>>
      %dma_start3A_349 = arith.constant 0 : i32
      %dma_start3A_350 = arith.constant 0 : i32
      %dma_start3A_351 = tpu.memref_slice %arg3[%dma_start3A_349, %dma_start3A_350] : memref<100000x128xf32, #tpu.memory_space<hbm>> -> memref<100000x128xf32, #tpu.memory_space<hbm>>
      %dma_start3A_352 = tpu.memref_slice %arg7[%dma_start3A_341] : memref<8x!tpu.dma_semaphore, #tpu.memory_space<semaphore_mem>> -> memref<1x!tpu.dma_semaphore, #tpu.memory_space<semaphore_mem>>
      %dma_start3A_353 = tpu.memref_squeeze %dma_start3A_352 : memref<1x!tpu.dma_semaphore, #tpu.memory_space<semaphore_mem>> -> memref<!tpu.dma_semaphore, #tpu.memory_space<semaphore_mem>>
      tpu.enqueue_indirect_dma source(%dma_start3A_351 : memref<100000x128xf32, #tpu.memory_space<hbm>>) target(%dma_start3A_345 : memref<100x128xf32, #tpu.memory_space<vmem>>) offsets(%dma_start3A_348 : memref<100xi32, #tpu.memory_space<vmem>>) semaphore(%dma_start3A_353 : memref<!tpu.dma_semaphore, #tpu.memory_space<semaphore_mem>>)
      %mul3A_354 = arith.constant 8 : i32
      %mul3A_355 = arith.muli %scan3A_309, %mul3A_354 : i32
      %add3A_356 = arith.constant 1 : i32
      %add3A_357 = arith.addi %mul3A_355, %add3A_356 : i32
      %dma_wait3A_358 = arith.constant 0 : i32
      %dma_wait3A_359 = arith.constant 1 : i32
      %dma_wait3A_360 = arith.constant 1 : i32
      %dma_wait3A_361 = arith.constant 0 : i32
      %dma_wait3A_362 = arith.constant 0 : i32
      %dma_wait3A_363 = tpu.memref_slice %arg6[%dma_wait3A_359, %dma_wait3A_361, %dma_wait3A_362] : memref<8x100x128xf32, #tpu.memory_space<vmem>> -> memref<1x100x128xf32, #tpu.memory_space<vmem>>
      %dma_wait3A_364 = tpu.memref_squeeze %dma_wait3A_363 : memref<1x100x128xf32, #tpu.memory_space<vmem>> -> memref<100x128xf32, #tpu.memory_space<vmem>>
      %dma_wait3A_365 = arith.constant 0 : i32
      %dma_wait3A_366 = tpu.memref_slice %arg5[%dma_wait3A_358, %dma_wait3A_365] : memref<64x100xi32, #tpu.memory_space<vmem>> -> memref<1x100xi32, #tpu.memory_space<vmem>>
      %dma_wait3A_367 = tpu.memref_squeeze %dma_wait3A_366 : memref<1x100xi32, #tpu.memory_space<vmem>> -> memref<100xi32, #tpu.memory_space<vmem>>
      %dma_wait3A_368 = arith.constant 0 : i32
      %dma_wait3A_369 = arith.constant 0 : i32
      %dma_wait3A_370 = tpu.memref_slice %arg3[%dma_wait3A_368, %dma_wait3A_369] : memref<100000x128xf32, #tpu.memory_space<hbm>> -> memref<100000x128xf32, #tpu.memory_space<hbm>>
      %dma_wait3A_371 = tpu.memref_slice %arg7[%dma_wait3A_360] : memref<8x!tpu.dma_semaphore, #tpu.memory_space<semaphore_mem>> -> memref<1x!tpu.dma_semaphore, #tpu.memory_space<semaphore_mem>>
      %dma_wait3A_372 = tpu.memref_squeeze %dma_wait3A_371 : memref<1x!tpu.dma_semaphore, #tpu.memory_space<semaphore_mem>> -> memref<!tpu.dma_semaphore, #tpu.memory_space<semaphore_mem>>
      tpu.wait_indirect_dma semaphore(%dma_wait3A_372 : memref<!tpu.dma_semaphore, #tpu.memory_space<semaphore_mem>>) src(%dma_wait3A_370 : memref<100000x128xf32, #tpu.memory_space<hbm>>) dst(%dma_wait3A_364 : memref<100x128xf32, #tpu.memory_space<vmem>>)
      %mul3A_373 = arith.constant 2 : i32
      %mul3A_374 = arith.muli %add3A_357, %mul3A_373 : i32
      %add3A_375 = arith.addi %mul3A_2, %mul3A_374 : i32
      %add3A_376 = arith.constant 0 : i32
      %add3A_377 = arith.addi %add3A_375, %add3A_376 : i32
      %run_scoped3A_378 = arith.constant 1 : i32
      "tpu.region"() ({
        %run_scoped3A_662 = tpu.sem_alloc : memref<!tpu.dma_semaphore, #tpu.memory_space<semaphore_mem>>
        %dma_start3A_663 = arith.constant 0 : i32
        %dma_start3A_664 = arith.constant 0 : i32
        %dma_start3A_665 = tpu.memref_slice %arg6[%run_scoped3A_378, %dma_start3A_663, %dma_start3A_664] : memref<8x100x128xf32, #tpu.memory_space<vmem>> -> memref<1x100x128xf32, #tpu.memory_space<vmem>>
        %dma_start3A_666 = tpu.memref_squeeze %dma_start3A_665 : memref<1x100x128xf32, #tpu.memory_space<vmem>> -> memref<100x128xf32, #tpu.memory_space<vmem>>
        %dma_start3A_667 = arith.constant 0 : i32
        %dma_start3A_668 = arith.constant 0 : i32
        %dma_start3A_669 = tpu.memref_slice %dma_start3A_666[%dma_start3A_667, %dma_start3A_668] : memref<100x128xf32, #tpu.memory_space<vmem>> -> memref<50x128xf32, #tpu.memory_space<vmem>>
        %dma_start3A_670 = arith.constant 0 : i32
        %dma_start3A_671 = arith.constant 0 : i32
        %dma_start3A_672 = tpu.memref_slice %arg4[%add3A_377, %dma_start3A_670, %dma_start3A_671] : memref<4096x50x128xf32, #tpu.memory_space<hbm>> -> memref<1x50x128xf32, #tpu.memory_space<hbm>>
        %dma_start3A_673 = tpu.memref_squeeze %dma_start3A_672 : memref<1x50x128xf32, #tpu.memory_space<hbm>> -> memref<50x128xf32, #tpu.memory_space<hbm>>
        %dma_start3A_674 = arith.constant 0 : i32
        %dma_start3A_675 = arith.constant 0 : i32
        %dma_start3A_676 = tpu.memref_slice %arg4[%add3A_377, %dma_start3A_674, %dma_start3A_675] : memref<4096x50x128xf32, #tpu.memory_space<hbm>> -> memref<1x50x128xf32, #tpu.memory_space<hbm>>
        %dma_start3A_677 = tpu.memref_squeeze %dma_start3A_676 : memref<1x50x128xf32, #tpu.memory_space<hbm>> -> memref<50x128xf32, #tpu.memory_space<hbm>>
        %dma_start3A_678 = arith.constant 0 : i32
        %dma_start3A_679 = arith.constant 0 : i32
        %dma_start3A_680 = tpu.memref_slice %arg6[%run_scoped3A_378, %dma_start3A_678, %dma_start3A_679] : memref<8x100x128xf32, #tpu.memory_space<vmem>> -> memref<1x100x128xf32, #tpu.memory_space<vmem>>
        %dma_start3A_681 = tpu.memref_squeeze %dma_start3A_680 : memref<1x100x128xf32, #tpu.memory_space<vmem>> -> memref<100x128xf32, #tpu.memory_space<vmem>>
        %dma_start3A_682 = arith.constant 0 : i32
        %dma_start3A_683 = arith.constant 0 : i32
        %dma_start3A_684 = tpu.memref_slice %dma_start3A_681[%dma_start3A_682, %dma_start3A_683] : memref<100x128xf32, #tpu.memory_space<vmem>> -> memref<50x128xf32, #tpu.memory_space<vmem>>
        tpu.enqueue_dma source(%dma_start3A_684 : memref<50x128xf32, #tpu.memory_space<vmem>>) target(%dma_start3A_677 : memref<50x128xf32, #tpu.memory_space<hbm>>) target_semaphore(%run_scoped3A_662 : memref<!tpu.dma_semaphore, #tpu.memory_space<semaphore_mem>>)
        %dma_wait3A_685 = arith.constant 0 : i32
        %dma_wait3A_686 = arith.constant 0 : i32
        %dma_wait3A_687 = tpu.memref_slice %arg6[%run_scoped3A_378, %dma_wait3A_685, %dma_wait3A_686] : memref<8x100x128xf32, #tpu.memory_space<vmem>> -> memref<1x100x128xf32, #tpu.memory_space<vmem>>
        %dma_wait3A_688 = tpu.memref_squeeze %dma_wait3A_687 : memref<1x100x128xf32, #tpu.memory_space<vmem>> -> memref<100x128xf32, #tpu.memory_space<vmem>>
        %dma_wait3A_689 = arith.constant 0 : i32
        %dma_wait3A_690 = arith.constant 0 : i32
        %dma_wait3A_691 = tpu.memref_slice %dma_wait3A_688[%dma_wait3A_689, %dma_wait3A_690] : memref<100x128xf32, #tpu.memory_space<vmem>> -> memref<50x128xf32, #tpu.memory_space<vmem>>
        %dma_wait3A_692 = arith.constant 0 : i32
        %dma_wait3A_693 = arith.constant 0 : i32
        %dma_wait3A_694 = tpu.memref_slice %arg4[%add3A_377, %dma_wait3A_692, %dma_wait3A_693] : memref<4096x50x128xf32, #tpu.memory_space<hbm>> -> memref<1x50x128xf32, #tpu.memory_space<hbm>>
        %dma_wait3A_695 = tpu.memref_squeeze %dma_wait3A_694 : memref<1x50x128xf32, #tpu.memory_space<hbm>> -> memref<50x128xf32, #tpu.memory_space<hbm>>
        %dma_wait3A_696 = arith.constant 0 : i32
        %dma_wait3A_697 = arith.constant 0 : i32
        %dma_wait3A_698 = tpu.memref_slice %arg4[%add3A_377, %dma_wait3A_696, %dma_wait3A_697] : memref<4096x50x128xf32, #tpu.memory_space<hbm>> -> memref<1x50x128xf32, #tpu.memory_space<hbm>>
        %dma_wait3A_699 = tpu.memref_squeeze %dma_wait3A_698 : memref<1x50x128xf32, #tpu.memory_space<hbm>> -> memref<50x128xf32, #tpu.memory_space<hbm>>
        %dma_wait3A_700 = arith.constant 0 : i32
        %dma_wait3A_701 = arith.constant 0 : i32
        %dma_wait3A_702 = tpu.memref_slice %arg6[%run_scoped3A_378, %dma_wait3A_700, %dma_wait3A_701] : memref<8x100x128xf32, #tpu.memory_space<vmem>> -> memref<1x100x128xf32, #tpu.memory_space<vmem>>
        %dma_wait3A_703 = tpu.memref_squeeze %dma_wait3A_702 : memref<1x100x128xf32, #tpu.memory_space<vmem>> -> memref<100x128xf32, #tpu.memory_space<vmem>>
        %dma_wait3A_704 = arith.constant 0 : i32
        %dma_wait3A_705 = arith.constant 0 : i32
        %dma_wait3A_706 = tpu.memref_slice %dma_wait3A_703[%dma_wait3A_704, %dma_wait3A_705] : memref<100x128xf32, #tpu.memory_space<vmem>> -> memref<50x128xf32, #tpu.memory_space<vmem>>
        tpu.wait_dma2 semaphore(%run_scoped3A_662 : memref<!tpu.dma_semaphore, #tpu.memory_space<semaphore_mem>>) src(%dma_wait3A_706 : memref<50x128xf32, #tpu.memory_space<vmem>>) dst(%dma_wait3A_699 : memref<50x128xf32, #tpu.memory_space<hbm>>)
        tpu.yield
      }) : () -> ()
      %add3A_379 = arith.constant 1 : i32
      %add3A_380 = arith.addi %add3A_375, %add3A_379 : i32
      %run_scoped3A_381 = arith.constant 1 : i32
      "tpu.region"() ({
        %run_scoped3A_662 = tpu.sem_alloc : memref<!tpu.dma_semaphore, #tpu.memory_space<semaphore_mem>>
        %dma_start3A_663 = arith.constant 0 : i32
        %dma_start3A_664 = arith.constant 0 : i32
        %dma_start3A_665 = tpu.memref_slice %arg6[%run_scoped3A_381, %dma_start3A_663, %dma_start3A_664] : memref<8x100x128xf32, #tpu.memory_space<vmem>> -> memref<1x100x128xf32, #tpu.memory_space<vmem>>
        %dma_start3A_666 = tpu.memref_squeeze %dma_start3A_665 : memref<1x100x128xf32, #tpu.memory_space<vmem>> -> memref<100x128xf32, #tpu.memory_space<vmem>>
        %dma_start3A_667 = arith.constant 50 : i32
        %dma_start3A_668 = arith.constant 0 : i32
        %dma_start3A_669 = tpu.memref_slice %dma_start3A_666[%dma_start3A_667, %dma_start3A_668] : memref<100x128xf32, #tpu.memory_space<vmem>> -> memref<50x128xf32, #tpu.memory_space<vmem>>
        %dma_start3A_670 = arith.constant 0 : i32
        %dma_start3A_671 = arith.constant 0 : i32
        %dma_start3A_672 = tpu.memref_slice %arg4[%add3A_380, %dma_start3A_670, %dma_start3A_671] : memref<4096x50x128xf32, #tpu.memory_space<hbm>> -> memref<1x50x128xf32, #tpu.memory_space<hbm>>
        %dma_start3A_673 = tpu.memref_squeeze %dma_start3A_672 : memref<1x50x128xf32, #tpu.memory_space<hbm>> -> memref<50x128xf32, #tpu.memory_space<hbm>>
        %dma_start3A_674 = arith.constant 0 : i32
        %dma_start3A_675 = arith.constant 0 : i32
        %dma_start3A_676 = tpu.memref_slice %arg4[%add3A_380, %dma_start3A_674, %dma_start3A_675] : memref<4096x50x128xf32, #tpu.memory_space<hbm>> -> memref<1x50x128xf32, #tpu.memory_space<hbm>>
        %dma_start3A_677 = tpu.memref_squeeze %dma_start3A_676 : memref<1x50x128xf32, #tpu.memory_space<hbm>> -> memref<50x128xf32, #tpu.memory_space<hbm>>
        %dma_start3A_678 = arith.constant 0 : i32
        %dma_start3A_679 = arith.constant 0 : i32
        %dma_start3A_680 = tpu.memref_slice %arg6[%run_scoped3A_381, %dma_start3A_678, %dma_start3A_679] : memref<8x100x128xf32, #tpu.memory_space<vmem>> -> memref<1x100x128xf32, #tpu.memory_space<vmem>>
        %dma_start3A_681 = tpu.memref_squeeze %dma_start3A_680 : memref<1x100x128xf32, #tpu.memory_space<vmem>> -> memref<100x128xf32, #tpu.memory_space<vmem>>
        %dma_start3A_682 = arith.constant 50 : i32
        %dma_start3A_683 = arith.constant 0 : i32
        %dma_start3A_684 = tpu.memref_slice %dma_start3A_681[%dma_start3A_682, %dma_start3A_683] : memref<100x128xf32, #tpu.memory_space<vmem>> -> memref<50x128xf32, #tpu.memory_space<vmem>>
        tpu.enqueue_dma source(%dma_start3A_684 : memref<50x128xf32, #tpu.memory_space<vmem>>) target(%dma_start3A_677 : memref<50x128xf32, #tpu.memory_space<hbm>>) target_semaphore(%run_scoped3A_662 : memref<!tpu.dma_semaphore, #tpu.memory_space<semaphore_mem>>)
        %dma_wait3A_685 = arith.constant 0 : i32
        %dma_wait3A_686 = arith.constant 0 : i32
        %dma_wait3A_687 = tpu.memref_slice %arg6[%run_scoped3A_381, %dma_wait3A_685, %dma_wait3A_686] : memref<8x100x128xf32, #tpu.memory_space<vmem>> -> memref<1x100x128xf32, #tpu.memory_space<vmem>>
        %dma_wait3A_688 = tpu.memref_squeeze %dma_wait3A_687 : memref<1x100x128xf32, #tpu.memory_space<vmem>> -> memref<100x128xf32, #tpu.memory_space<vmem>>
        %dma_wait3A_689 = arith.constant 50 : i32
        %dma_wait3A_690 = arith.constant 0 : i32
        %dma_wait3A_691 = tpu.memref_slice %dma_wait3A_688[%dma_wait3A_689, %dma_wait3A_690] : memref<100x128xf32, #tpu.memory_space<vmem>> -> memref<50x128xf32, #tpu.memory_space<vmem>>
        %dma_wait3A_692 = arith.constant 0 : i32
        %dma_wait3A_693 = arith.constant 0 : i32
        %dma_wait3A_694 = tpu.memref_slice %arg4[%add3A_380, %dma_wait3A_692, %dma_wait3A_693] : memref<4096x50x128xf32, #tpu.memory_space<hbm>> -> memref<1x50x128xf32, #tpu.memory_space<hbm>>
        %dma_wait3A_695 = tpu.memref_squeeze %dma_wait3A_694 : memref<1x50x128xf32, #tpu.memory_space<hbm>> -> memref<50x128xf32, #tpu.memory_space<hbm>>
        %dma_wait3A_696 = arith.constant 0 : i32
        %dma_wait3A_697 = arith.constant 0 : i32
        %dma_wait3A_698 = tpu.memref_slice %arg4[%add3A_380, %dma_wait3A_696, %dma_wait3A_697] : memref<4096x50x128xf32, #tpu.memory_space<hbm>> -> memref<1x50x128xf32, #tpu.memory_space<hbm>>
        %dma_wait3A_699 = tpu.memref_squeeze %dma_wait3A_698 : memref<1x50x128xf32, #tpu.memory_space<hbm>> -> memref<50x128xf32, #tpu.memory_space<hbm>>
        %dma_wait3A_700 = arith.constant 0 : i32
        %dma_wait3A_701 = arith.constant 0 : i32
        %dma_wait3A_702 = tpu.memref_slice %arg6[%run_scoped3A_381, %dma_wait3A_700, %dma_wait3A_701] : memref<8x100x128xf32, #tpu.memory_space<vmem>> -> memref<1x100x128xf32, #tpu.memory_space<vmem>>
        %dma_wait3A_703 = tpu.memref_squeeze %dma_wait3A_702 : memref<1x100x128xf32, #tpu.memory_space<vmem>> -> memref<100x128xf32, #tpu.memory_space<vmem>>
        %dma_wait3A_704 = arith.constant 50 : i32
        %dma_wait3A_705 = arith.constant 0 : i32
        %dma_wait3A_706 = tpu.memref_slice %dma_wait3A_703[%dma_wait3A_704, %dma_wait3A_705] : memref<100x128xf32, #tpu.memory_space<vmem>> -> memref<50x128xf32, #tpu.memory_space<vmem>>
        tpu.wait_dma2 semaphore(%run_scoped3A_662 : memref<!tpu.dma_semaphore, #tpu.memory_space<semaphore_mem>>) src(%dma_wait3A_706 : memref<50x128xf32, #tpu.memory_space<vmem>>) dst(%dma_wait3A_699 : memref<50x128xf32, #tpu.memory_space<hbm>>)
        tpu.yield
      }) : () -> ()
      %add3A_382 = arith.constant 8 : i32
      %add3A_383 = arith.addi %add3A_357, %add3A_382 : i32
      %dma_start3A_384 = arith.constant 1 : i32
      %dma_start3A_385 = arith.constant 1 : i32
      %dma_start3A_386 = arith.constant 0 : i32
      %dma_start3A_387 = arith.constant 0 : i32
      %dma_start3A_388 = tpu.memref_slice %arg6[%dma_start3A_384, %dma_start3A_386, %dma_start3A_387] : memref<8x100x128xf32, #tpu.memory_space<vmem>> -> memref<1x100x128xf32, #tpu.memory_space<vmem>>
      %dma_start3A_389 = tpu.memref_squeeze %dma_start3A_388 : memref<1x100x128xf32, #tpu.memory_space<vmem>> -> memref<100x128xf32, #tpu.memory_space<vmem>>
      %dma_start3A_390 = arith.constant 0 : i32
      %dma_start3A_391 = tpu.memref_slice %arg5[%add3A_383, %dma_start3A_390] : memref<64x100xi32, #tpu.memory_space<vmem>> -> memref<1x100xi32, #tpu.memory_space<vmem>>
      %dma_start3A_392 = tpu.memref_squeeze %dma_start3A_391 : memref<1x100xi32, #tpu.memory_space<vmem>> -> memref<100xi32, #tpu.memory_space<vmem>>
      %dma_start3A_393 = arith.constant 0 : i32
      %dma_start3A_394 = arith.constant 0 : i32
      %dma_start3A_395 = tpu.memref_slice %arg3[%dma_start3A_393, %dma_start3A_394] : memref<100000x128xf32, #tpu.memory_space<hbm>> -> memref<100000x128xf32, #tpu.memory_space<hbm>>
      %dma_start3A_396 = tpu.memref_slice %arg7[%dma_start3A_385] : memref<8x!tpu.dma_semaphore, #tpu.memory_space<semaphore_mem>> -> memref<1x!tpu.dma_semaphore, #tpu.memory_space<semaphore_mem>>
      %dma_start3A_397 = tpu.memref_squeeze %dma_start3A_396 : memref<1x!tpu.dma_semaphore, #tpu.memory_space<semaphore_mem>> -> memref<!tpu.dma_semaphore, #tpu.memory_space<semaphore_mem>>
      tpu.enqueue_indirect_dma source(%dma_start3A_395 : memref<100000x128xf32, #tpu.memory_space<hbm>>) target(%dma_start3A_389 : memref<100x128xf32, #tpu.memory_space<vmem>>) offsets(%dma_start3A_392 : memref<100xi32, #tpu.memory_space<vmem>>) semaphore(%dma_start3A_397 : memref<!tpu.dma_semaphore, #tpu.memory_space<semaphore_mem>>)
      %mul3A_398 = arith.constant 8 : i32
      %mul3A_399 = arith.muli %scan3A_309, %mul3A_398 : i32
      %add3A_400 = arith.constant 2 : i32
      %add3A_401 = arith.addi %mul3A_399, %add3A_400 : i32
      %dma_wait3A_402 = arith.constant 0 : i32
      %dma_wait3A_403 = arith.constant 2 : i32
      %dma_wait3A_404 = arith.constant 2 : i32
      %dma_wait3A_405 = arith.constant 0 : i32
      %dma_wait3A_406 = arith.constant 0 : i32
      %dma_wait3A_407 = tpu.memref_slice %arg6[%dma_wait3A_403, %dma_wait3A_405, %dma_wait3A_406] : memref<8x100x128xf32, #tpu.memory_space<vmem>> -> memref<1x100x128xf32, #tpu.memory_space<vmem>>
      %dma_wait3A_408 = tpu.memref_squeeze %dma_wait3A_407 : memref<1x100x128xf32, #tpu.memory_space<vmem>> -> memref<100x128xf32, #tpu.memory_space<vmem>>
      %dma_wait3A_409 = arith.constant 0 : i32
      %dma_wait3A_410 = tpu.memref_slice %arg5[%dma_wait3A_402, %dma_wait3A_409] : memref<64x100xi32, #tpu.memory_space<vmem>> -> memref<1x100xi32, #tpu.memory_space<vmem>>
      %dma_wait3A_411 = tpu.memref_squeeze %dma_wait3A_410 : memref<1x100xi32, #tpu.memory_space<vmem>> -> memref<100xi32, #tpu.memory_space<vmem>>
      %dma_wait3A_412 = arith.constant 0 : i32
      %dma_wait3A_413 = arith.constant 0 : i32
      %dma_wait3A_414 = tpu.memref_slice %arg3[%dma_wait3A_412, %dma_wait3A_413] : memref<100000x128xf32, #tpu.memory_space<hbm>> -> memref<100000x128xf32, #tpu.memory_space<hbm>>
      %dma_wait3A_415 = tpu.memref_slice %arg7[%dma_wait3A_404] : memref<8x!tpu.dma_semaphore, #tpu.memory_space<semaphore_mem>> -> memref<1x!tpu.dma_semaphore, #tpu.memory_space<semaphore_mem>>
      %dma_wait3A_416 = tpu.memref_squeeze %dma_wait3A_415 : memref<1x!tpu.dma_semaphore, #tpu.memory_space<semaphore_mem>> -> memref<!tpu.dma_semaphore, #tpu.memory_space<semaphore_mem>>
      tpu.wait_indirect_dma semaphore(%dma_wait3A_416 : memref<!tpu.dma_semaphore, #tpu.memory_space<semaphore_mem>>) src(%dma_wait3A_414 : memref<100000x128xf32, #tpu.memory_space<hbm>>) dst(%dma_wait3A_408 : memref<100x128xf32, #tpu.memory_space<vmem>>)
      %mul3A_417 = arith.constant 2 : i32
      %mul3A_418 = arith.muli %add3A_401, %mul3A_417 : i32
      %add3A_419 = arith.addi %mul3A_2, %mul3A_418 : i32
      %add3A_420 = arith.constant 0 : i32
      %add3A_421 = arith.addi %add3A_419, %add3A_420 : i32
      %run_scoped3A_422 = arith.constant 2 : i32
      "tpu.region"() ({
        %run_scoped3A_662 = tpu.sem_alloc : memref<!tpu.dma_semaphore, #tpu.memory_space<semaphore_mem>>
        %dma_start3A_663 = arith.constant 0 : i32
        %dma_start3A_664 = arith.constant 0 : i32
        %dma_start3A_665 = tpu.memref_slice %arg6[%run_scoped3A_422, %dma_start3A_663, %dma_start3A_664] : memref<8x100x128xf32, #tpu.memory_space<vmem>> -> memref<1x100x128xf32, #tpu.memory_space<vmem>>
        %dma_start3A_666 = tpu.memref_squeeze %dma_start3A_665 : memref<1x100x128xf32, #tpu.memory_space<vmem>> -> memref<100x128xf32, #tpu.memory_space<vmem>>
        %dma_start3A_667 = arith.constant 0 : i32
        %dma_start3A_668 = arith.constant 0 : i32
        %dma_start3A_669 = tpu.memref_slice %dma_start3A_666[%dma_start3A_667, %dma_start3A_668] : memref<100x128xf32, #tpu.memory_space<vmem>> -> memref<50x128xf32, #tpu.memory_space<vmem>>
        %dma_start3A_670 = arith.constant 0 : i32
        %dma_start3A_671 = arith.constant 0 : i32
        %dma_start3A_672 = tpu.memref_slice %arg4[%add3A_421, %dma_start3A_670, %dma_start3A_671] : memref<4096x50x128xf32, #tpu.memory_space<hbm>> -> memref<1x50x128xf32, #tpu.memory_space<hbm>>
        %dma_start3A_673 = tpu.memref_squeeze %dma_start3A_672 : memref<1x50x128xf32, #tpu.memory_space<hbm>> -> memref<50x128xf32, #tpu.memory_space<hbm>>
        %dma_start3A_674 = arith.constant 0 : i32
        %dma_start3A_675 = arith.constant 0 : i32
        %dma_start3A_676 = tpu.memref_slice %arg4[%add3A_421, %dma_start3A_674, %dma_start3A_675] : memref<4096x50x128xf32, #tpu.memory_space<hbm>> -> memref<1x50x128xf32, #tpu.memory_space<hbm>>
        %dma_start3A_677 = tpu.memref_squeeze %dma_start3A_676 : memref<1x50x128xf32, #tpu.memory_space<hbm>> -> memref<50x128xf32, #tpu.memory_space<hbm>>
        %dma_start3A_678 = arith.constant 0 : i32
        %dma_start3A_679 = arith.constant 0 : i32
        %dma_start3A_680 = tpu.memref_slice %arg6[%run_scoped3A_422, %dma_start3A_678, %dma_start3A_679] : memref<8x100x128xf32, #tpu.memory_space<vmem>> -> memref<1x100x128xf32, #tpu.memory_space<vmem>>
        %dma_start3A_681 = tpu.memref_squeeze %dma_start3A_680 : memref<1x100x128xf32, #tpu.memory_space<vmem>> -> memref<100x128xf32, #tpu.memory_space<vmem>>
        %dma_start3A_682 = arith.constant 0 : i32
        %dma_start3A_683 = arith.constant 0 : i32
        %dma_start3A_684 = tpu.memref_slice %dma_start3A_681[%dma_start3A_682, %dma_start3A_683] : memref<100x128xf32, #tpu.memory_space<vmem>> -> memref<50x128xf32, #tpu.memory_space<vmem>>
        tpu.enqueue_dma source(%dma_start3A_684 : memref<50x128xf32, #tpu.memory_space<vmem>>) target(%dma_start3A_677 : memref<50x128xf32, #tpu.memory_space<hbm>>) target_semaphore(%run_scoped3A_662 : memref<!tpu.dma_semaphore, #tpu.memory_space<semaphore_mem>>)
        %dma_wait3A_685 = arith.constant 0 : i32
        %dma_wait3A_686 = arith.constant 0 : i32
        %dma_wait3A_687 = tpu.memref_slice %arg6[%run_scoped3A_422, %dma_wait3A_685, %dma_wait3A_686] : memref<8x100x128xf32, #tpu.memory_space<vmem>> -> memref<1x100x128xf32, #tpu.memory_space<vmem>>
        %dma_wait3A_688 = tpu.memref_squeeze %dma_wait3A_687 : memref<1x100x128xf32, #tpu.memory_space<vmem>> -> memref<100x128xf32, #tpu.memory_space<vmem>>
        %dma_wait3A_689 = arith.constant 0 : i32
        %dma_wait3A_690 = arith.constant 0 : i32
        %dma_wait3A_691 = tpu.memref_slice %dma_wait3A_688[%dma_wait3A_689, %dma_wait3A_690] : memref<100x128xf32, #tpu.memory_space<vmem>> -> memref<50x128xf32, #tpu.memory_space<vmem>>
        %dma_wait3A_692 = arith.constant 0 : i32
        %dma_wait3A_693 = arith.constant 0 : i32
        %dma_wait3A_694 = tpu.memref_slice %arg4[%add3A_421, %dma_wait3A_692, %dma_wait3A_693] : memref<4096x50x128xf32, #tpu.memory_space<hbm>> -> memref<1x50x128xf32, #tpu.memory_space<hbm>>
        %dma_wait3A_695 = tpu.memref_squeeze %dma_wait3A_694 : memref<1x50x128xf32, #tpu.memory_space<hbm>> -> memref<50x128xf32, #tpu.memory_space<hbm>>
        %dma_wait3A_696 = arith.constant 0 : i32
        %dma_wait3A_697 = arith.constant 0 : i32
        %dma_wait3A_698 = tpu.memref_slice %arg4[%add3A_421, %dma_wait3A_696, %dma_wait3A_697] : memref<4096x50x128xf32, #tpu.memory_space<hbm>> -> memref<1x50x128xf32, #tpu.memory_space<hbm>>
        %dma_wait3A_699 = tpu.memref_squeeze %dma_wait3A_698 : memref<1x50x128xf32, #tpu.memory_space<hbm>> -> memref<50x128xf32, #tpu.memory_space<hbm>>
        %dma_wait3A_700 = arith.constant 0 : i32
        %dma_wait3A_701 = arith.constant 0 : i32
        %dma_wait3A_702 = tpu.memref_slice %arg6[%run_scoped3A_422, %dma_wait3A_700, %dma_wait3A_701] : memref<8x100x128xf32, #tpu.memory_space<vmem>> -> memref<1x100x128xf32, #tpu.memory_space<vmem>>
        %dma_wait3A_703 = tpu.memref_squeeze %dma_wait3A_702 : memref<1x100x128xf32, #tpu.memory_space<vmem>> -> memref<100x128xf32, #tpu.memory_space<vmem>>
        %dma_wait3A_704 = arith.constant 0 : i32
        %dma_wait3A_705 = arith.constant 0 : i32
        %dma_wait3A_706 = tpu.memref_slice %dma_wait3A_703[%dma_wait3A_704, %dma_wait3A_705] : memref<100x128xf32, #tpu.memory_space<vmem>> -> memref<50x128xf32, #tpu.memory_space<vmem>>
        tpu.wait_dma2 semaphore(%run_scoped3A_662 : memref<!tpu.dma_semaphore, #tpu.memory_space<semaphore_mem>>) src(%dma_wait3A_706 : memref<50x128xf32, #tpu.memory_space<vmem>>) dst(%dma_wait3A_699 : memref<50x128xf32, #tpu.memory_space<hbm>>)
        tpu.yield
      }) : () -> ()
      %add3A_423 = arith.constant 1 : i32
      %add3A_424 = arith.addi %add3A_419, %add3A_423 : i32
      %run_scoped3A_425 = arith.constant 2 : i32
      "tpu.region"() ({
        %run_scoped3A_662 = tpu.sem_alloc : memref<!tpu.dma_semaphore, #tpu.memory_space<semaphore_mem>>
        %dma_start3A_663 = arith.constant 0 : i32
        %dma_start3A_664 = arith.constant 0 : i32
        %dma_start3A_665 = tpu.memref_slice %arg6[%run_scoped3A_425, %dma_start3A_663, %dma_start3A_664] : memref<8x100x128xf32, #tpu.memory_space<vmem>> -> memref<1x100x128xf32, #tpu.memory_space<vmem>>
        %dma_start3A_666 = tpu.memref_squeeze %dma_start3A_665 : memref<1x100x128xf32, #tpu.memory_space<vmem>> -> memref<100x128xf32, #tpu.memory_space<vmem>>
        %dma_start3A_667 = arith.constant 50 : i32
        %dma_start3A_668 = arith.constant 0 : i32
        %dma_start3A_669 = tpu.memref_slice %dma_start3A_666[%dma_start3A_667, %dma_start3A_668] : memref<100x128xf32, #tpu.memory_space<vmem>> -> memref<50x128xf32, #tpu.memory_space<vmem>>
        %dma_start3A_670 = arith.constant 0 : i32
        %dma_start3A_671 = arith.constant 0 : i32
        %dma_start3A_672 = tpu.memref_slice %arg4[%add3A_424, %dma_start3A_670, %dma_start3A_671] : memref<4096x50x128xf32, #tpu.memory_space<hbm>> -> memref<1x50x128xf32, #tpu.memory_space<hbm>>
        %dma_start3A_673 = tpu.memref_squeeze %dma_start3A_672 : memref<1x50x128xf32, #tpu.memory_space<hbm>> -> memref<50x128xf32, #tpu.memory_space<hbm>>
        %dma_start3A_674 = arith.constant 0 : i32
        %dma_start3A_675 = arith.constant 0 : i32
        %dma_start3A_676 = tpu.memref_slice %arg4[%add3A_424, %dma_start3A_674, %dma_start3A_675] : memref<4096x50x128xf32, #tpu.memory_space<hbm>> -> memref<1x50x128xf32, #tpu.memory_space<hbm>>
        %dma_start3A_677 = tpu.memref_squeeze %dma_start3A_676 : memref<1x50x128xf32, #tpu.memory_space<hbm>> -> memref<50x128xf32, #tpu.memory_space<hbm>>
        %dma_start3A_678 = arith.constant 0 : i32
        %dma_start3A_679 = arith.constant 0 : i32
        %dma_start3A_680 = tpu.memref_slice %arg6[%run_scoped3A_425, %dma_start3A_678, %dma_start3A_679] : memref<8x100x128xf32, #tpu.memory_space<vmem>> -> memref<1x100x128xf32, #tpu.memory_space<vmem>>
        %dma_start3A_681 = tpu.memref_squeeze %dma_start3A_680 : memref<1x100x128xf32, #tpu.memory_space<vmem>> -> memref<100x128xf32, #tpu.memory_space<vmem>>
        %dma_start3A_682 = arith.constant 50 : i32
        %dma_start3A_683 = arith.constant 0 : i32
        %dma_start3A_684 = tpu.memref_slice %dma_start3A_681[%dma_start3A_682, %dma_start3A_683] : memref<100x128xf32, #tpu.memory_space<vmem>> -> memref<50x128xf32, #tpu.memory_space<vmem>>
        tpu.enqueue_dma source(%dma_start3A_684 : memref<50x128xf32, #tpu.memory_space<vmem>>) target(%dma_start3A_677 : memref<50x128xf32, #tpu.memory_space<hbm>>) target_semaphore(%run_scoped3A_662 : memref<!tpu.dma_semaphore, #tpu.memory_space<semaphore_mem>>)
        %dma_wait3A_685 = arith.constant 0 : i32
        %dma_wait3A_686 = arith.constant 0 : i32
        %dma_wait3A_687 = tpu.memref_slice %arg6[%run_scoped3A_425, %dma_wait3A_685, %dma_wait3A_686] : memref<8x100x128xf32, #tpu.memory_space<vmem>> -> memref<1x100x128xf32, #tpu.memory_space<vmem>>
        %dma_wait3A_688 = tpu.memref_squeeze %dma_wait3A_687 : memref<1x100x128xf32, #tpu.memory_space<vmem>> -> memref<100x128xf32, #tpu.memory_space<vmem>>
        %dma_wait3A_689 = arith.constant 50 : i32
        %dma_wait3A_690 = arith.constant 0 : i32
        %dma_wait3A_691 = tpu.memref_slice %dma_wait3A_688[%dma_wait3A_689, %dma_wait3A_690] : memref<100x128xf32, #tpu.memory_space<vmem>> -> memref<50x128xf32, #tpu.memory_space<vmem>>
        %dma_wait3A_692 = arith.constant 0 : i32
        %dma_wait3A_693 = arith.constant 0 : i32
        %dma_wait3A_694 = tpu.memref_slice %arg4[%add3A_424, %dma_wait3A_692, %dma_wait3A_693] : memref<4096x50x128xf32, #tpu.memory_space<hbm>> -> memref<1x50x128xf32, #tpu.memory_space<hbm>>
        %dma_wait3A_695 = tpu.memref_squeeze %dma_wait3A_694 : memref<1x50x128xf32, #tpu.memory_space<hbm>> -> memref<50x128xf32, #tpu.memory_space<hbm>>
        %dma_wait3A_696 = arith.constant 0 : i32
        %dma_wait3A_697 = arith.constant 0 : i32
        %dma_wait3A_698 = tpu.memref_slice %arg4[%add3A_424, %dma_wait3A_696, %dma_wait3A_697] : memref<4096x50x128xf32, #tpu.memory_space<hbm>> -> memref<1x50x128xf32, #tpu.memory_space<hbm>>
        %dma_wait3A_699 = tpu.memref_squeeze %dma_wait3A_698 : memref<1x50x128xf32, #tpu.memory_space<hbm>> -> memref<50x128xf32, #tpu.memory_space<hbm>>
        %dma_wait3A_700 = arith.constant 0 : i32
        %dma_wait3A_701 = arith.constant 0 : i32
        %dma_wait3A_702 = tpu.memref_slice %arg6[%run_scoped3A_425, %dma_wait3A_700, %dma_wait3A_701] : memref<8x100x128xf32, #tpu.memory_space<vmem>> -> memref<1x100x128xf32, #tpu.memory_space<vmem>>
        %dma_wait3A_703 = tpu.memref_squeeze %dma_wait3A_702 : memref<1x100x128xf32, #tpu.memory_space<vmem>> -> memref<100x128xf32, #tpu.memory_space<vmem>>
        %dma_wait3A_704 = arith.constant 50 : i32
        %dma_wait3A_705 = arith.constant 0 : i32
        %dma_wait3A_706 = tpu.memref_slice %dma_wait3A_703[%dma_wait3A_704, %dma_wait3A_705] : memref<100x128xf32, #tpu.memory_space<vmem>> -> memref<50x128xf32, #tpu.memory_space<vmem>>
        tpu.wait_dma2 semaphore(%run_scoped3A_662 : memref<!tpu.dma_semaphore, #tpu.memory_space<semaphore_mem>>) src(%dma_wait3A_706 : memref<50x128xf32, #tpu.memory_space<vmem>>) dst(%dma_wait3A_699 : memref<50x128xf32, #tpu.memory_space<hbm>>)
        tpu.yield
      }) : () -> ()
      %add3A_426 = arith.constant 8 : i32
      %add3A_427 = arith.addi %add3A_401, %add3A_426 : i32
      %dma_start3A_428 = arith.constant 2 : i32
      %dma_start3A_429 = arith.constant 2 : i32
      %dma_start3A_430 = arith.constant 0 : i32
      %dma_start3A_431 = arith.constant 0 : i32
      %dma_start3A_432 = tpu.memref_slice %arg6[%dma_start3A_428, %dma_start3A_430, %dma_start3A_431] : memref<8x100x128xf32, #tpu.memory_space<vmem>> -> memref<1x100x128xf32, #tpu.memory_space<vmem>>
      %dma_start3A_433 = tpu.memref_squeeze %dma_start3A_432 : memref<1x100x128xf32, #tpu.memory_space<vmem>> -> memref<100x128xf32, #tpu.memory_space<vmem>>
      %dma_start3A_434 = arith.constant 0 : i32
      %dma_start3A_435 = tpu.memref_slice %arg5[%add3A_427, %dma_start3A_434] : memref<64x100xi32, #tpu.memory_space<vmem>> -> memref<1x100xi32, #tpu.memory_space<vmem>>
      %dma_start3A_436 = tpu.memref_squeeze %dma_start3A_435 : memref<1x100xi32, #tpu.memory_space<vmem>> -> memref<100xi32, #tpu.memory_space<vmem>>
      %dma_start3A_437 = arith.constant 0 : i32
      %dma_start3A_438 = arith.constant 0 : i32
      %dma_start3A_439 = tpu.memref_slice %arg3[%dma_start3A_437, %dma_start3A_438] : memref<100000x128xf32, #tpu.memory_space<hbm>> -> memref<100000x128xf32, #tpu.memory_space<hbm>>
      %dma_start3A_440 = tpu.memref_slice %arg7[%dma_start3A_429] : memref<8x!tpu.dma_semaphore, #tpu.memory_space<semaphore_mem>> -> memref<1x!tpu.dma_semaphore, #tpu.memory_space<semaphore_mem>>
      %dma_start3A_441 = tpu.memref_squeeze %dma_start3A_440 : memref<1x!tpu.dma_semaphore, #tpu.memory_space<semaphore_mem>> -> memref<!tpu.dma_semaphore, #tpu.memory_space<semaphore_mem>>
      tpu.enqueue_indirect_dma source(%dma_start3A_439 : memref<100000x128xf32, #tpu.memory_space<hbm>>) target(%dma_start3A_433 : memref<100x128xf32, #tpu.memory_space<vmem>>) offsets(%dma_start3A_436 : memref<100xi32, #tpu.memory_space<vmem>>) semaphore(%dma_start3A_441 : memref<!tpu.dma_semaphore, #tpu.memory_space<semaphore_mem>>)
      %mul3A_442 = arith.constant 8 : i32
      %mul3A_443 = arith.muli %scan3A_309, %mul3A_442 : i32
      %add3A_444 = arith.constant 3 : i32
      %add3A_445 = arith.addi %mul3A_443, %add3A_444 : i32
      %dma_wait3A_446 = arith.constant 0 : i32
      %dma_wait3A_447 = arith.constant 3 : i32
      %dma_wait3A_448 = arith.constant 3 : i32
      %dma_wait3A_449 = arith.constant 0 : i32
      %dma_wait3A_450 = arith.constant 0 : i32
      %dma_wait3A_451 = tpu.memref_slice %arg6[%dma_wait3A_447, %dma_wait3A_449, %dma_wait3A_450] : memref<8x100x128xf32, #tpu.memory_space<vmem>> -> memref<1x100x128xf32, #tpu.memory_space<vmem>>
      %dma_wait3A_452 = tpu.memref_squeeze %dma_wait3A_451 : memref<1x100x128xf32, #tpu.memory_space<vmem>> -> memref<100x128xf32, #tpu.memory_space<vmem>>
      %dma_wait3A_453 = arith.constant 0 : i32
      %dma_wait3A_454 = tpu.memref_slice %arg5[%dma_wait3A_446, %dma_wait3A_453] : memref<64x100xi32, #tpu.memory_space<vmem>> -> memref<1x100xi32, #tpu.memory_space<vmem>>
      %dma_wait3A_455 = tpu.memref_squeeze %dma_wait3A_454 : memref<1x100xi32, #tpu.memory_space<vmem>> -> memref<100xi32, #tpu.memory_space<vmem>>
      %dma_wait3A_456 = arith.constant 0 : i32
      %dma_wait3A_457 = arith.constant 0 : i32
      %dma_wait3A_458 = tpu.memref_slice %arg3[%dma_wait3A_456, %dma_wait3A_457] : memref<100000x128xf32, #tpu.memory_space<hbm>> -> memref<100000x128xf32, #tpu.memory_space<hbm>>
      %dma_wait3A_459 = tpu.memref_slice %arg7[%dma_wait3A_448] : memref<8x!tpu.dma_semaphore, #tpu.memory_space<semaphore_mem>> -> memref<1x!tpu.dma_semaphore, #tpu.memory_space<semaphore_mem>>
      %dma_wait3A_460 = tpu.memref_squeeze %dma_wait3A_459 : memref<1x!tpu.dma_semaphore, #tpu.memory_space<semaphore_mem>> -> memref<!tpu.dma_semaphore, #tpu.memory_space<semaphore_mem>>
      tpu.wait_indirect_dma semaphore(%dma_wait3A_460 : memref<!tpu.dma_semaphore, #tpu.memory_space<semaphore_mem>>) src(%dma_wait3A_458 : memref<100000x128xf32, #tpu.memory_space<hbm>>) dst(%dma_wait3A_452 : memref<100x128xf32, #tpu.memory_space<vmem>>)
      %mul3A_461 = arith.constant 2 : i32
      %mul3A_462 = arith.muli %add3A_445, %mul3A_461 : i32
      %add3A_463 = arith.addi %mul3A_2, %mul3A_462 : i32
      %add3A_464 = arith.constant 0 : i32
      %add3A_465 = arith.addi %add3A_463, %add3A_464 : i32
      %run_scoped3A_466 = arith.constant 3 : i32
      "tpu.region"() ({
        %run_scoped3A_662 = tpu.sem_alloc : memref<!tpu.dma_semaphore, #tpu.memory_space<semaphore_mem>>
        %dma_start3A_663 = arith.constant 0 : i32
        %dma_start3A_664 = arith.constant 0 : i32
        %dma_start3A_665 = tpu.memref_slice %arg6[%run_scoped3A_466, %dma_start3A_663, %dma_start3A_664] : memref<8x100x128xf32, #tpu.memory_space<vmem>> -> memref<1x100x128xf32, #tpu.memory_space<vmem>>
        %dma_start3A_666 = tpu.memref_squeeze %dma_start3A_665 : memref<1x100x128xf32, #tpu.memory_space<vmem>> -> memref<100x128xf32, #tpu.memory_space<vmem>>
        %dma_start3A_667 = arith.constant 0 : i32
        %dma_start3A_668 = arith.constant 0 : i32
        %dma_start3A_669 = tpu.memref_slice %dma_start3A_666[%dma_start3A_667, %dma_start3A_668] : memref<100x128xf32, #tpu.memory_space<vmem>> -> memref<50x128xf32, #tpu.memory_space<vmem>>
        %dma_start3A_670 = arith.constant 0 : i32
        %dma_start3A_671 = arith.constant 0 : i32
        %dma_start3A_672 = tpu.memref_slice %arg4[%add3A_465, %dma_start3A_670, %dma_start3A_671] : memref<4096x50x128xf32, #tpu.memory_space<hbm>> -> memref<1x50x128xf32, #tpu.memory_space<hbm>>
        %dma_start3A_673 = tpu.memref_squeeze %dma_start3A_672 : memref<1x50x128xf32, #tpu.memory_space<hbm>> -> memref<50x128xf32, #tpu.memory_space<hbm>>
        %dma_start3A_674 = arith.constant 0 : i32
        %dma_start3A_675 = arith.constant 0 : i32
        %dma_start3A_676 = tpu.memref_slice %arg4[%add3A_465, %dma_start3A_674, %dma_start3A_675] : memref<4096x50x128xf32, #tpu.memory_space<hbm>> -> memref<1x50x128xf32, #tpu.memory_space<hbm>>
        %dma_start3A_677 = tpu.memref_squeeze %dma_start3A_676 : memref<1x50x128xf32, #tpu.memory_space<hbm>> -> memref<50x128xf32, #tpu.memory_space<hbm>>
        %dma_start3A_678 = arith.constant 0 : i32
        %dma_start3A_679 = arith.constant 0 : i32
        %dma_start3A_680 = tpu.memref_slice %arg6[%run_scoped3A_466, %dma_start3A_678, %dma_start3A_679] : memref<8x100x128xf32, #tpu.memory_space<vmem>> -> memref<1x100x128xf32, #tpu.memory_space<vmem>>
        %dma_start3A_681 = tpu.memref_squeeze %dma_start3A_680 : memref<1x100x128xf32, #tpu.memory_space<vmem>> -> memref<100x128xf32, #tpu.memory_space<vmem>>
        %dma_start3A_682 = arith.constant 0 : i32
        %dma_start3A_683 = arith.constant 0 : i32
        %dma_start3A_684 = tpu.memref_slice %dma_start3A_681[%dma_start3A_682, %dma_start3A_683] : memref<100x128xf32, #tpu.memory_space<vmem>> -> memref<50x128xf32, #tpu.memory_space<vmem>>
        tpu.enqueue_dma source(%dma_start3A_684 : memref<50x128xf32, #tpu.memory_space<vmem>>) target(%dma_start3A_677 : memref<50x128xf32, #tpu.memory_space<hbm>>) target_semaphore(%run_scoped3A_662 : memref<!tpu.dma_semaphore, #tpu.memory_space<semaphore_mem>>)
        %dma_wait3A_685 = arith.constant 0 : i32
        %dma_wait3A_686 = arith.constant 0 : i32
        %dma_wait3A_687 = tpu.memref_slice %arg6[%run_scoped3A_466, %dma_wait3A_685, %dma_wait3A_686] : memref<8x100x128xf32, #tpu.memory_space<vmem>> -> memref<1x100x128xf32, #tpu.memory_space<vmem>>
        %dma_wait3A_688 = tpu.memref_squeeze %dma_wait3A_687 : memref<1x100x128xf32, #tpu.memory_space<vmem>> -> memref<100x128xf32, #tpu.memory_space<vmem>>
        %dma_wait3A_689 = arith.constant 0 : i32
        %dma_wait3A_690 = arith.constant 0 : i32
        %dma_wait3A_691 = tpu.memref_slice %dma_wait3A_688[%dma_wait3A_689, %dma_wait3A_690] : memref<100x128xf32, #tpu.memory_space<vmem>> -> memref<50x128xf32, #tpu.memory_space<vmem>>
        %dma_wait3A_692 = arith.constant 0 : i32
        %dma_wait3A_693 = arith.constant 0 : i32
        %dma_wait3A_694 = tpu.memref_slice %arg4[%add3A_465, %dma_wait3A_692, %dma_wait3A_693] : memref<4096x50x128xf32, #tpu.memory_space<hbm>> -> memref<1x50x128xf32, #tpu.memory_space<hbm>>
        %dma_wait3A_695 = tpu.memref_squeeze %dma_wait3A_694 : memref<1x50x128xf32, #tpu.memory_space<hbm>> -> memref<50x128xf32, #tpu.memory_space<hbm>>
        %dma_wait3A_696 = arith.constant 0 : i32
        %dma_wait3A_697 = arith.constant 0 : i32
        %dma_wait3A_698 = tpu.memref_slice %arg4[%add3A_465, %dma_wait3A_696, %dma_wait3A_697] : memref<4096x50x128xf32, #tpu.memory_space<hbm>> -> memref<1x50x128xf32, #tpu.memory_space<hbm>>
        %dma_wait3A_699 = tpu.memref_squeeze %dma_wait3A_698 : memref<1x50x128xf32, #tpu.memory_space<hbm>> -> memref<50x128xf32, #tpu.memory_space<hbm>>
        %dma_wait3A_700 = arith.constant 0 : i32
        %dma_wait3A_701 = arith.constant 0 : i32
        %dma_wait3A_702 = tpu.memref_slice %arg6[%run_scoped3A_466, %dma_wait3A_700, %dma_wait3A_701] : memref<8x100x128xf32, #tpu.memory_space<vmem>> -> memref<1x100x128xf32, #tpu.memory_space<vmem>>
        %dma_wait3A_703 = tpu.memref_squeeze %dma_wait3A_702 : memref<1x100x128xf32, #tpu.memory_space<vmem>> -> memref<100x128xf32, #tpu.memory_space<vmem>>
        %dma_wait3A_704 = arith.constant 0 : i32
        %dma_wait3A_705 = arith.constant 0 : i32
        %dma_wait3A_706 = tpu.memref_slice %dma_wait3A_703[%dma_wait3A_704, %dma_wait3A_705] : memref<100x128xf32, #tpu.memory_space<vmem>> -> memref<50x128xf32, #tpu.memory_space<vmem>>
        tpu.wait_dma2 semaphore(%run_scoped3A_662 : memref<!tpu.dma_semaphore, #tpu.memory_space<semaphore_mem>>) src(%dma_wait3A_706 : memref<50x128xf32, #tpu.memory_space<vmem>>) dst(%dma_wait3A_699 : memref<50x128xf32, #tpu.memory_space<hbm>>)
        tpu.yield
      }) : () -> ()
      %add3A_467 = arith.constant 1 : i32
      %add3A_468 = arith.addi %add3A_463, %add3A_467 : i32
      %run_scoped3A_469 = arith.constant 3 : i32
      "tpu.region"() ({
        %run_scoped3A_662 = tpu.sem_alloc : memref<!tpu.dma_semaphore, #tpu.memory_space<semaphore_mem>>
        %dma_start3A_663 = arith.constant 0 : i32
        %dma_start3A_664 = arith.constant 0 : i32
        %dma_start3A_665 = tpu.memref_slice %arg6[%run_scoped3A_469, %dma_start3A_663, %dma_start3A_664] : memref<8x100x128xf32, #tpu.memory_space<vmem>> -> memref<1x100x128xf32, #tpu.memory_space<vmem>>
        %dma_start3A_666 = tpu.memref_squeeze %dma_start3A_665 : memref<1x100x128xf32, #tpu.memory_space<vmem>> -> memref<100x128xf32, #tpu.memory_space<vmem>>
        %dma_start3A_667 = arith.constant 50 : i32
        %dma_start3A_668 = arith.constant 0 : i32
        %dma_start3A_669 = tpu.memref_slice %dma_start3A_666[%dma_start3A_667, %dma_start3A_668] : memref<100x128xf32, #tpu.memory_space<vmem>> -> memref<50x128xf32, #tpu.memory_space<vmem>>
        %dma_start3A_670 = arith.constant 0 : i32
        %dma_start3A_671 = arith.constant 0 : i32
        %dma_start3A_672 = tpu.memref_slice %arg4[%add3A_468, %dma_start3A_670, %dma_start3A_671] : memref<4096x50x128xf32, #tpu.memory_space<hbm>> -> memref<1x50x128xf32, #tpu.memory_space<hbm>>
        %dma_start3A_673 = tpu.memref_squeeze %dma_start3A_672 : memref<1x50x128xf32, #tpu.memory_space<hbm>> -> memref<50x128xf32, #tpu.memory_space<hbm>>
        %dma_start3A_674 = arith.constant 0 : i32
        %dma_start3A_675 = arith.constant 0 : i32
        %dma_start3A_676 = tpu.memref_slice %arg4[%add3A_468, %dma_start3A_674, %dma_start3A_675] : memref<4096x50x128xf32, #tpu.memory_space<hbm>> -> memref<1x50x128xf32, #tpu.memory_space<hbm>>
        %dma_start3A_677 = tpu.memref_squeeze %dma_start3A_676 : memref<1x50x128xf32, #tpu.memory_space<hbm>> -> memref<50x128xf32, #tpu.memory_space<hbm>>
        %dma_start3A_678 = arith.constant 0 : i32
        %dma_start3A_679 = arith.constant 0 : i32
        %dma_start3A_680 = tpu.memref_slice %arg6[%run_scoped3A_469, %dma_start3A_678, %dma_start3A_679] : memref<8x100x128xf32, #tpu.memory_space<vmem>> -> memref<1x100x128xf32, #tpu.memory_space<vmem>>
        %dma_start3A_681 = tpu.memref_squeeze %dma_start3A_680 : memref<1x100x128xf32, #tpu.memory_space<vmem>> -> memref<100x128xf32, #tpu.memory_space<vmem>>
        %dma_start3A_682 = arith.constant 50 : i32
        %dma_start3A_683 = arith.constant 0 : i32
        %dma_start3A_684 = tpu.memref_slice %dma_start3A_681[%dma_start3A_682, %dma_start3A_683] : memref<100x128xf32, #tpu.memory_space<vmem>> -> memref<50x128xf32, #tpu.memory_space<vmem>>
        tpu.enqueue_dma source(%dma_start3A_684 : memref<50x128xf32, #tpu.memory_space<vmem>>) target(%dma_start3A_677 : memref<50x128xf32, #tpu.memory_space<hbm>>) target_semaphore(%run_scoped3A_662 : memref<!tpu.dma_semaphore, #tpu.memory_space<semaphore_mem>>)
        %dma_wait3A_685 = arith.constant 0 : i32
        %dma_wait3A_686 = arith.constant 0 : i32
        %dma_wait3A_687 = tpu.memref_slice %arg6[%run_scoped3A_469, %dma_wait3A_685, %dma_wait3A_686] : memref<8x100x128xf32, #tpu.memory_space<vmem>> -> memref<1x100x128xf32, #tpu.memory_space<vmem>>
        %dma_wait3A_688 = tpu.memref_squeeze %dma_wait3A_687 : memref<1x100x128xf32, #tpu.memory_space<vmem>> -> memref<100x128xf32, #tpu.memory_space<vmem>>
        %dma_wait3A_689 = arith.constant 50 : i32
        %dma_wait3A_690 = arith.constant 0 : i32
        %dma_wait3A_691 = tpu.memref_slice %dma_wait3A_688[%dma_wait3A_689, %dma_wait3A_690] : memref<100x128xf32, #tpu.memory_space<vmem>> -> memref<50x128xf32, #tpu.memory_space<vmem>>
        %dma_wait3A_692 = arith.constant 0 : i32
        %dma_wait3A_693 = arith.constant 0 : i32
        %dma_wait3A_694 = tpu.memref_slice %arg4[%add3A_468, %dma_wait3A_692, %dma_wait3A_693] : memref<4096x50x128xf32, #tpu.memory_space<hbm>> -> memref<1x50x128xf32, #tpu.memory_space<hbm>>
        %dma_wait3A_695 = tpu.memref_squeeze %dma_wait3A_694 : memref<1x50x128xf32, #tpu.memory_space<hbm>> -> memref<50x128xf32, #tpu.memory_space<hbm>>
        %dma_wait3A_696 = arith.constant 0 : i32
        %dma_wait3A_697 = arith.constant 0 : i32
        %dma_wait3A_698 = tpu.memref_slice %arg4[%add3A_468, %dma_wait3A_696, %dma_wait3A_697] : memref<4096x50x128xf32, #tpu.memory_space<hbm>> -> memref<1x50x128xf32, #tpu.memory_space<hbm>>
        %dma_wait3A_699 = tpu.memref_squeeze %dma_wait3A_698 : memref<1x50x128xf32, #tpu.memory_space<hbm>> -> memref<50x128xf32, #tpu.memory_space<hbm>>
        %dma_wait3A_700 = arith.constant 0 : i32
        %dma_wait3A_701 = arith.constant 0 : i32
        %dma_wait3A_702 = tpu.memref_slice %arg6[%run_scoped3A_469, %dma_wait3A_700, %dma_wait3A_701] : memref<8x100x128xf32, #tpu.memory_space<vmem>> -> memref<1x100x128xf32, #tpu.memory_space<vmem>>
        %dma_wait3A_703 = tpu.memref_squeeze %dma_wait3A_702 : memref<1x100x128xf32, #tpu.memory_space<vmem>> -> memref<100x128xf32, #tpu.memory_space<vmem>>
        %dma_wait3A_704 = arith.constant 50 : i32
        %dma_wait3A_705 = arith.constant 0 : i32
        %dma_wait3A_706 = tpu.memref_slice %dma_wait3A_703[%dma_wait3A_704, %dma_wait3A_705] : memref<100x128xf32, #tpu.memory_space<vmem>> -> memref<50x128xf32, #tpu.memory_space<vmem>>
        tpu.wait_dma2 semaphore(%run_scoped3A_662 : memref<!tpu.dma_semaphore, #tpu.memory_space<semaphore_mem>>) src(%dma_wait3A_706 : memref<50x128xf32, #tpu.memory_space<vmem>>) dst(%dma_wait3A_699 : memref<50x128xf32, #tpu.memory_space<hbm>>)
        tpu.yield
      }) : () -> ()
      %add3A_470 = arith.constant 8 : i32
      %add3A_471 = arith.addi %add3A_445, %add3A_470 : i32
      %dma_start3A_472 = arith.constant 3 : i32
      %dma_start3A_473 = arith.constant 3 : i32
      %dma_start3A_474 = arith.constant 0 : i32
      %dma_start3A_475 = arith.constant 0 : i32
      %dma_start3A_476 = tpu.memref_slice %arg6[%dma_start3A_472, %dma_start3A_474, %dma_start3A_475] : memref<8x100x128xf32, #tpu.memory_space<vmem>> -> memref<1x100x128xf32, #tpu.memory_space<vmem>>
      %dma_start3A_477 = tpu.memref_squeeze %dma_start3A_476 : memref<1x100x128xf32, #tpu.memory_space<vmem>> -> memref<100x128xf32, #tpu.memory_space<vmem>>
      %dma_start3A_478 = arith.constant 0 : i32
      %dma_start3A_479 = tpu.memref_slice %arg5[%add3A_471, %dma_start3A_478] : memref<64x100xi32, #tpu.memory_space<vmem>> -> memref<1x100xi32, #tpu.memory_space<vmem>>
      %dma_start3A_480 = tpu.memref_squeeze %dma_start3A_479 : memref<1x100xi32, #tpu.memory_space<vmem>> -> memref<100xi32, #tpu.memory_space<vmem>>
      %dma_start3A_481 = arith.constant 0 : i32
      %dma_start3A_482 = arith.constant 0 : i32
      %dma_start3A_483 = tpu.memref_slice %arg3[%dma_start3A_481, %dma_start3A_482] : memref<100000x128xf32, #tpu.memory_space<hbm>> -> memref<100000x128xf32, #tpu.memory_space<hbm>>
      %dma_start3A_484 = tpu.memref_slice %arg7[%dma_start3A_473] : memref<8x!tpu.dma_semaphore, #tpu.memory_space<semaphore_mem>> -> memref<1x!tpu.dma_semaphore, #tpu.memory_space<semaphore_mem>>
      %dma_start3A_485 = tpu.memref_squeeze %dma_start3A_484 : memref<1x!tpu.dma_semaphore, #tpu.memory_space<semaphore_mem>> -> memref<!tpu.dma_semaphore, #tpu.memory_space<semaphore_mem>>
      tpu.enqueue_indirect_dma source(%dma_start3A_483 : memref<100000x128xf32, #tpu.memory_space<hbm>>) target(%dma_start3A_477 : memref<100x128xf32, #tpu.memory_space<vmem>>) offsets(%dma_start3A_480 : memref<100xi32, #tpu.memory_space<vmem>>) semaphore(%dma_start3A_485 : memref<!tpu.dma_semaphore, #tpu.memory_space<semaphore_mem>>)
      %mul3A_486 = arith.constant 8 : i32
      %mul3A_487 = arith.muli %scan3A_309, %mul3A_486 : i32
      %add3A_488 = arith.constant 4 : i32
      %add3A_489 = arith.addi %mul3A_487, %add3A_488 : i32
      %dma_wait3A_490 = arith.constant 0 : i32
      %dma_wait3A_491 = arith.constant 4 : i32
      %dma_wait3A_492 = arith.constant 4 : i32
      %dma_wait3A_493 = arith.constant 0 : i32
      %dma_wait3A_494 = arith.constant 0 : i32
      %dma_wait3A_495 = tpu.memref_slice %arg6[%dma_wait3A_491, %dma_wait3A_493, %dma_wait3A_494] : memref<8x100x128xf32, #tpu.memory_space<vmem>> -> memref<1x100x128xf32, #tpu.memory_space<vmem>>
      %dma_wait3A_496 = tpu.memref_squeeze %dma_wait3A_495 : memref<1x100x128xf32, #tpu.memory_space<vmem>> -> memref<100x128xf32, #tpu.memory_space<vmem>>
      %dma_wait3A_497 = arith.constant 0 : i32
      %dma_wait3A_498 = tpu.memref_slice %arg5[%dma_wait3A_490, %dma_wait3A_497] : memref<64x100xi32, #tpu.memory_space<vmem>> -> memref<1x100xi32, #tpu.memory_space<vmem>>
      %dma_wait3A_499 = tpu.memref_squeeze %dma_wait3A_498 : memref<1x100xi32, #tpu.memory_space<vmem>> -> memref<100xi32, #tpu.memory_space<vmem>>
      %dma_wait3A_500 = arith.constant 0 : i32
      %dma_wait3A_501 = arith.constant 0 : i32
      %dma_wait3A_502 = tpu.memref_slice %arg3[%dma_wait3A_500, %dma_wait3A_501] : memref<100000x128xf32, #tpu.memory_space<hbm>> -> memref<100000x128xf32, #tpu.memory_space<hbm>>
      %dma_wait3A_503 = tpu.memref_slice %arg7[%dma_wait3A_492] : memref<8x!tpu.dma_semaphore, #tpu.memory_space<semaphore_mem>> -> memref<1x!tpu.dma_semaphore, #tpu.memory_space<semaphore_mem>>
      %dma_wait3A_504 = tpu.memref_squeeze %dma_wait3A_503 : memref<1x!tpu.dma_semaphore, #tpu.memory_space<semaphore_mem>> -> memref<!tpu.dma_semaphore, #tpu.memory_space<semaphore_mem>>
      tpu.wait_indirect_dma semaphore(%dma_wait3A_504 : memref<!tpu.dma_semaphore, #tpu.memory_space<semaphore_mem>>) src(%dma_wait3A_502 : memref<100000x128xf32, #tpu.memory_space<hbm>>) dst(%dma_wait3A_496 : memref<100x128xf32, #tpu.memory_space<vmem>>)
      %mul3A_505 = arith.constant 2 : i32
      %mul3A_506 = arith.muli %add3A_489, %mul3A_505 : i32
      %add3A_507 = arith.addi %mul3A_2, %mul3A_506 : i32
      %add3A_508 = arith.constant 0 : i32
      %add3A_509 = arith.addi %add3A_507, %add3A_508 : i32
      %run_scoped3A_510 = arith.constant 4 : i32
      "tpu.region"() ({
        %run_scoped3A_662 = tpu.sem_alloc : memref<!tpu.dma_semaphore, #tpu.memory_space<semaphore_mem>>
        %dma_start3A_663 = arith.constant 0 : i32
        %dma_start3A_664 = arith.constant 0 : i32
        %dma_start3A_665 = tpu.memref_slice %arg6[%run_scoped3A_510, %dma_start3A_663, %dma_start3A_664] : memref<8x100x128xf32, #tpu.memory_space<vmem>> -> memref<1x100x128xf32, #tpu.memory_space<vmem>>
        %dma_start3A_666 = tpu.memref_squeeze %dma_start3A_665 : memref<1x100x128xf32, #tpu.memory_space<vmem>> -> memref<100x128xf32, #tpu.memory_space<vmem>>
        %dma_start3A_667 = arith.constant 0 : i32
        %dma_start3A_668 = arith.constant 0 : i32
        %dma_start3A_669 = tpu.memref_slice %dma_start3A_666[%dma_start3A_667, %dma_start3A_668] : memref<100x128xf32, #tpu.memory_space<vmem>> -> memref<50x128xf32, #tpu.memory_space<vmem>>
        %dma_start3A_670 = arith.constant 0 : i32
        %dma_start3A_671 = arith.constant 0 : i32
        %dma_start3A_672 = tpu.memref_slice %arg4[%add3A_509, %dma_start3A_670, %dma_start3A_671] : memref<4096x50x128xf32, #tpu.memory_space<hbm>> -> memref<1x50x128xf32, #tpu.memory_space<hbm>>
        %dma_start3A_673 = tpu.memref_squeeze %dma_start3A_672 : memref<1x50x128xf32, #tpu.memory_space<hbm>> -> memref<50x128xf32, #tpu.memory_space<hbm>>
        %dma_start3A_674 = arith.constant 0 : i32
        %dma_start3A_675 = arith.constant 0 : i32
        %dma_start3A_676 = tpu.memref_slice %arg4[%add3A_509, %dma_start3A_674, %dma_start3A_675] : memref<4096x50x128xf32, #tpu.memory_space<hbm>> -> memref<1x50x128xf32, #tpu.memory_space<hbm>>
        %dma_start3A_677 = tpu.memref_squeeze %dma_start3A_676 : memref<1x50x128xf32, #tpu.memory_space<hbm>> -> memref<50x128xf32, #tpu.memory_space<hbm>>
        %dma_start3A_678 = arith.constant 0 : i32
        %dma_start3A_679 = arith.constant 0 : i32
        %dma_start3A_680 = tpu.memref_slice %arg6[%run_scoped3A_510, %dma_start3A_678, %dma_start3A_679] : memref<8x100x128xf32, #tpu.memory_space<vmem>> -> memref<1x100x128xf32, #tpu.memory_space<vmem>>
        %dma_start3A_681 = tpu.memref_squeeze %dma_start3A_680 : memref<1x100x128xf32, #tpu.memory_space<vmem>> -> memref<100x128xf32, #tpu.memory_space<vmem>>
        %dma_start3A_682 = arith.constant 0 : i32
        %dma_start3A_683 = arith.constant 0 : i32
        %dma_start3A_684 = tpu.memref_slice %dma_start3A_681[%dma_start3A_682, %dma_start3A_683] : memref<100x128xf32, #tpu.memory_space<vmem>> -> memref<50x128xf32, #tpu.memory_space<vmem>>
        tpu.enqueue_dma source(%dma_start3A_684 : memref<50x128xf32, #tpu.memory_space<vmem>>) target(%dma_start3A_677 : memref<50x128xf32, #tpu.memory_space<hbm>>) target_semaphore(%run_scoped3A_662 : memref<!tpu.dma_semaphore, #tpu.memory_space<semaphore_mem>>)
        %dma_wait3A_685 = arith.constant 0 : i32
        %dma_wait3A_686 = arith.constant 0 : i32
        %dma_wait3A_687 = tpu.memref_slice %arg6[%run_scoped3A_510, %dma_wait3A_685, %dma_wait3A_686] : memref<8x100x128xf32, #tpu.memory_space<vmem>> -> memref<1x100x128xf32, #tpu.memory_space<vmem>>
        %dma_wait3A_688 = tpu.memref_squeeze %dma_wait3A_687 : memref<1x100x128xf32, #tpu.memory_space<vmem>> -> memref<100x128xf32, #tpu.memory_space<vmem>>
        %dma_wait3A_689 = arith.constant 0 : i32
        %dma_wait3A_690 = arith.constant 0 : i32
        %dma_wait3A_691 = tpu.memref_slice %dma_wait3A_688[%dma_wait3A_689, %dma_wait3A_690] : memref<100x128xf32, #tpu.memory_space<vmem>> -> memref<50x128xf32, #tpu.memory_space<vmem>>
        %dma_wait3A_692 = arith.constant 0 : i32
        %dma_wait3A_693 = arith.constant 0 : i32
        %dma_wait3A_694 = tpu.memref_slice %arg4[%add3A_509, %dma_wait3A_692, %dma_wait3A_693] : memref<4096x50x128xf32, #tpu.memory_space<hbm>> -> memref<1x50x128xf32, #tpu.memory_space<hbm>>
        %dma_wait3A_695 = tpu.memref_squeeze %dma_wait3A_694 : memref<1x50x128xf32, #tpu.memory_space<hbm>> -> memref<50x128xf32, #tpu.memory_space<hbm>>
        %dma_wait3A_696 = arith.constant 0 : i32
        %dma_wait3A_697 = arith.constant 0 : i32
        %dma_wait3A_698 = tpu.memref_slice %arg4[%add3A_509, %dma_wait3A_696, %dma_wait3A_697] : memref<4096x50x128xf32, #tpu.memory_space<hbm>> -> memref<1x50x128xf32, #tpu.memory_space<hbm>>
        %dma_wait3A_699 = tpu.memref_squeeze %dma_wait3A_698 : memref<1x50x128xf32, #tpu.memory_space<hbm>> -> memref<50x128xf32, #tpu.memory_space<hbm>>
        %dma_wait3A_700 = arith.constant 0 : i32
        %dma_wait3A_701 = arith.constant 0 : i32
        %dma_wait3A_702 = tpu.memref_slice %arg6[%run_scoped3A_510, %dma_wait3A_700, %dma_wait3A_701] : memref<8x100x128xf32, #tpu.memory_space<vmem>> -> memref<1x100x128xf32, #tpu.memory_space<vmem>>
        %dma_wait3A_703 = tpu.memref_squeeze %dma_wait3A_702 : memref<1x100x128xf32, #tpu.memory_space<vmem>> -> memref<100x128xf32, #tpu.memory_space<vmem>>
        %dma_wait3A_704 = arith.constant 0 : i32
        %dma_wait3A_705 = arith.constant 0 : i32
        %dma_wait3A_706 = tpu.memref_slice %dma_wait3A_703[%dma_wait3A_704, %dma_wait3A_705] : memref<100x128xf32, #tpu.memory_space<vmem>> -> memref<50x128xf32, #tpu.memory_space<vmem>>
        tpu.wait_dma2 semaphore(%run_scoped3A_662 : memref<!tpu.dma_semaphore, #tpu.memory_space<semaphore_mem>>) src(%dma_wait3A_706 : memref<50x128xf32, #tpu.memory_space<vmem>>) dst(%dma_wait3A_699 : memref<50x128xf32, #tpu.memory_space<hbm>>)
        tpu.yield
      }) : () -> ()
      %add3A_511 = arith.constant 1 : i32
      %add3A_512 = arith.addi %add3A_507, %add3A_511 : i32
      %run_scoped3A_513 = arith.constant 4 : i32
      "tpu.region"() ({
        %run_scoped3A_662 = tpu.sem_alloc : memref<!tpu.dma_semaphore, #tpu.memory_space<semaphore_mem>>
        %dma_start3A_663 = arith.constant 0 : i32
        %dma_start3A_664 = arith.constant 0 : i32
        %dma_start3A_665 = tpu.memref_slice %arg6[%run_scoped3A_513, %dma_start3A_663, %dma_start3A_664] : memref<8x100x128xf32, #tpu.memory_space<vmem>> -> memref<1x100x128xf32, #tpu.memory_space<vmem>>
        %dma_start3A_666 = tpu.memref_squeeze %dma_start3A_665 : memref<1x100x128xf32, #tpu.memory_space<vmem>> -> memref<100x128xf32, #tpu.memory_space<vmem>>
        %dma_start3A_667 = arith.constant 50 : i32
        %dma_start3A_668 = arith.constant 0 : i32
        %dma_start3A_669 = tpu.memref_slice %dma_start3A_666[%dma_start3A_667, %dma_start3A_668] : memref<100x128xf32, #tpu.memory_space<vmem>> -> memref<50x128xf32, #tpu.memory_space<vmem>>
        %dma_start3A_670 = arith.constant 0 : i32
        %dma_start3A_671 = arith.constant 0 : i32
        %dma_start3A_672 = tpu.memref_slice %arg4[%add3A_512, %dma_start3A_670, %dma_start3A_671] : memref<4096x50x128xf32, #tpu.memory_space<hbm>> -> memref<1x50x128xf32, #tpu.memory_space<hbm>>
        %dma_start3A_673 = tpu.memref_squeeze %dma_start3A_672 : memref<1x50x128xf32, #tpu.memory_space<hbm>> -> memref<50x128xf32, #tpu.memory_space<hbm>>
        %dma_start3A_674 = arith.constant 0 : i32
        %dma_start3A_675 = arith.constant 0 : i32
        %dma_start3A_676 = tpu.memref_slice %arg4[%add3A_512, %dma_start3A_674, %dma_start3A_675] : memref<4096x50x128xf32, #tpu.memory_space<hbm>> -> memref<1x50x128xf32, #tpu.memory_space<hbm>>
        %dma_start3A_677 = tpu.memref_squeeze %dma_start3A_676 : memref<1x50x128xf32, #tpu.memory_space<hbm>> -> memref<50x128xf32, #tpu.memory_space<hbm>>
        %dma_start3A_678 = arith.constant 0 : i32
        %dma_start3A_679 = arith.constant 0 : i32
        %dma_start3A_680 = tpu.memref_slice %arg6[%run_scoped3A_513, %dma_start3A_678, %dma_start3A_679] : memref<8x100x128xf32, #tpu.memory_space<vmem>> -> memref<1x100x128xf32, #tpu.memory_space<vmem>>
        %dma_start3A_681 = tpu.memref_squeeze %dma_start3A_680 : memref<1x100x128xf32, #tpu.memory_space<vmem>> -> memref<100x128xf32, #tpu.memory_space<vmem>>
        %dma_start3A_682 = arith.constant 50 : i32
        %dma_start3A_683 = arith.constant 0 : i32
        %dma_start3A_684 = tpu.memref_slice %dma_start3A_681[%dma_start3A_682, %dma_start3A_683] : memref<100x128xf32, #tpu.memory_space<vmem>> -> memref<50x128xf32, #tpu.memory_space<vmem>>
        tpu.enqueue_dma source(%dma_start3A_684 : memref<50x128xf32, #tpu.memory_space<vmem>>) target(%dma_start3A_677 : memref<50x128xf32, #tpu.memory_space<hbm>>) target_semaphore(%run_scoped3A_662 : memref<!tpu.dma_semaphore, #tpu.memory_space<semaphore_mem>>)
        %dma_wait3A_685 = arith.constant 0 : i32
        %dma_wait3A_686 = arith.constant 0 : i32
        %dma_wait3A_687 = tpu.memref_slice %arg6[%run_scoped3A_513, %dma_wait3A_685, %dma_wait3A_686] : memref<8x100x128xf32, #tpu.memory_space<vmem>> -> memref<1x100x128xf32, #tpu.memory_space<vmem>>
        %dma_wait3A_688 = tpu.memref_squeeze %dma_wait3A_687 : memref<1x100x128xf32, #tpu.memory_space<vmem>> -> memref<100x128xf32, #tpu.memory_space<vmem>>
        %dma_wait3A_689 = arith.constant 50 : i32
        %dma_wait3A_690 = arith.constant 0 : i32
        %dma_wait3A_691 = tpu.memref_slice %dma_wait3A_688[%dma_wait3A_689, %dma_wait3A_690] : memref<100x128xf32, #tpu.memory_space<vmem>> -> memref<50x128xf32, #tpu.memory_space<vmem>>
        %dma_wait3A_692 = arith.constant 0 : i32
        %dma_wait3A_693 = arith.constant 0 : i32
        %dma_wait3A_694 = tpu.memref_slice %arg4[%add3A_512, %dma_wait3A_692, %dma_wait3A_693] : memref<4096x50x128xf32, #tpu.memory_space<hbm>> -> memref<1x50x128xf32, #tpu.memory_space<hbm>>
        %dma_wait3A_695 = tpu.memref_squeeze %dma_wait3A_694 : memref<1x50x128xf32, #tpu.memory_space<hbm>> -> memref<50x128xf32, #tpu.memory_space<hbm>>
        %dma_wait3A_696 = arith.constant 0 : i32
        %dma_wait3A_697 = arith.constant 0 : i32
        %dma_wait3A_698 = tpu.memref_slice %arg4[%add3A_512, %dma_wait3A_696, %dma_wait3A_697] : memref<4096x50x128xf32, #tpu.memory_space<hbm>> -> memref<1x50x128xf32, #tpu.memory_space<hbm>>
        %dma_wait3A_699 = tpu.memref_squeeze %dma_wait3A_698 : memref<1x50x128xf32, #tpu.memory_space<hbm>> -> memref<50x128xf32, #tpu.memory_space<hbm>>
        %dma_wait3A_700 = arith.constant 0 : i32
        %dma_wait3A_701 = arith.constant 0 : i32
        %dma_wait3A_702 = tpu.memref_slice %arg6[%run_scoped3A_513, %dma_wait3A_700, %dma_wait3A_701] : memref<8x100x128xf32, #tpu.memory_space<vmem>> -> memref<1x100x128xf32, #tpu.memory_space<vmem>>
        %dma_wait3A_703 = tpu.memref_squeeze %dma_wait3A_702 : memref<1x100x128xf32, #tpu.memory_space<vmem>> -> memref<100x128xf32, #tpu.memory_space<vmem>>
        %dma_wait3A_704 = arith.constant 50 : i32
        %dma_wait3A_705 = arith.constant 0 : i32
        %dma_wait3A_706 = tpu.memref_slice %dma_wait3A_703[%dma_wait3A_704, %dma_wait3A_705] : memref<100x128xf32, #tpu.memory_space<vmem>> -> memref<50x128xf32, #tpu.memory_space<vmem>>
        tpu.wait_dma2 semaphore(%run_scoped3A_662 : memref<!tpu.dma_semaphore, #tpu.memory_space<semaphore_mem>>) src(%dma_wait3A_706 : memref<50x128xf32, #tpu.memory_space<vmem>>) dst(%dma_wait3A_699 : memref<50x128xf32, #tpu.memory_space<hbm>>)
        tpu.yield
      }) : () -> ()
      %add3A_514 = arith.constant 8 : i32
      %add3A_515 = arith.addi %add3A_489, %add3A_514 : i32
      %dma_start3A_516 = arith.constant 4 : i32
      %dma_start3A_517 = arith.constant 4 : i32
      %dma_start3A_518 = arith.constant 0 : i32
      %dma_start3A_519 = arith.constant 0 : i32
      %dma_start3A_520 = tpu.memref_slice %arg6[%dma_start3A_516, %dma_start3A_518, %dma_start3A_519] : memref<8x100x128xf32, #tpu.memory_space<vmem>> -> memref<1x100x128xf32, #tpu.memory_space<vmem>>
      %dma_start3A_521 = tpu.memref_squeeze %dma_start3A_520 : memref<1x100x128xf32, #tpu.memory_space<vmem>> -> memref<100x128xf32, #tpu.memory_space<vmem>>
      %dma_start3A_522 = arith.constant 0 : i32
      %dma_start3A_523 = tpu.memref_slice %arg5[%add3A_515, %dma_start3A_522] : memref<64x100xi32, #tpu.memory_space<vmem>> -> memref<1x100xi32, #tpu.memory_space<vmem>>
      %dma_start3A_524 = tpu.memref_squeeze %dma_start3A_523 : memref<1x100xi32, #tpu.memory_space<vmem>> -> memref<100xi32, #tpu.memory_space<vmem>>
      %dma_start3A_525 = arith.constant 0 : i32
      %dma_start3A_526 = arith.constant 0 : i32
      %dma_start3A_527 = tpu.memref_slice %arg3[%dma_start3A_525, %dma_start3A_526] : memref<100000x128xf32, #tpu.memory_space<hbm>> -> memref<100000x128xf32, #tpu.memory_space<hbm>>
      %dma_start3A_528 = tpu.memref_slice %arg7[%dma_start3A_517] : memref<8x!tpu.dma_semaphore, #tpu.memory_space<semaphore_mem>> -> memref<1x!tpu.dma_semaphore, #tpu.memory_space<semaphore_mem>>
      %dma_start3A_529 = tpu.memref_squeeze %dma_start3A_528 : memref<1x!tpu.dma_semaphore, #tpu.memory_space<semaphore_mem>> -> memref<!tpu.dma_semaphore, #tpu.memory_space<semaphore_mem>>
      tpu.enqueue_indirect_dma source(%dma_start3A_527 : memref<100000x128xf32, #tpu.memory_space<hbm>>) target(%dma_start3A_521 : memref<100x128xf32, #tpu.memory_space<vmem>>) offsets(%dma_start3A_524 : memref<100xi32, #tpu.memory_space<vmem>>) semaphore(%dma_start3A_529 : memref<!tpu.dma_semaphore, #tpu.memory_space<semaphore_mem>>)
      %mul3A_530 = arith.constant 8 : i32
      %mul3A_531 = arith.muli %scan3A_309, %mul3A_530 : i32
      %add3A_532 = arith.constant 5 : i32
      %add3A_533 = arith.addi %mul3A_531, %add3A_532 : i32
      %dma_wait3A_534 = arith.constant 0 : i32
      %dma_wait3A_535 = arith.constant 5 : i32
      %dma_wait3A_536 = arith.constant 5 : i32
      %dma_wait3A_537 = arith.constant 0 : i32
      %dma_wait3A_538 = arith.constant 0 : i32
      %dma_wait3A_539 = tpu.memref_slice %arg6[%dma_wait3A_535, %dma_wait3A_537, %dma_wait3A_538] : memref<8x100x128xf32, #tpu.memory_space<vmem>> -> memref<1x100x128xf32, #tpu.memory_space<vmem>>
      %dma_wait3A_540 = tpu.memref_squeeze %dma_wait3A_539 : memref<1x100x128xf32, #tpu.memory_space<vmem>> -> memref<100x128xf32, #tpu.memory_space<vmem>>
      %dma_wait3A_541 = arith.constant 0 : i32
      %dma_wait3A_542 = tpu.memref_slice %arg5[%dma_wait3A_534, %dma_wait3A_541] : memref<64x100xi32, #tpu.memory_space<vmem>> -> memref<1x100xi32, #tpu.memory_space<vmem>>
      %dma_wait3A_543 = tpu.memref_squeeze %dma_wait3A_542 : memref<1x100xi32, #tpu.memory_space<vmem>> -> memref<100xi32, #tpu.memory_space<vmem>>
      %dma_wait3A_544 = arith.constant 0 : i32
      %dma_wait3A_545 = arith.constant 0 : i32
      %dma_wait3A_546 = tpu.memref_slice %arg3[%dma_wait3A_544, %dma_wait3A_545] : memref<100000x128xf32, #tpu.memory_space<hbm>> -> memref<100000x128xf32, #tpu.memory_space<hbm>>
      %dma_wait3A_547 = tpu.memref_slice %arg7[%dma_wait3A_536] : memref<8x!tpu.dma_semaphore, #tpu.memory_space<semaphore_mem>> -> memref<1x!tpu.dma_semaphore, #tpu.memory_space<semaphore_mem>>
      %dma_wait3A_548 = tpu.memref_squeeze %dma_wait3A_547 : memref<1x!tpu.dma_semaphore, #tpu.memory_space<semaphore_mem>> -> memref<!tpu.dma_semaphore, #tpu.memory_space<semaphore_mem>>
      tpu.wait_indirect_dma semaphore(%dma_wait3A_548 : memref<!tpu.dma_semaphore, #tpu.memory_space<semaphore_mem>>) src(%dma_wait3A_546 : memref<100000x128xf32, #tpu.memory_space<hbm>>) dst(%dma_wait3A_540 : memref<100x128xf32, #tpu.memory_space<vmem>>)
      %mul3A_549 = arith.constant 2 : i32
      %mul3A_550 = arith.muli %add3A_533, %mul3A_549 : i32
      %add3A_551 = arith.addi %mul3A_2, %mul3A_550 : i32
      %add3A_552 = arith.constant 0 : i32
      %add3A_553 = arith.addi %add3A_551, %add3A_552 : i32
      %run_scoped3A_554 = arith.constant 5 : i32
      "tpu.region"() ({
        %run_scoped3A_662 = tpu.sem_alloc : memref<!tpu.dma_semaphore, #tpu.memory_space<semaphore_mem>>
        %dma_start3A_663 = arith.constant 0 : i32
        %dma_start3A_664 = arith.constant 0 : i32
        %dma_start3A_665 = tpu.memref_slice %arg6[%run_scoped3A_554, %dma_start3A_663, %dma_start3A_664] : memref<8x100x128xf32, #tpu.memory_space<vmem>> -> memref<1x100x128xf32, #tpu.memory_space<vmem>>
        %dma_start3A_666 = tpu.memref_squeeze %dma_start3A_665 : memref<1x100x128xf32, #tpu.memory_space<vmem>> -> memref<100x128xf32, #tpu.memory_space<vmem>>
        %dma_start3A_667 = arith.constant 0 : i32
        %dma_start3A_668 = arith.constant 0 : i32
        %dma_start3A_669 = tpu.memref_slice %dma_start3A_666[%dma_start3A_667, %dma_start3A_668] : memref<100x128xf32, #tpu.memory_space<vmem>> -> memref<50x128xf32, #tpu.memory_space<vmem>>
        %dma_start3A_670 = arith.constant 0 : i32
        %dma_start3A_671 = arith.constant 0 : i32
        %dma_start3A_672 = tpu.memref_slice %arg4[%add3A_553, %dma_start3A_670, %dma_start3A_671] : memref<4096x50x128xf32, #tpu.memory_space<hbm>> -> memref<1x50x128xf32, #tpu.memory_space<hbm>>
        %dma_start3A_673 = tpu.memref_squeeze %dma_start3A_672 : memref<1x50x128xf32, #tpu.memory_space<hbm>> -> memref<50x128xf32, #tpu.memory_space<hbm>>
        %dma_start3A_674 = arith.constant 0 : i32
        %dma_start3A_675 = arith.constant 0 : i32
        %dma_start3A_676 = tpu.memref_slice %arg4[%add3A_553, %dma_start3A_674, %dma_start3A_675] : memref<4096x50x128xf32, #tpu.memory_space<hbm>> -> memref<1x50x128xf32, #tpu.memory_space<hbm>>
        %dma_start3A_677 = tpu.memref_squeeze %dma_start3A_676 : memref<1x50x128xf32, #tpu.memory_space<hbm>> -> memref<50x128xf32, #tpu.memory_space<hbm>>
        %dma_start3A_678 = arith.constant 0 : i32
        %dma_start3A_679 = arith.constant 0 : i32
        %dma_start3A_680 = tpu.memref_slice %arg6[%run_scoped3A_554, %dma_start3A_678, %dma_start3A_679] : memref<8x100x128xf32, #tpu.memory_space<vmem>> -> memref<1x100x128xf32, #tpu.memory_space<vmem>>
        %dma_start3A_681 = tpu.memref_squeeze %dma_start3A_680 : memref<1x100x128xf32, #tpu.memory_space<vmem>> -> memref<100x128xf32, #tpu.memory_space<vmem>>
        %dma_start3A_682 = arith.constant 0 : i32
        %dma_start3A_683 = arith.constant 0 : i32
        %dma_start3A_684 = tpu.memref_slice %dma_start3A_681[%dma_start3A_682, %dma_start3A_683] : memref<100x128xf32, #tpu.memory_space<vmem>> -> memref<50x128xf32, #tpu.memory_space<vmem>>
        tpu.enqueue_dma source(%dma_start3A_684 : memref<50x128xf32, #tpu.memory_space<vmem>>) target(%dma_start3A_677 : memref<50x128xf32, #tpu.memory_space<hbm>>) target_semaphore(%run_scoped3A_662 : memref<!tpu.dma_semaphore, #tpu.memory_space<semaphore_mem>>)
        %dma_wait3A_685 = arith.constant 0 : i32
        %dma_wait3A_686 = arith.constant 0 : i32
        %dma_wait3A_687 = tpu.memref_slice %arg6[%run_scoped3A_554, %dma_wait3A_685, %dma_wait3A_686] : memref<8x100x128xf32, #tpu.memory_space<vmem>> -> memref<1x100x128xf32, #tpu.memory_space<vmem>>
        %dma_wait3A_688 = tpu.memref_squeeze %dma_wait3A_687 : memref<1x100x128xf32, #tpu.memory_space<vmem>> -> memref<100x128xf32, #tpu.memory_space<vmem>>
        %dma_wait3A_689 = arith.constant 0 : i32
        %dma_wait3A_690 = arith.constant 0 : i32
        %dma_wait3A_691 = tpu.memref_slice %dma_wait3A_688[%dma_wait3A_689, %dma_wait3A_690] : memref<100x128xf32, #tpu.memory_space<vmem>> -> memref<50x128xf32, #tpu.memory_space<vmem>>
        %dma_wait3A_692 = arith.constant 0 : i32
        %dma_wait3A_693 = arith.constant 0 : i32
        %dma_wait3A_694 = tpu.memref_slice %arg4[%add3A_553, %dma_wait3A_692, %dma_wait3A_693] : memref<4096x50x128xf32, #tpu.memory_space<hbm>> -> memref<1x50x128xf32, #tpu.memory_space<hbm>>
        %dma_wait3A_695 = tpu.memref_squeeze %dma_wait3A_694 : memref<1x50x128xf32, #tpu.memory_space<hbm>> -> memref<50x128xf32, #tpu.memory_space<hbm>>
        %dma_wait3A_696 = arith.constant 0 : i32
        %dma_wait3A_697 = arith.constant 0 : i32
        %dma_wait3A_698 = tpu.memref_slice %arg4[%add3A_553, %dma_wait3A_696, %dma_wait3A_697] : memref<4096x50x128xf32, #tpu.memory_space<hbm>> -> memref<1x50x128xf32, #tpu.memory_space<hbm>>
        %dma_wait3A_699 = tpu.memref_squeeze %dma_wait3A_698 : memref<1x50x128xf32, #tpu.memory_space<hbm>> -> memref<50x128xf32, #tpu.memory_space<hbm>>
        %dma_wait3A_700 = arith.constant 0 : i32
        %dma_wait3A_701 = arith.constant 0 : i32
        %dma_wait3A_702 = tpu.memref_slice %arg6[%run_scoped3A_554, %dma_wait3A_700, %dma_wait3A_701] : memref<8x100x128xf32, #tpu.memory_space<vmem>> -> memref<1x100x128xf32, #tpu.memory_space<vmem>>
        %dma_wait3A_703 = tpu.memref_squeeze %dma_wait3A_702 : memref<1x100x128xf32, #tpu.memory_space<vmem>> -> memref<100x128xf32, #tpu.memory_space<vmem>>
        %dma_wait3A_704 = arith.constant 0 : i32
        %dma_wait3A_705 = arith.constant 0 : i32
        %dma_wait3A_706 = tpu.memref_slice %dma_wait3A_703[%dma_wait3A_704, %dma_wait3A_705] : memref<100x128xf32, #tpu.memory_space<vmem>> -> memref<50x128xf32, #tpu.memory_space<vmem>>
        tpu.wait_dma2 semaphore(%run_scoped3A_662 : memref<!tpu.dma_semaphore, #tpu.memory_space<semaphore_mem>>) src(%dma_wait3A_706 : memref<50x128xf32, #tpu.memory_space<vmem>>) dst(%dma_wait3A_699 : memref<50x128xf32, #tpu.memory_space<hbm>>)
        tpu.yield
      }) : () -> ()
      %add3A_555 = arith.constant 1 : i32
      %add3A_556 = arith.addi %add3A_551, %add3A_555 : i32
      %run_scoped3A_557 = arith.constant 5 : i32
      "tpu.region"() ({
        %run_scoped3A_662 = tpu.sem_alloc : memref<!tpu.dma_semaphore, #tpu.memory_space<semaphore_mem>>
        %dma_start3A_663 = arith.constant 0 : i32
        %dma_start3A_664 = arith.constant 0 : i32
        %dma_start3A_665 = tpu.memref_slice %arg6[%run_scoped3A_557, %dma_start3A_663, %dma_start3A_664] : memref<8x100x128xf32, #tpu.memory_space<vmem>> -> memref<1x100x128xf32, #tpu.memory_space<vmem>>
        %dma_start3A_666 = tpu.memref_squeeze %dma_start3A_665 : memref<1x100x128xf32, #tpu.memory_space<vmem>> -> memref<100x128xf32, #tpu.memory_space<vmem>>
        %dma_start3A_667 = arith.constant 50 : i32
        %dma_start3A_668 = arith.constant 0 : i32
        %dma_start3A_669 = tpu.memref_slice %dma_start3A_666[%dma_start3A_667, %dma_start3A_668] : memref<100x128xf32, #tpu.memory_space<vmem>> -> memref<50x128xf32, #tpu.memory_space<vmem>>
        %dma_start3A_670 = arith.constant 0 : i32
        %dma_start3A_671 = arith.constant 0 : i32
        %dma_start3A_672 = tpu.memref_slice %arg4[%add3A_556, %dma_start3A_670, %dma_start3A_671] : memref<4096x50x128xf32, #tpu.memory_space<hbm>> -> memref<1x50x128xf32, #tpu.memory_space<hbm>>
        %dma_start3A_673 = tpu.memref_squeeze %dma_start3A_672 : memref<1x50x128xf32, #tpu.memory_space<hbm>> -> memref<50x128xf32, #tpu.memory_space<hbm>>
        %dma_start3A_674 = arith.constant 0 : i32
        %dma_start3A_675 = arith.constant 0 : i32
        %dma_start3A_676 = tpu.memref_slice %arg4[%add3A_556, %dma_start3A_674, %dma_start3A_675] : memref<4096x50x128xf32, #tpu.memory_space<hbm>> -> memref<1x50x128xf32, #tpu.memory_space<hbm>>
        %dma_start3A_677 = tpu.memref_squeeze %dma_start3A_676 : memref<1x50x128xf32, #tpu.memory_space<hbm>> -> memref<50x128xf32, #tpu.memory_space<hbm>>
        %dma_start3A_678 = arith.constant 0 : i32
        %dma_start3A_679 = arith.constant 0 : i32
        %dma_start3A_680 = tpu.memref_slice %arg6[%run_scoped3A_557, %dma_start3A_678, %dma_start3A_679] : memref<8x100x128xf32, #tpu.memory_space<vmem>> -> memref<1x100x128xf32, #tpu.memory_space<vmem>>
        %dma_start3A_681 = tpu.memref_squeeze %dma_start3A_680 : memref<1x100x128xf32, #tpu.memory_space<vmem>> -> memref<100x128xf32, #tpu.memory_space<vmem>>
        %dma_start3A_682 = arith.constant 50 : i32
        %dma_start3A_683 = arith.constant 0 : i32
        %dma_start3A_684 = tpu.memref_slice %dma_start3A_681[%dma_start3A_682, %dma_start3A_683] : memref<100x128xf32, #tpu.memory_space<vmem>> -> memref<50x128xf32, #tpu.memory_space<vmem>>
        tpu.enqueue_dma source(%dma_start3A_684 : memref<50x128xf32, #tpu.memory_space<vmem>>) target(%dma_start3A_677 : memref<50x128xf32, #tpu.memory_space<hbm>>) target_semaphore(%run_scoped3A_662 : memref<!tpu.dma_semaphore, #tpu.memory_space<semaphore_mem>>)
        %dma_wait3A_685 = arith.constant 0 : i32
        %dma_wait3A_686 = arith.constant 0 : i32
        %dma_wait3A_687 = tpu.memref_slice %arg6[%run_scoped3A_557, %dma_wait3A_685, %dma_wait3A_686] : memref<8x100x128xf32, #tpu.memory_space<vmem>> -> memref<1x100x128xf32, #tpu.memory_space<vmem>>
        %dma_wait3A_688 = tpu.memref_squeeze %dma_wait3A_687 : memref<1x100x128xf32, #tpu.memory_space<vmem>> -> memref<100x128xf32, #tpu.memory_space<vmem>>
        %dma_wait3A_689 = arith.constant 50 : i32
        %dma_wait3A_690 = arith.constant 0 : i32
        %dma_wait3A_691 = tpu.memref_slice %dma_wait3A_688[%dma_wait3A_689, %dma_wait3A_690] : memref<100x128xf32, #tpu.memory_space<vmem>> -> memref<50x128xf32, #tpu.memory_space<vmem>>
        %dma_wait3A_692 = arith.constant 0 : i32
        %dma_wait3A_693 = arith.constant 0 : i32
        %dma_wait3A_694 = tpu.memref_slice %arg4[%add3A_556, %dma_wait3A_692, %dma_wait3A_693] : memref<4096x50x128xf32, #tpu.memory_space<hbm>> -> memref<1x50x128xf32, #tpu.memory_space<hbm>>
        %dma_wait3A_695 = tpu.memref_squeeze %dma_wait3A_694 : memref<1x50x128xf32, #tpu.memory_space<hbm>> -> memref<50x128xf32, #tpu.memory_space<hbm>>
        %dma_wait3A_696 = arith.constant 0 : i32
        %dma_wait3A_697 = arith.constant 0 : i32
        %dma_wait3A_698 = tpu.memref_slice %arg4[%add3A_556, %dma_wait3A_696, %dma_wait3A_697] : memref<4096x50x128xf32, #tpu.memory_space<hbm>> -> memref<1x50x128xf32, #tpu.memory_space<hbm>>
        %dma_wait3A_699 = tpu.memref_squeeze %dma_wait3A_698 : memref<1x50x128xf32, #tpu.memory_space<hbm>> -> memref<50x128xf32, #tpu.memory_space<hbm>>
        %dma_wait3A_700 = arith.constant 0 : i32
        %dma_wait3A_701 = arith.constant 0 : i32
        %dma_wait3A_702 = tpu.memref_slice %arg6[%run_scoped3A_557, %dma_wait3A_700, %dma_wait3A_701] : memref<8x100x128xf32, #tpu.memory_space<vmem>> -> memref<1x100x128xf32, #tpu.memory_space<vmem>>
        %dma_wait3A_703 = tpu.memref_squeeze %dma_wait3A_702 : memref<1x100x128xf32, #tpu.memory_space<vmem>> -> memref<100x128xf32, #tpu.memory_space<vmem>>
        %dma_wait3A_704 = arith.constant 50 : i32
        %dma_wait3A_705 = arith.constant 0 : i32
        %dma_wait3A_706 = tpu.memref_slice %dma_wait3A_703[%dma_wait3A_704, %dma_wait3A_705] : memref<100x128xf32, #tpu.memory_space<vmem>> -> memref<50x128xf32, #tpu.memory_space<vmem>>
        tpu.wait_dma2 semaphore(%run_scoped3A_662 : memref<!tpu.dma_semaphore, #tpu.memory_space<semaphore_mem>>) src(%dma_wait3A_706 : memref<50x128xf32, #tpu.memory_space<vmem>>) dst(%dma_wait3A_699 : memref<50x128xf32, #tpu.memory_space<hbm>>)
        tpu.yield
      }) : () -> ()
      %add3A_558 = arith.constant 8 : i32
      %add3A_559 = arith.addi %add3A_533, %add3A_558 : i32
      %dma_start3A_560 = arith.constant 5 : i32
      %dma_start3A_561 = arith.constant 5 : i32
      %dma_start3A_562 = arith.constant 0 : i32
      %dma_start3A_563 = arith.constant 0 : i32
      %dma_start3A_564 = tpu.memref_slice %arg6[%dma_start3A_560, %dma_start3A_562, %dma_start3A_563] : memref<8x100x128xf32, #tpu.memory_space<vmem>> -> memref<1x100x128xf32, #tpu.memory_space<vmem>>
      %dma_start3A_565 = tpu.memref_squeeze %dma_start3A_564 : memref<1x100x128xf32, #tpu.memory_space<vmem>> -> memref<100x128xf32, #tpu.memory_space<vmem>>
      %dma_start3A_566 = arith.constant 0 : i32
      %dma_start3A_567 = tpu.memref_slice %arg5[%add3A_559, %dma_start3A_566] : memref<64x100xi32, #tpu.memory_space<vmem>> -> memref<1x100xi32, #tpu.memory_space<vmem>>
      %dma_start3A_568 = tpu.memref_squeeze %dma_start3A_567 : memref<1x100xi32, #tpu.memory_space<vmem>> -> memref<100xi32, #tpu.memory_space<vmem>>
      %dma_start3A_569 = arith.constant 0 : i32
      %dma_start3A_570 = arith.constant 0 : i32
      %dma_start3A_571 = tpu.memref_slice %arg3[%dma_start3A_569, %dma_start3A_570] : memref<100000x128xf32, #tpu.memory_space<hbm>> -> memref<100000x128xf32, #tpu.memory_space<hbm>>
      %dma_start3A_572 = tpu.memref_slice %arg7[%dma_start3A_561] : memref<8x!tpu.dma_semaphore, #tpu.memory_space<semaphore_mem>> -> memref<1x!tpu.dma_semaphore, #tpu.memory_space<semaphore_mem>>
      %dma_start3A_573 = tpu.memref_squeeze %dma_start3A_572 : memref<1x!tpu.dma_semaphore, #tpu.memory_space<semaphore_mem>> -> memref<!tpu.dma_semaphore, #tpu.memory_space<semaphore_mem>>
      tpu.enqueue_indirect_dma source(%dma_start3A_571 : memref<100000x128xf32, #tpu.memory_space<hbm>>) target(%dma_start3A_565 : memref<100x128xf32, #tpu.memory_space<vmem>>) offsets(%dma_start3A_568 : memref<100xi32, #tpu.memory_space<vmem>>) semaphore(%dma_start3A_573 : memref<!tpu.dma_semaphore, #tpu.memory_space<semaphore_mem>>)
      %mul3A_574 = arith.constant 8 : i32
      %mul3A_575 = arith.muli %scan3A_309, %mul3A_574 : i32
      %add3A_576 = arith.constant 6 : i32
      %add3A_577 = arith.addi %mul3A_575, %add3A_576 : i32
      %dma_wait3A_578 = arith.constant 0 : i32
      %dma_wait3A_579 = arith.constant 6 : i32
      %dma_wait3A_580 = arith.constant 6 : i32
      %dma_wait3A_581 = arith.constant 0 : i32
      %dma_wait3A_582 = arith.constant 0 : i32
      %dma_wait3A_583 = tpu.memref_slice %arg6[%dma_wait3A_579, %dma_wait3A_581, %dma_wait3A_582] : memref<8x100x128xf32, #tpu.memory_space<vmem>> -> memref<1x100x128xf32, #tpu.memory_space<vmem>>
      %dma_wait3A_584 = tpu.memref_squeeze %dma_wait3A_583 : memref<1x100x128xf32, #tpu.memory_space<vmem>> -> memref<100x128xf32, #tpu.memory_space<vmem>>
      %dma_wait3A_585 = arith.constant 0 : i32
      %dma_wait3A_586 = tpu.memref_slice %arg5[%dma_wait3A_578, %dma_wait3A_585] : memref<64x100xi32, #tpu.memory_space<vmem>> -> memref<1x100xi32, #tpu.memory_space<vmem>>
      %dma_wait3A_587 = tpu.memref_squeeze %dma_wait3A_586 : memref<1x100xi32, #tpu.memory_space<vmem>> -> memref<100xi32, #tpu.memory_space<vmem>>
      %dma_wait3A_588 = arith.constant 0 : i32
      %dma_wait3A_589 = arith.constant 0 : i32
      %dma_wait3A_590 = tpu.memref_slice %arg3[%dma_wait3A_588, %dma_wait3A_589] : memref<100000x128xf32, #tpu.memory_space<hbm>> -> memref<100000x128xf32, #tpu.memory_space<hbm>>
      %dma_wait3A_591 = tpu.memref_slice %arg7[%dma_wait3A_580] : memref<8x!tpu.dma_semaphore, #tpu.memory_space<semaphore_mem>> -> memref<1x!tpu.dma_semaphore, #tpu.memory_space<semaphore_mem>>
      %dma_wait3A_592 = tpu.memref_squeeze %dma_wait3A_591 : memref<1x!tpu.dma_semaphore, #tpu.memory_space<semaphore_mem>> -> memref<!tpu.dma_semaphore, #tpu.memory_space<semaphore_mem>>
      tpu.wait_indirect_dma semaphore(%dma_wait3A_592 : memref<!tpu.dma_semaphore, #tpu.memory_space<semaphore_mem>>) src(%dma_wait3A_590 : memref<100000x128xf32, #tpu.memory_space<hbm>>) dst(%dma_wait3A_584 : memref<100x128xf32, #tpu.memory_space<vmem>>)
      %mul3A_593 = arith.constant 2 : i32
      %mul3A_594 = arith.muli %add3A_577, %mul3A_593 : i32
      %add3A_595 = arith.addi %mul3A_2, %mul3A_594 : i32
      %add3A_596 = arith.constant 0 : i32
      %add3A_597 = arith.addi %add3A_595, %add3A_596 : i32
      %run_scoped3A_598 = arith.constant 6 : i32
      "tpu.region"() ({
        %run_scoped3A_662 = tpu.sem_alloc : memref<!tpu.dma_semaphore, #tpu.memory_space<semaphore_mem>>
        %dma_start3A_663 = arith.constant 0 : i32
        %dma_start3A_664 = arith.constant 0 : i32
        %dma_start3A_665 = tpu.memref_slice %arg6[%run_scoped3A_598, %dma_start3A_663, %dma_start3A_664] : memref<8x100x128xf32, #tpu.memory_space<vmem>> -> memref<1x100x128xf32, #tpu.memory_space<vmem>>
        %dma_start3A_666 = tpu.memref_squeeze %dma_start3A_665 : memref<1x100x128xf32, #tpu.memory_space<vmem>> -> memref<100x128xf32, #tpu.memory_space<vmem>>
        %dma_start3A_667 = arith.constant 0 : i32
        %dma_start3A_668 = arith.constant 0 : i32
        %dma_start3A_669 = tpu.memref_slice %dma_start3A_666[%dma_start3A_667, %dma_start3A_668] : memref<100x128xf32, #tpu.memory_space<vmem>> -> memref<50x128xf32, #tpu.memory_space<vmem>>
        %dma_start3A_670 = arith.constant 0 : i32
        %dma_start3A_671 = arith.constant 0 : i32
        %dma_start3A_672 = tpu.memref_slice %arg4[%add3A_597, %dma_start3A_670, %dma_start3A_671] : memref<4096x50x128xf32, #tpu.memory_space<hbm>> -> memref<1x50x128xf32, #tpu.memory_space<hbm>>
        %dma_start3A_673 = tpu.memref_squeeze %dma_start3A_672 : memref<1x50x128xf32, #tpu.memory_space<hbm>> -> memref<50x128xf32, #tpu.memory_space<hbm>>
        %dma_start3A_674 = arith.constant 0 : i32
        %dma_start3A_675 = arith.constant 0 : i32
        %dma_start3A_676 = tpu.memref_slice %arg4[%add3A_597, %dma_start3A_674, %dma_start3A_675] : memref<4096x50x128xf32, #tpu.memory_space<hbm>> -> memref<1x50x128xf32, #tpu.memory_space<hbm>>
        %dma_start3A_677 = tpu.memref_squeeze %dma_start3A_676 : memref<1x50x128xf32, #tpu.memory_space<hbm>> -> memref<50x128xf32, #tpu.memory_space<hbm>>
        %dma_start3A_678 = arith.constant 0 : i32
        %dma_start3A_679 = arith.constant 0 : i32
        %dma_start3A_680 = tpu.memref_slice %arg6[%run_scoped3A_598, %dma_start3A_678, %dma_start3A_679] : memref<8x100x128xf32, #tpu.memory_space<vmem>> -> memref<1x100x128xf32, #tpu.memory_space<vmem>>
        %dma_start3A_681 = tpu.memref_squeeze %dma_start3A_680 : memref<1x100x128xf32, #tpu.memory_space<vmem>> -> memref<100x128xf32, #tpu.memory_space<vmem>>
        %dma_start3A_682 = arith.constant 0 : i32
        %dma_start3A_683 = arith.constant 0 : i32
        %dma_start3A_684 = tpu.memref_slice %dma_start3A_681[%dma_start3A_682, %dma_start3A_683] : memref<100x128xf32, #tpu.memory_space<vmem>> -> memref<50x128xf32, #tpu.memory_space<vmem>>
        tpu.enqueue_dma source(%dma_start3A_684 : memref<50x128xf32, #tpu.memory_space<vmem>>) target(%dma_start3A_677 : memref<50x128xf32, #tpu.memory_space<hbm>>) target_semaphore(%run_scoped3A_662 : memref<!tpu.dma_semaphore, #tpu.memory_space<semaphore_mem>>)
        %dma_wait3A_685 = arith.constant 0 : i32
        %dma_wait3A_686 = arith.constant 0 : i32
        %dma_wait3A_687 = tpu.memref_slice %arg6[%run_scoped3A_598, %dma_wait3A_685, %dma_wait3A_686] : memref<8x100x128xf32, #tpu.memory_space<vmem>> -> memref<1x100x128xf32, #tpu.memory_space<vmem>>
        %dma_wait3A_688 = tpu.memref_squeeze %dma_wait3A_687 : memref<1x100x128xf32, #tpu.memory_space<vmem>> -> memref<100x128xf32, #tpu.memory_space<vmem>>
        %dma_wait3A_689 = arith.constant 0 : i32
        %dma_wait3A_690 = arith.constant 0 : i32
        %dma_wait3A_691 = tpu.memref_slice %dma_wait3A_688[%dma_wait3A_689, %dma_wait3A_690] : memref<100x128xf32, #tpu.memory_space<vmem>> -> memref<50x128xf32, #tpu.memory_space<vmem>>
        %dma_wait3A_692 = arith.constant 0 : i32
        %dma_wait3A_693 = arith.constant 0 : i32
        %dma_wait3A_694 = tpu.memref_slice %arg4[%add3A_597, %dma_wait3A_692, %dma_wait3A_693] : memref<4096x50x128xf32, #tpu.memory_space<hbm>> -> memref<1x50x128xf32, #tpu.memory_space<hbm>>
        %dma_wait3A_695 = tpu.memref_squeeze %dma_wait3A_694 : memref<1x50x128xf32, #tpu.memory_space<hbm>> -> memref<50x128xf32, #tpu.memory_space<hbm>>
        %dma_wait3A_696 = arith.constant 0 : i32
        %dma_wait3A_697 = arith.constant 0 : i32
        %dma_wait3A_698 = tpu.memref_slice %arg4[%add3A_597, %dma_wait3A_696, %dma_wait3A_697] : memref<4096x50x128xf32, #tpu.memory_space<hbm>> -> memref<1x50x128xf32, #tpu.memory_space<hbm>>
        %dma_wait3A_699 = tpu.memref_squeeze %dma_wait3A_698 : memref<1x50x128xf32, #tpu.memory_space<hbm>> -> memref<50x128xf32, #tpu.memory_space<hbm>>
        %dma_wait3A_700 = arith.constant 0 : i32
        %dma_wait3A_701 = arith.constant 0 : i32
        %dma_wait3A_702 = tpu.memref_slice %arg6[%run_scoped3A_598, %dma_wait3A_700, %dma_wait3A_701] : memref<8x100x128xf32, #tpu.memory_space<vmem>> -> memref<1x100x128xf32, #tpu.memory_space<vmem>>
        %dma_wait3A_703 = tpu.memref_squeeze %dma_wait3A_702 : memref<1x100x128xf32, #tpu.memory_space<vmem>> -> memref<100x128xf32, #tpu.memory_space<vmem>>
        %dma_wait3A_704 = arith.constant 0 : i32
        %dma_wait3A_705 = arith.constant 0 : i32
        %dma_wait3A_706 = tpu.memref_slice %dma_wait3A_703[%dma_wait3A_704, %dma_wait3A_705] : memref<100x128xf32, #tpu.memory_space<vmem>> -> memref<50x128xf32, #tpu.memory_space<vmem>>
        tpu.wait_dma2 semaphore(%run_scoped3A_662 : memref<!tpu.dma_semaphore, #tpu.memory_space<semaphore_mem>>) src(%dma_wait3A_706 : memref<50x128xf32, #tpu.memory_space<vmem>>) dst(%dma_wait3A_699 : memref<50x128xf32, #tpu.memory_space<hbm>>)
        tpu.yield
      }) : () -> ()
      %add3A_599 = arith.constant 1 : i32
      %add3A_600 = arith.addi %add3A_595, %add3A_599 : i32
      %run_scoped3A_601 = arith.constant 6 : i32
      "tpu.region"() ({
        %run_scoped3A_662 = tpu.sem_alloc : memref<!tpu.dma_semaphore, #tpu.memory_space<semaphore_mem>>
        %dma_start3A_663 = arith.constant 0 : i32
        %dma_start3A_664 = arith.constant 0 : i32
        %dma_start3A_665 = tpu.memref_slice %arg6[%run_scoped3A_601, %dma_start3A_663, %dma_start3A_664] : memref<8x100x128xf32, #tpu.memory_space<vmem>> -> memref<1x100x128xf32, #tpu.memory_space<vmem>>
        %dma_start3A_666 = tpu.memref_squeeze %dma_start3A_665 : memref<1x100x128xf32, #tpu.memory_space<vmem>> -> memref<100x128xf32, #tpu.memory_space<vmem>>
        %dma_start3A_667 = arith.constant 50 : i32
        %dma_start3A_668 = arith.constant 0 : i32
        %dma_start3A_669 = tpu.memref_slice %dma_start3A_666[%dma_start3A_667, %dma_start3A_668] : memref<100x128xf32, #tpu.memory_space<vmem>> -> memref<50x128xf32, #tpu.memory_space<vmem>>
        %dma_start3A_670 = arith.constant 0 : i32
        %dma_start3A_671 = arith.constant 0 : i32
        %dma_start3A_672 = tpu.memref_slice %arg4[%add3A_600, %dma_start3A_670, %dma_start3A_671] : memref<4096x50x128xf32, #tpu.memory_space<hbm>> -> memref<1x50x128xf32, #tpu.memory_space<hbm>>
        %dma_start3A_673 = tpu.memref_squeeze %dma_start3A_672 : memref<1x50x128xf32, #tpu.memory_space<hbm>> -> memref<50x128xf32, #tpu.memory_space<hbm>>
        %dma_start3A_674 = arith.constant 0 : i32
        %dma_start3A_675 = arith.constant 0 : i32
        %dma_start3A_676 = tpu.memref_slice %arg4[%add3A_600, %dma_start3A_674, %dma_start3A_675] : memref<4096x50x128xf32, #tpu.memory_space<hbm>> -> memref<1x50x128xf32, #tpu.memory_space<hbm>>
        %dma_start3A_677 = tpu.memref_squeeze %dma_start3A_676 : memref<1x50x128xf32, #tpu.memory_space<hbm>> -> memref<50x128xf32, #tpu.memory_space<hbm>>
        %dma_start3A_678 = arith.constant 0 : i32
        %dma_start3A_679 = arith.constant 0 : i32
        %dma_start3A_680 = tpu.memref_slice %arg6[%run_scoped3A_601, %dma_start3A_678, %dma_start3A_679] : memref<8x100x128xf32, #tpu.memory_space<vmem>> -> memref<1x100x128xf32, #tpu.memory_space<vmem>>
        %dma_start3A_681 = tpu.memref_squeeze %dma_start3A_680 : memref<1x100x128xf32, #tpu.memory_space<vmem>> -> memref<100x128xf32, #tpu.memory_space<vmem>>
        %dma_start3A_682 = arith.constant 50 : i32
        %dma_start3A_683 = arith.constant 0 : i32
        %dma_start3A_684 = tpu.memref_slice %dma_start3A_681[%dma_start3A_682, %dma_start3A_683] : memref<100x128xf32, #tpu.memory_space<vmem>> -> memref<50x128xf32, #tpu.memory_space<vmem>>
        tpu.enqueue_dma source(%dma_start3A_684 : memref<50x128xf32, #tpu.memory_space<vmem>>) target(%dma_start3A_677 : memref<50x128xf32, #tpu.memory_space<hbm>>) target_semaphore(%run_scoped3A_662 : memref<!tpu.dma_semaphore, #tpu.memory_space<semaphore_mem>>)
        %dma_wait3A_685 = arith.constant 0 : i32
        %dma_wait3A_686 = arith.constant 0 : i32
        %dma_wait3A_687 = tpu.memref_slice %arg6[%run_scoped3A_601, %dma_wait3A_685, %dma_wait3A_686] : memref<8x100x128xf32, #tpu.memory_space<vmem>> -> memref<1x100x128xf32, #tpu.memory_space<vmem>>
        %dma_wait3A_688 = tpu.memref_squeeze %dma_wait3A_687 : memref<1x100x128xf32, #tpu.memory_space<vmem>> -> memref<100x128xf32, #tpu.memory_space<vmem>>
        %dma_wait3A_689 = arith.constant 50 : i32
        %dma_wait3A_690 = arith.constant 0 : i32
        %dma_wait3A_691 = tpu.memref_slice %dma_wait3A_688[%dma_wait3A_689, %dma_wait3A_690] : memref<100x128xf32, #tpu.memory_space<vmem>> -> memref<50x128xf32, #tpu.memory_space<vmem>>
        %dma_wait3A_692 = arith.constant 0 : i32
        %dma_wait3A_693 = arith.constant 0 : i32
        %dma_wait3A_694 = tpu.memref_slice %arg4[%add3A_600, %dma_wait3A_692, %dma_wait3A_693] : memref<4096x50x128xf32, #tpu.memory_space<hbm>> -> memref<1x50x128xf32, #tpu.memory_space<hbm>>
        %dma_wait3A_695 = tpu.memref_squeeze %dma_wait3A_694 : memref<1x50x128xf32, #tpu.memory_space<hbm>> -> memref<50x128xf32, #tpu.memory_space<hbm>>
        %dma_wait3A_696 = arith.constant 0 : i32
        %dma_wait3A_697 = arith.constant 0 : i32
        %dma_wait3A_698 = tpu.memref_slice %arg4[%add3A_600, %dma_wait3A_696, %dma_wait3A_697] : memref<4096x50x128xf32, #tpu.memory_space<hbm>> -> memref<1x50x128xf32, #tpu.memory_space<hbm>>
        %dma_wait3A_699 = tpu.memref_squeeze %dma_wait3A_698 : memref<1x50x128xf32, #tpu.memory_space<hbm>> -> memref<50x128xf32, #tpu.memory_space<hbm>>
        %dma_wait3A_700 = arith.constant 0 : i32
        %dma_wait3A_701 = arith.constant 0 : i32
        %dma_wait3A_702 = tpu.memref_slice %arg6[%run_scoped3A_601, %dma_wait3A_700, %dma_wait3A_701] : memref<8x100x128xf32, #tpu.memory_space<vmem>> -> memref<1x100x128xf32, #tpu.memory_space<vmem>>
        %dma_wait3A_703 = tpu.memref_squeeze %dma_wait3A_702 : memref<1x100x128xf32, #tpu.memory_space<vmem>> -> memref<100x128xf32, #tpu.memory_space<vmem>>
        %dma_wait3A_704 = arith.constant 50 : i32
        %dma_wait3A_705 = arith.constant 0 : i32
        %dma_wait3A_706 = tpu.memref_slice %dma_wait3A_703[%dma_wait3A_704, %dma_wait3A_705] : memref<100x128xf32, #tpu.memory_space<vmem>> -> memref<50x128xf32, #tpu.memory_space<vmem>>
        tpu.wait_dma2 semaphore(%run_scoped3A_662 : memref<!tpu.dma_semaphore, #tpu.memory_space<semaphore_mem>>) src(%dma_wait3A_706 : memref<50x128xf32, #tpu.memory_space<vmem>>) dst(%dma_wait3A_699 : memref<50x128xf32, #tpu.memory_space<hbm>>)
        tpu.yield
      }) : () -> ()
      %add3A_602 = arith.constant 8 : i32
      %add3A_603 = arith.addi %add3A_577, %add3A_602 : i32
      %dma_start3A_604 = arith.constant 6 : i32
      %dma_start3A_605 = arith.constant 6 : i32
      %dma_start3A_606 = arith.constant 0 : i32
      %dma_start3A_607 = arith.constant 0 : i32
      %dma_start3A_608 = tpu.memref_slice %arg6[%dma_start3A_604, %dma_start3A_606, %dma_start3A_607] : memref<8x100x128xf32, #tpu.memory_space<vmem>> -> memref<1x100x128xf32, #tpu.memory_space<vmem>>
      %dma_start3A_609 = tpu.memref_squeeze %dma_start3A_608 : memref<1x100x128xf32, #tpu.memory_space<vmem>> -> memref<100x128xf32, #tpu.memory_space<vmem>>
      %dma_start3A_610 = arith.constant 0 : i32
      %dma_start3A_611 = tpu.memref_slice %arg5[%add3A_603, %dma_start3A_610] : memref<64x100xi32, #tpu.memory_space<vmem>> -> memref<1x100xi32, #tpu.memory_space<vmem>>
      %dma_start3A_612 = tpu.memref_squeeze %dma_start3A_611 : memref<1x100xi32, #tpu.memory_space<vmem>> -> memref<100xi32, #tpu.memory_space<vmem>>
      %dma_start3A_613 = arith.constant 0 : i32
      %dma_start3A_614 = arith.constant 0 : i32
      %dma_start3A_615 = tpu.memref_slice %arg3[%dma_start3A_613, %dma_start3A_614] : memref<100000x128xf32, #tpu.memory_space<hbm>> -> memref<100000x128xf32, #tpu.memory_space<hbm>>
      %dma_start3A_616 = tpu.memref_slice %arg7[%dma_start3A_605] : memref<8x!tpu.dma_semaphore, #tpu.memory_space<semaphore_mem>> -> memref<1x!tpu.dma_semaphore, #tpu.memory_space<semaphore_mem>>
      %dma_start3A_617 = tpu.memref_squeeze %dma_start3A_616 : memref<1x!tpu.dma_semaphore, #tpu.memory_space<semaphore_mem>> -> memref<!tpu.dma_semaphore, #tpu.memory_space<semaphore_mem>>
      tpu.enqueue_indirect_dma source(%dma_start3A_615 : memref<100000x128xf32, #tpu.memory_space<hbm>>) target(%dma_start3A_609 : memref<100x128xf32, #tpu.memory_space<vmem>>) offsets(%dma_start3A_612 : memref<100xi32, #tpu.memory_space<vmem>>) semaphore(%dma_start3A_617 : memref<!tpu.dma_semaphore, #tpu.memory_space<semaphore_mem>>)
      %mul3A_618 = arith.constant 8 : i32
      %mul3A_619 = arith.muli %scan3A_309, %mul3A_618 : i32
      %add3A_620 = arith.constant 7 : i32
      %add3A_621 = arith.addi %mul3A_619, %add3A_620 : i32
      %dma_wait3A_622 = arith.constant 0 : i32
      %dma_wait3A_623 = arith.constant 7 : i32
      %dma_wait3A_624 = arith.constant 7 : i32
      %dma_wait3A_625 = arith.constant 0 : i32
      %dma_wait3A_626 = arith.constant 0 : i32
      %dma_wait3A_627 = tpu.memref_slice %arg6[%dma_wait3A_623, %dma_wait3A_625, %dma_wait3A_626] : memref<8x100x128xf32, #tpu.memory_space<vmem>> -> memref<1x100x128xf32, #tpu.memory_space<vmem>>
      %dma_wait3A_628 = tpu.memref_squeeze %dma_wait3A_627 : memref<1x100x128xf32, #tpu.memory_space<vmem>> -> memref<100x128xf32, #tpu.memory_space<vmem>>
      %dma_wait3A_629 = arith.constant 0 : i32
      %dma_wait3A_630 = tpu.memref_slice %arg5[%dma_wait3A_622, %dma_wait3A_629] : memref<64x100xi32, #tpu.memory_space<vmem>> -> memref<1x100xi32, #tpu.memory_space<vmem>>
      %dma_wait3A_631 = tpu.memref_squeeze %dma_wait3A_630 : memref<1x100xi32, #tpu.memory_space<vmem>> -> memref<100xi32, #tpu.memory_space<vmem>>
      %dma_wait3A_632 = arith.constant 0 : i32
      %dma_wait3A_633 = arith.constant 0 : i32
      %dma_wait3A_634 = tpu.memref_slice %arg3[%dma_wait3A_632, %dma_wait3A_633] : memref<100000x128xf32, #tpu.memory_space<hbm>> -> memref<100000x128xf32, #tpu.memory_space<hbm>>
      %dma_wait3A_635 = tpu.memref_slice %arg7[%dma_wait3A_624] : memref<8x!tpu.dma_semaphore, #tpu.memory_space<semaphore_mem>> -> memref<1x!tpu.dma_semaphore, #tpu.memory_space<semaphore_mem>>
      %dma_wait3A_636 = tpu.memref_squeeze %dma_wait3A_635 : memref<1x!tpu.dma_semaphore, #tpu.memory_space<semaphore_mem>> -> memref<!tpu.dma_semaphore, #tpu.memory_space<semaphore_mem>>
      tpu.wait_indirect_dma semaphore(%dma_wait3A_636 : memref<!tpu.dma_semaphore, #tpu.memory_space<semaphore_mem>>) src(%dma_wait3A_634 : memref<100000x128xf32, #tpu.memory_space<hbm>>) dst(%dma_wait3A_628 : memref<100x128xf32, #tpu.memory_space<vmem>>)
      %mul3A_637 = arith.constant 2 : i32
      %mul3A_638 = arith.muli %add3A_621, %mul3A_637 : i32
      %add3A_639 = arith.addi %mul3A_2, %mul3A_638 : i32
      %add3A_640 = arith.constant 0 : i32
      %add3A_641 = arith.addi %add3A_639, %add3A_640 : i32
      %run_scoped3A_642 = arith.constant 7 : i32
      "tpu.region"() ({
        %run_scoped3A_662 = tpu.sem_alloc : memref<!tpu.dma_semaphore, #tpu.memory_space<semaphore_mem>>
        %dma_start3A_663 = arith.constant 0 : i32
        %dma_start3A_664 = arith.constant 0 : i32
        %dma_start3A_665 = tpu.memref_slice %arg6[%run_scoped3A_642, %dma_start3A_663, %dma_start3A_664] : memref<8x100x128xf32, #tpu.memory_space<vmem>> -> memref<1x100x128xf32, #tpu.memory_space<vmem>>
        %dma_start3A_666 = tpu.memref_squeeze %dma_start3A_665 : memref<1x100x128xf32, #tpu.memory_space<vmem>> -> memref<100x128xf32, #tpu.memory_space<vmem>>
        %dma_start3A_667 = arith.constant 0 : i32
        %dma_start3A_668 = arith.constant 0 : i32
        %dma_start3A_669 = tpu.memref_slice %dma_start3A_666[%dma_start3A_667, %dma_start3A_668] : memref<100x128xf32, #tpu.memory_space<vmem>> -> memref<50x128xf32, #tpu.memory_space<vmem>>
        %dma_start3A_670 = arith.constant 0 : i32
        %dma_start3A_671 = arith.constant 0 : i32
        %dma_start3A_672 = tpu.memref_slice %arg4[%add3A_641, %dma_start3A_670, %dma_start3A_671] : memref<4096x50x128xf32, #tpu.memory_space<hbm>> -> memref<1x50x128xf32, #tpu.memory_space<hbm>>
        %dma_start3A_673 = tpu.memref_squeeze %dma_start3A_672 : memref<1x50x128xf32, #tpu.memory_space<hbm>> -> memref<50x128xf32, #tpu.memory_space<hbm>>
        %dma_start3A_674 = arith.constant 0 : i32
        %dma_start3A_675 = arith.constant 0 : i32
        %dma_start3A_676 = tpu.memref_slice %arg4[%add3A_641, %dma_start3A_674, %dma_start3A_675] : memref<4096x50x128xf32, #tpu.memory_space<hbm>> -> memref<1x50x128xf32, #tpu.memory_space<hbm>>
        %dma_start3A_677 = tpu.memref_squeeze %dma_start3A_676 : memref<1x50x128xf32, #tpu.memory_space<hbm>> -> memref<50x128xf32, #tpu.memory_space<hbm>>
        %dma_start3A_678 = arith.constant 0 : i32
        %dma_start3A_679 = arith.constant 0 : i32
        %dma_start3A_680 = tpu.memref_slice %arg6[%run_scoped3A_642, %dma_start3A_678, %dma_start3A_679] : memref<8x100x128xf32, #tpu.memory_space<vmem>> -> memref<1x100x128xf32, #tpu.memory_space<vmem>>
        %dma_start3A_681 = tpu.memref_squeeze %dma_start3A_680 : memref<1x100x128xf32, #tpu.memory_space<vmem>> -> memref<100x128xf32, #tpu.memory_space<vmem>>
        %dma_start3A_682 = arith.constant 0 : i32
        %dma_start3A_683 = arith.constant 0 : i32
        %dma_start3A_684 = tpu.memref_slice %dma_start3A_681[%dma_start3A_682, %dma_start3A_683] : memref<100x128xf32, #tpu.memory_space<vmem>> -> memref<50x128xf32, #tpu.memory_space<vmem>>
        tpu.enqueue_dma source(%dma_start3A_684 : memref<50x128xf32, #tpu.memory_space<vmem>>) target(%dma_start3A_677 : memref<50x128xf32, #tpu.memory_space<hbm>>) target_semaphore(%run_scoped3A_662 : memref<!tpu.dma_semaphore, #tpu.memory_space<semaphore_mem>>)
        %dma_wait3A_685 = arith.constant 0 : i32
        %dma_wait3A_686 = arith.constant 0 : i32
        %dma_wait3A_687 = tpu.memref_slice %arg6[%run_scoped3A_642, %dma_wait3A_685, %dma_wait3A_686] : memref<8x100x128xf32, #tpu.memory_space<vmem>> -> memref<1x100x128xf32, #tpu.memory_space<vmem>>
        %dma_wait3A_688 = tpu.memref_squeeze %dma_wait3A_687 : memref<1x100x128xf32, #tpu.memory_space<vmem>> -> memref<100x128xf32, #tpu.memory_space<vmem>>
        %dma_wait3A_689 = arith.constant 0 : i32
        %dma_wait3A_690 = arith.constant 0 : i32
        %dma_wait3A_691 = tpu.memref_slice %dma_wait3A_688[%dma_wait3A_689, %dma_wait3A_690] : memref<100x128xf32, #tpu.memory_space<vmem>> -> memref<50x128xf32, #tpu.memory_space<vmem>>
        %dma_wait3A_692 = arith.constant 0 : i32
        %dma_wait3A_693 = arith.constant 0 : i32
        %dma_wait3A_694 = tpu.memref_slice %arg4[%add3A_641, %dma_wait3A_692, %dma_wait3A_693] : memref<4096x50x128xf32, #tpu.memory_space<hbm>> -> memref<1x50x128xf32, #tpu.memory_space<hbm>>
        %dma_wait3A_695 = tpu.memref_squeeze %dma_wait3A_694 : memref<1x50x128xf32, #tpu.memory_space<hbm>> -> memref<50x128xf32, #tpu.memory_space<hbm>>
        %dma_wait3A_696 = arith.constant 0 : i32
        %dma_wait3A_697 = arith.constant 0 : i32
        %dma_wait3A_698 = tpu.memref_slice %arg4[%add3A_641, %dma_wait3A_696, %dma_wait3A_697] : memref<4096x50x128xf32, #tpu.memory_space<hbm>> -> memref<1x50x128xf32, #tpu.memory_space<hbm>>
        %dma_wait3A_699 = tpu.memref_squeeze %dma_wait3A_698 : memref<1x50x128xf32, #tpu.memory_space<hbm>> -> memref<50x128xf32, #tpu.memory_space<hbm>>
        %dma_wait3A_700 = arith.constant 0 : i32
        %dma_wait3A_701 = arith.constant 0 : i32
        %dma_wait3A_702 = tpu.memref_slice %arg6[%run_scoped3A_642, %dma_wait3A_700, %dma_wait3A_701] : memref<8x100x128xf32, #tpu.memory_space<vmem>> -> memref<1x100x128xf32, #tpu.memory_space<vmem>>
        %dma_wait3A_703 = tpu.memref_squeeze %dma_wait3A_702 : memref<1x100x128xf32, #tpu.memory_space<vmem>> -> memref<100x128xf32, #tpu.memory_space<vmem>>
        %dma_wait3A_704 = arith.constant 0 : i32
        %dma_wait3A_705 = arith.constant 0 : i32
        %dma_wait3A_706 = tpu.memref_slice %dma_wait3A_703[%dma_wait3A_704, %dma_wait3A_705] : memref<100x128xf32, #tpu.memory_space<vmem>> -> memref<50x128xf32, #tpu.memory_space<vmem>>
        tpu.wait_dma2 semaphore(%run_scoped3A_662 : memref<!tpu.dma_semaphore, #tpu.memory_space<semaphore_mem>>) src(%dma_wait3A_706 : memref<50x128xf32, #tpu.memory_space<vmem>>) dst(%dma_wait3A_699 : memref<50x128xf32, #tpu.memory_space<hbm>>)
        tpu.yield
      }) : () -> ()
      %add3A_643 = arith.constant 1 : i32
      %add3A_644 = arith.addi %add3A_639, %add3A_643 : i32
      %run_scoped3A_645 = arith.constant 7 : i32
      "tpu.region"() ({
        %run_scoped3A_662 = tpu.sem_alloc : memref<!tpu.dma_semaphore, #tpu.memory_space<semaphore_mem>>
        %dma_start3A_663 = arith.constant 0 : i32
        %dma_start3A_664 = arith.constant 0 : i32
        %dma_start3A_665 = tpu.memref_slice %arg6[%run_scoped3A_645, %dma_start3A_663, %dma_start3A_664] : memref<8x100x128xf32, #tpu.memory_space<vmem>> -> memref<1x100x128xf32, #tpu.memory_space<vmem>>
        %dma_start3A_666 = tpu.memref_squeeze %dma_start3A_665 : memref<1x100x128xf32, #tpu.memory_space<vmem>> -> memref<100x128xf32, #tpu.memory_space<vmem>>
        %dma_start3A_667 = arith.constant 50 : i32
        %dma_start3A_668 = arith.constant 0 : i32
        %dma_start3A_669 = tpu.memref_slice %dma_start3A_666[%dma_start3A_667, %dma_start3A_668] : memref<100x128xf32, #tpu.memory_space<vmem>> -> memref<50x128xf32, #tpu.memory_space<vmem>>
        %dma_start3A_670 = arith.constant 0 : i32
        %dma_start3A_671 = arith.constant 0 : i32
        %dma_start3A_672 = tpu.memref_slice %arg4[%add3A_644, %dma_start3A_670, %dma_start3A_671] : memref<4096x50x128xf32, #tpu.memory_space<hbm>> -> memref<1x50x128xf32, #tpu.memory_space<hbm>>
        %dma_start3A_673 = tpu.memref_squeeze %dma_start3A_672 : memref<1x50x128xf32, #tpu.memory_space<hbm>> -> memref<50x128xf32, #tpu.memory_space<hbm>>
        %dma_start3A_674 = arith.constant 0 : i32
        %dma_start3A_675 = arith.constant 0 : i32
        %dma_start3A_676 = tpu.memref_slice %arg4[%add3A_644, %dma_start3A_674, %dma_start3A_675] : memref<4096x50x128xf32, #tpu.memory_space<hbm>> -> memref<1x50x128xf32, #tpu.memory_space<hbm>>
        %dma_start3A_677 = tpu.memref_squeeze %dma_start3A_676 : memref<1x50x128xf32, #tpu.memory_space<hbm>> -> memref<50x128xf32, #tpu.memory_space<hbm>>
        %dma_start3A_678 = arith.constant 0 : i32
        %dma_start3A_679 = arith.constant 0 : i32
        %dma_start3A_680 = tpu.memref_slice %arg6[%run_scoped3A_645, %dma_start3A_678, %dma_start3A_679] : memref<8x100x128xf32, #tpu.memory_space<vmem>> -> memref<1x100x128xf32, #tpu.memory_space<vmem>>
        %dma_start3A_681 = tpu.memref_squeeze %dma_start3A_680 : memref<1x100x128xf32, #tpu.memory_space<vmem>> -> memref<100x128xf32, #tpu.memory_space<vmem>>
        %dma_start3A_682 = arith.constant 50 : i32
        %dma_start3A_683 = arith.constant 0 : i32
        %dma_start3A_684 = tpu.memref_slice %dma_start3A_681[%dma_start3A_682, %dma_start3A_683] : memref<100x128xf32, #tpu.memory_space<vmem>> -> memref<50x128xf32, #tpu.memory_space<vmem>>
        tpu.enqueue_dma source(%dma_start3A_684 : memref<50x128xf32, #tpu.memory_space<vmem>>) target(%dma_start3A_677 : memref<50x128xf32, #tpu.memory_space<hbm>>) target_semaphore(%run_scoped3A_662 : memref<!tpu.dma_semaphore, #tpu.memory_space<semaphore_mem>>)
        %dma_wait3A_685 = arith.constant 0 : i32
        %dma_wait3A_686 = arith.constant 0 : i32
        %dma_wait3A_687 = tpu.memref_slice %arg6[%run_scoped3A_645, %dma_wait3A_685, %dma_wait3A_686] : memref<8x100x128xf32, #tpu.memory_space<vmem>> -> memref<1x100x128xf32, #tpu.memory_space<vmem>>
        %dma_wait3A_688 = tpu.memref_squeeze %dma_wait3A_687 : memref<1x100x128xf32, #tpu.memory_space<vmem>> -> memref<100x128xf32, #tpu.memory_space<vmem>>
        %dma_wait3A_689 = arith.constant 50 : i32
        %dma_wait3A_690 = arith.constant 0 : i32
        %dma_wait3A_691 = tpu.memref_slice %dma_wait3A_688[%dma_wait3A_689, %dma_wait3A_690] : memref<100x128xf32, #tpu.memory_space<vmem>> -> memref<50x128xf32, #tpu.memory_space<vmem>>
        %dma_wait3A_692 = arith.constant 0 : i32
        %dma_wait3A_693 = arith.constant 0 : i32
        %dma_wait3A_694 = tpu.memref_slice %arg4[%add3A_644, %dma_wait3A_692, %dma_wait3A_693] : memref<4096x50x128xf32, #tpu.memory_space<hbm>> -> memref<1x50x128xf32, #tpu.memory_space<hbm>>
        %dma_wait3A_695 = tpu.memref_squeeze %dma_wait3A_694 : memref<1x50x128xf32, #tpu.memory_space<hbm>> -> memref<50x128xf32, #tpu.memory_space<hbm>>
        %dma_wait3A_696 = arith.constant 0 : i32
        %dma_wait3A_697 = arith.constant 0 : i32
        %dma_wait3A_698 = tpu.memref_slice %arg4[%add3A_644, %dma_wait3A_696, %dma_wait3A_697] : memref<4096x50x128xf32, #tpu.memory_space<hbm>> -> memref<1x50x128xf32, #tpu.memory_space<hbm>>
        %dma_wait3A_699 = tpu.memref_squeeze %dma_wait3A_698 : memref<1x50x128xf32, #tpu.memory_space<hbm>> -> memref<50x128xf32, #tpu.memory_space<hbm>>
        %dma_wait3A_700 = arith.constant 0 : i32
        %dma_wait3A_701 = arith.constant 0 : i32
        %dma_wait3A_702 = tpu.memref_slice %arg6[%run_scoped3A_645, %dma_wait3A_700, %dma_wait3A_701] : memref<8x100x128xf32, #tpu.memory_space<vmem>> -> memref<1x100x128xf32, #tpu.memory_space<vmem>>
        %dma_wait3A_703 = tpu.memref_squeeze %dma_wait3A_702 : memref<1x100x128xf32, #tpu.memory_space<vmem>> -> memref<100x128xf32, #tpu.memory_space<vmem>>
        %dma_wait3A_704 = arith.constant 50 : i32
        %dma_wait3A_705 = arith.constant 0 : i32
        %dma_wait3A_706 = tpu.memref_slice %dma_wait3A_703[%dma_wait3A_704, %dma_wait3A_705] : memref<100x128xf32, #tpu.memory_space<vmem>> -> memref<50x128xf32, #tpu.memory_space<vmem>>
        tpu.wait_dma2 semaphore(%run_scoped3A_662 : memref<!tpu.dma_semaphore, #tpu.memory_space<semaphore_mem>>) src(%dma_wait3A_706 : memref<50x128xf32, #tpu.memory_space<vmem>>) dst(%dma_wait3A_699 : memref<50x128xf32, #tpu.memory_space<hbm>>)
        tpu.yield
      }) : () -> ()
      %add3A_646 = arith.constant 8 : i32
      %add3A_647 = arith.addi %add3A_621, %add3A_646 : i32
      %dma_start3A_648 = arith.constant 7 : i32
      %dma_start3A_649 = arith.constant 7 : i32
      %dma_start3A_650 = arith.constant 0 : i32
      %dma_start3A_651 = arith.constant 0 : i32
      %dma_start3A_652 = tpu.memref_slice %arg6[%dma_start3A_648, %dma_start3A_650, %dma_start3A_651] : memref<8x100x128xf32, #tpu.memory_space<vmem>> -> memref<1x100x128xf32, #tpu.memory_space<vmem>>
      %dma_start3A_653 = tpu.memref_squeeze %dma_start3A_652 : memref<1x100x128xf32, #tpu.memory_space<vmem>> -> memref<100x128xf32, #tpu.memory_space<vmem>>
      %dma_start3A_654 = arith.constant 0 : i32
      %dma_start3A_655 = tpu.memref_slice %arg5[%add3A_647, %dma_start3A_654] : memref<64x100xi32, #tpu.memory_space<vmem>> -> memref<1x100xi32, #tpu.memory_space<vmem>>
      %dma_start3A_656 = tpu.memref_squeeze %dma_start3A_655 : memref<1x100xi32, #tpu.memory_space<vmem>> -> memref<100xi32, #tpu.memory_space<vmem>>
      %dma_start3A_657 = arith.constant 0 : i32
      %dma_start3A_658 = arith.constant 0 : i32
      %dma_start3A_659 = tpu.memref_slice %arg3[%dma_start3A_657, %dma_start3A_658] : memref<100000x128xf32, #tpu.memory_space<hbm>> -> memref<100000x128xf32, #tpu.memory_space<hbm>>
      %dma_start3A_660 = tpu.memref_slice %arg7[%dma_start3A_649] : memref<8x!tpu.dma_semaphore, #tpu.memory_space<semaphore_mem>> -> memref<1x!tpu.dma_semaphore, #tpu.memory_space<semaphore_mem>>
      %dma_start3A_661 = tpu.memref_squeeze %dma_start3A_660 : memref<1x!tpu.dma_semaphore, #tpu.memory_space<semaphore_mem>> -> memref<!tpu.dma_semaphore, #tpu.memory_space<semaphore_mem>>
      tpu.enqueue_indirect_dma source(%dma_start3A_659 : memref<100000x128xf32, #tpu.memory_space<hbm>>) target(%dma_start3A_653 : memref<100x128xf32, #tpu.memory_space<vmem>>) offsets(%dma_start3A_656 : memref<100xi32, #tpu.memory_space<vmem>>) semaphore(%dma_start3A_661 : memref<!tpu.dma_semaphore, #tpu.memory_space<semaphore_mem>>)
    }
    %scan3A_126 = arith.constant 7 : i32
    %dma_wait3A = arith.constant 0 : i32
    %dma_wait3A_127 = arith.constant 0 : i32
    %dma_wait3A_128 = arith.constant 0 : i32
    %dma_wait3A_129 = arith.constant 0 : i32
    %dma_wait3A_130 = arith.constant 0 : i32
    %dma_wait3A_131 = tpu.memref_slice %arg6[%dma_wait3A_127, %dma_wait3A_129, %dma_wait3A_130] : memref<8x100x128xf32, #tpu.memory_space<vmem>> -> memref<1x100x128xf32, #tpu.memory_space<vmem>>
    %dma_wait3A_132 = tpu.memref_squeeze %dma_wait3A_131 : memref<1x100x128xf32, #tpu.memory_space<vmem>> -> memref<100x128xf32, #tpu.memory_space<vmem>>
    %dma_wait3A_133 = arith.constant 0 : i32
    %dma_wait3A_134 = tpu.memref_slice %arg5[%dma_wait3A, %dma_wait3A_133] : memref<64x100xi32, #tpu.memory_space<vmem>> -> memref<1x100xi32, #tpu.memory_space<vmem>>
    %dma_wait3A_135 = tpu.memref_squeeze %dma_wait3A_134 : memref<1x100xi32, #tpu.memory_space<vmem>> -> memref<100xi32, #tpu.memory_space<vmem>>
    %dma_wait3A_136 = arith.constant 0 : i32
    %dma_wait3A_137 = arith.constant 0 : i32
    %dma_wait3A_138 = tpu.memref_slice %arg3[%dma_wait3A_136, %dma_wait3A_137] : memref<100000x128xf32, #tpu.memory_space<hbm>> -> memref<100000x128xf32, #tpu.memory_space<hbm>>
    %dma_wait3A_139 = tpu.memref_slice %arg7[%dma_wait3A_128] : memref<8x!tpu.dma_semaphore, #tpu.memory_space<semaphore_mem>> -> memref<1x!tpu.dma_semaphore, #tpu.memory_space<semaphore_mem>>
    %dma_wait3A_140 = tpu.memref_squeeze %dma_wait3A_139 : memref<1x!tpu.dma_semaphore, #tpu.memory_space<semaphore_mem>> -> memref<!tpu.dma_semaphore, #tpu.memory_space<semaphore_mem>>
    tpu.wait_indirect_dma semaphore(%dma_wait3A_140 : memref<!tpu.dma_semaphore, #tpu.memory_space<semaphore_mem>>) src(%dma_wait3A_138 : memref<100000x128xf32, #tpu.memory_space<hbm>>) dst(%dma_wait3A_132 : memref<100x128xf32, #tpu.memory_space<vmem>>)
    %add3A_141 = arith.constant 112 : i32
    %add3A_142 = arith.addi %mul3A_2, %add3A_141 : i32
    %add3A_143 = arith.constant 0 : i32
    %add3A_144 = arith.addi %add3A_142, %add3A_143 : i32
    %run_scoped3A = arith.constant 0 : i32
    "tpu.region"() ({
      %run_scoped3A_309 = tpu.sem_alloc : memref<!tpu.dma_semaphore, #tpu.memory_space<semaphore_mem>>
      %dma_start3A_310 = arith.constant 0 : i32
      %dma_start3A_311 = arith.constant 0 : i32
      %dma_start3A_312 = tpu.memref_slice %arg6[%run_scoped3A, %dma_start3A_310, %dma_start3A_311] : memref<8x100x128xf32, #tpu.memory_space<vmem>> -> memref<1x100x128xf32, #tpu.memory_space<vmem>>
      %dma_start3A_313 = tpu.memref_squeeze %dma_start3A_312 : memref<1x100x128xf32, #tpu.memory_space<vmem>> -> memref<100x128xf32, #tpu.memory_space<vmem>>
      %dma_start3A_314 = arith.constant 0 : i32
      %dma_start3A_315 = arith.constant 0 : i32
      %dma_start3A_316 = tpu.memref_slice %dma_start3A_313[%dma_start3A_314, %dma_start3A_315] : memref<100x128xf32, #tpu.memory_space<vmem>> -> memref<50x128xf32, #tpu.memory_space<vmem>>
      %dma_start3A_317 = arith.constant 0 : i32
      %dma_start3A_318 = arith.constant 0 : i32
      %dma_start3A_319 = tpu.memref_slice %arg4[%add3A_144, %dma_start3A_317, %dma_start3A_318] : memref<4096x50x128xf32, #tpu.memory_space<hbm>> -> memref<1x50x128xf32, #tpu.memory_space<hbm>>
      %dma_start3A_320 = tpu.memref_squeeze %dma_start3A_319 : memref<1x50x128xf32, #tpu.memory_space<hbm>> -> memref<50x128xf32, #tpu.memory_space<hbm>>
      %dma_start3A_321 = arith.constant 0 : i32
      %dma_start3A_322 = arith.constant 0 : i32
      %dma_start3A_323 = tpu.memref_slice %arg4[%add3A_144, %dma_start3A_321, %dma_start3A_322] : memref<4096x50x128xf32, #tpu.memory_space<hbm>> -> memref<1x50x128xf32, #tpu.memory_space<hbm>>
      %dma_start3A_324 = tpu.memref_squeeze %dma_start3A_323 : memref<1x50x128xf32, #tpu.memory_space<hbm>> -> memref<50x128xf32, #tpu.memory_space<hbm>>
      %dma_start3A_325 = arith.constant 0 : i32
      %dma_start3A_326 = arith.constant 0 : i32
      %dma_start3A_327 = tpu.memref_slice %arg6[%run_scoped3A, %dma_start3A_325, %dma_start3A_326] : memref<8x100x128xf32, #tpu.memory_space<vmem>> -> memref<1x100x128xf32, #tpu.memory_space<vmem>>
      %dma_start3A_328 = tpu.memref_squeeze %dma_start3A_327 : memref<1x100x128xf32, #tpu.memory_space<vmem>> -> memref<100x128xf32, #tpu.memory_space<vmem>>
      %dma_start3A_329 = arith.constant 0 : i32
      %dma_start3A_330 = arith.constant 0 : i32
      %dma_start3A_331 = tpu.memref_slice %dma_start3A_328[%dma_start3A_329, %dma_start3A_330] : memref<100x128xf32, #tpu.memory_space<vmem>> -> memref<50x128xf32, #tpu.memory_space<vmem>>
      tpu.enqueue_dma source(%dma_start3A_331 : memref<50x128xf32, #tpu.memory_space<vmem>>) target(%dma_start3A_324 : memref<50x128xf32, #tpu.memory_space<hbm>>) target_semaphore(%run_scoped3A_309 : memref<!tpu.dma_semaphore, #tpu.memory_space<semaphore_mem>>)
      %dma_wait3A_332 = arith.constant 0 : i32
      %dma_wait3A_333 = arith.constant 0 : i32
      %dma_wait3A_334 = tpu.memref_slice %arg6[%run_scoped3A, %dma_wait3A_332, %dma_wait3A_333] : memref<8x100x128xf32, #tpu.memory_space<vmem>> -> memref<1x100x128xf32, #tpu.memory_space<vmem>>
      %dma_wait3A_335 = tpu.memref_squeeze %dma_wait3A_334 : memref<1x100x128xf32, #tpu.memory_space<vmem>> -> memref<100x128xf32, #tpu.memory_space<vmem>>
      %dma_wait3A_336 = arith.constant 0 : i32
      %dma_wait3A_337 = arith.constant 0 : i32
      %dma_wait3A_338 = tpu.memref_slice %dma_wait3A_335[%dma_wait3A_336, %dma_wait3A_337] : memref<100x128xf32, #tpu.memory_space<vmem>> -> memref<50x128xf32, #tpu.memory_space<vmem>>
      %dma_wait3A_339 = arith.constant 0 : i32
      %dma_wait3A_340 = arith.constant 0 : i32
      %dma_wait3A_341 = tpu.memref_slice %arg4[%add3A_144, %dma_wait3A_339, %dma_wait3A_340] : memref<4096x50x128xf32, #tpu.memory_space<hbm>> -> memref<1x50x128xf32, #tpu.memory_space<hbm>>
      %dma_wait3A_342 = tpu.memref_squeeze %dma_wait3A_341 : memref<1x50x128xf32, #tpu.memory_space<hbm>> -> memref<50x128xf32, #tpu.memory_space<hbm>>
      %dma_wait3A_343 = arith.constant 0 : i32
      %dma_wait3A_344 = arith.constant 0 : i32
      %dma_wait3A_345 = tpu.memref_slice %arg4[%add3A_144, %dma_wait3A_343, %dma_wait3A_344] : memref<4096x50x128xf32, #tpu.memory_space<hbm>> -> memref<1x50x128xf32, #tpu.memory_space<hbm>>
      %dma_wait3A_346 = tpu.memref_squeeze %dma_wait3A_345 : memref<1x50x128xf32, #tpu.memory_space<hbm>> -> memref<50x128xf32, #tpu.memory_space<hbm>>
      %dma_wait3A_347 = arith.constant 0 : i32
      %dma_wait3A_348 = arith.constant 0 : i32
      %dma_wait3A_349 = tpu.memref_slice %arg6[%run_scoped3A, %dma_wait3A_347, %dma_wait3A_348] : memref<8x100x128xf32, #tpu.memory_space<vmem>> -> memref<1x100x128xf32, #tpu.memory_space<vmem>>
      %dma_wait3A_350 = tpu.memref_squeeze %dma_wait3A_349 : memref<1x100x128xf32, #tpu.memory_space<vmem>> -> memref<100x128xf32, #tpu.memory_space<vmem>>
      %dma_wait3A_351 = arith.constant 0 : i32
      %dma_wait3A_352 = arith.constant 0 : i32
      %dma_wait3A_353 = tpu.memref_slice %dma_wait3A_350[%dma_wait3A_351, %dma_wait3A_352] : memref<100x128xf32, #tpu.memory_space<vmem>> -> memref<50x128xf32, #tpu.memory_space<vmem>>
      tpu.wait_dma2 semaphore(%run_scoped3A_309 : memref<!tpu.dma_semaphore, #tpu.memory_space<semaphore_mem>>) src(%dma_wait3A_353 : memref<50x128xf32, #tpu.memory_space<vmem>>) dst(%dma_wait3A_346 : memref<50x128xf32, #tpu.memory_space<hbm>>)
      tpu.yield
    }) : () -> ()
    %add3A_145 = arith.constant 1 : i32
    %add3A_146 = arith.addi %add3A_142, %add3A_145 : i32
    %run_scoped3A_147 = arith.constant 0 : i32
    "tpu.region"() ({
      %run_scoped3A_309 = tpu.sem_alloc : memref<!tpu.dma_semaphore, #tpu.memory_space<semaphore_mem>>
      %dma_start3A_310 = arith.constant 0 : i32
      %dma_start3A_311 = arith.constant 0 : i32
      %dma_start3A_312 = tpu.memref_slice %arg6[%run_scoped3A_147, %dma_start3A_310, %dma_start3A_311] : memref<8x100x128xf32, #tpu.memory_space<vmem>> -> memref<1x100x128xf32, #tpu.memory_space<vmem>>
      %dma_start3A_313 = tpu.memref_squeeze %dma_start3A_312 : memref<1x100x128xf32, #tpu.memory_space<vmem>> -> memref<100x128xf32, #tpu.memory_space<vmem>>
      %dma_start3A_314 = arith.constant 50 : i32
      %dma_start3A_315 = arith.constant 0 : i32
      %dma_start3A_316 = tpu.memref_slice %dma_start3A_313[%dma_start3A_314, %dma_start3A_315] : memref<100x128xf32, #tpu.memory_space<vmem>> -> memref<50x128xf32, #tpu.memory_space<vmem>>
      %dma_start3A_317 = arith.constant 0 : i32
      %dma_start3A_318 = arith.constant 0 : i32
      %dma_start3A_319 = tpu.memref_slice %arg4[%add3A_146, %dma_start3A_317, %dma_start3A_318] : memref<4096x50x128xf32, #tpu.memory_space<hbm>> -> memref<1x50x128xf32, #tpu.memory_space<hbm>>
      %dma_start3A_320 = tpu.memref_squeeze %dma_start3A_319 : memref<1x50x128xf32, #tpu.memory_space<hbm>> -> memref<50x128xf32, #tpu.memory_space<hbm>>
      %dma_start3A_321 = arith.constant 0 : i32
      %dma_start3A_322 = arith.constant 0 : i32
      %dma_start3A_323 = tpu.memref_slice %arg4[%add3A_146, %dma_start3A_321, %dma_start3A_322] : memref<4096x50x128xf32, #tpu.memory_space<hbm>> -> memref<1x50x128xf32, #tpu.memory_space<hbm>>
      %dma_start3A_324 = tpu.memref_squeeze %dma_start3A_323 : memref<1x50x128xf32, #tpu.memory_space<hbm>> -> memref<50x128xf32, #tpu.memory_space<hbm>>
      %dma_start3A_325 = arith.constant 0 : i32
      %dma_start3A_326 = arith.constant 0 : i32
      %dma_start3A_327 = tpu.memref_slice %arg6[%run_scoped3A_147, %dma_start3A_325, %dma_start3A_326] : memref<8x100x128xf32, #tpu.memory_space<vmem>> -> memref<1x100x128xf32, #tpu.memory_space<vmem>>
      %dma_start3A_328 = tpu.memref_squeeze %dma_start3A_327 : memref<1x100x128xf32, #tpu.memory_space<vmem>> -> memref<100x128xf32, #tpu.memory_space<vmem>>
      %dma_start3A_329 = arith.constant 50 : i32
      %dma_start3A_330 = arith.constant 0 : i32
      %dma_start3A_331 = tpu.memref_slice %dma_start3A_328[%dma_start3A_329, %dma_start3A_330] : memref<100x128xf32, #tpu.memory_space<vmem>> -> memref<50x128xf32, #tpu.memory_space<vmem>>
      tpu.enqueue_dma source(%dma_start3A_331 : memref<50x128xf32, #tpu.memory_space<vmem>>) target(%dma_start3A_324 : memref<50x128xf32, #tpu.memory_space<hbm>>) target_semaphore(%run_scoped3A_309 : memref<!tpu.dma_semaphore, #tpu.memory_space<semaphore_mem>>)
      %dma_wait3A_332 = arith.constant 0 : i32
      %dma_wait3A_333 = arith.constant 0 : i32
      %dma_wait3A_334 = tpu.memref_slice %arg6[%run_scoped3A_147, %dma_wait3A_332, %dma_wait3A_333] : memref<8x100x128xf32, #tpu.memory_space<vmem>> -> memref<1x100x128xf32, #tpu.memory_space<vmem>>
      %dma_wait3A_335 = tpu.memref_squeeze %dma_wait3A_334 : memref<1x100x128xf32, #tpu.memory_space<vmem>> -> memref<100x128xf32, #tpu.memory_space<vmem>>
      %dma_wait3A_336 = arith.constant 50 : i32
      %dma_wait3A_337 = arith.constant 0 : i32
      %dma_wait3A_338 = tpu.memref_slice %dma_wait3A_335[%dma_wait3A_336, %dma_wait3A_337] : memref<100x128xf32, #tpu.memory_space<vmem>> -> memref<50x128xf32, #tpu.memory_space<vmem>>
      %dma_wait3A_339 = arith.constant 0 : i32
      %dma_wait3A_340 = arith.constant 0 : i32
      %dma_wait3A_341 = tpu.memref_slice %arg4[%add3A_146, %dma_wait3A_339, %dma_wait3A_340] : memref<4096x50x128xf32, #tpu.memory_space<hbm>> -> memref<1x50x128xf32, #tpu.memory_space<hbm>>
      %dma_wait3A_342 = tpu.memref_squeeze %dma_wait3A_341 : memref<1x50x128xf32, #tpu.memory_space<hbm>> -> memref<50x128xf32, #tpu.memory_space<hbm>>
      %dma_wait3A_343 = arith.constant 0 : i32
      %dma_wait3A_344 = arith.constant 0 : i32
      %dma_wait3A_345 = tpu.memref_slice %arg4[%add3A_146, %dma_wait3A_343, %dma_wait3A_344] : memref<4096x50x128xf32, #tpu.memory_space<hbm>> -> memref<1x50x128xf32, #tpu.memory_space<hbm>>
      %dma_wait3A_346 = tpu.memref_squeeze %dma_wait3A_345 : memref<1x50x128xf32, #tpu.memory_space<hbm>> -> memref<50x128xf32, #tpu.memory_space<hbm>>
      %dma_wait3A_347 = arith.constant 0 : i32
      %dma_wait3A_348 = arith.constant 0 : i32
      %dma_wait3A_349 = tpu.memref_slice %arg6[%run_scoped3A_147, %dma_wait3A_347, %dma_wait3A_348] : memref<8x100x128xf32, #tpu.memory_space<vmem>> -> memref<1x100x128xf32, #tpu.memory_space<vmem>>
      %dma_wait3A_350 = tpu.memref_squeeze %dma_wait3A_349 : memref<1x100x128xf32, #tpu.memory_space<vmem>> -> memref<100x128xf32, #tpu.memory_space<vmem>>
      %dma_wait3A_351 = arith.constant 50 : i32
      %dma_wait3A_352 = arith.constant 0 : i32
      %dma_wait3A_353 = tpu.memref_slice %dma_wait3A_350[%dma_wait3A_351, %dma_wait3A_352] : memref<100x128xf32, #tpu.memory_space<vmem>> -> memref<50x128xf32, #tpu.memory_space<vmem>>
      tpu.wait_dma2 semaphore(%run_scoped3A_309 : memref<!tpu.dma_semaphore, #tpu.memory_space<semaphore_mem>>) src(%dma_wait3A_353 : memref<50x128xf32, #tpu.memory_space<vmem>>) dst(%dma_wait3A_346 : memref<50x128xf32, #tpu.memory_space<hbm>>)
      tpu.yield
    }) : () -> ()
    %dma_wait3A_148 = arith.constant 0 : i32
    %dma_wait3A_149 = arith.constant 1 : i32
    %dma_wait3A_150 = arith.constant 1 : i32
    %dma_wait3A_151 = arith.constant 0 : i32
    %dma_wait3A_152 = arith.constant 0 : i32
    %dma_wait3A_153 = tpu.memref_slice %arg6[%dma_wait3A_149, %dma_wait3A_151, %dma_wait3A_152] : memref<8x100x128xf32, #tpu.memory_space<vmem>> -> memref<1x100x128xf32, #tpu.memory_space<vmem>>
    %dma_wait3A_154 = tpu.memref_squeeze %dma_wait3A_153 : memref<1x100x128xf32, #tpu.memory_space<vmem>> -> memref<100x128xf32, #tpu.memory_space<vmem>>
    %dma_wait3A_155 = arith.constant 0 : i32
    %dma_wait3A_156 = tpu.memref_slice %arg5[%dma_wait3A_148, %dma_wait3A_155] : memref<64x100xi32, #tpu.memory_space<vmem>> -> memref<1x100xi32, #tpu.memory_space<vmem>>
    %dma_wait3A_157 = tpu.memref_squeeze %dma_wait3A_156 : memref<1x100xi32, #tpu.memory_space<vmem>> -> memref<100xi32, #tpu.memory_space<vmem>>
    %dma_wait3A_158 = arith.constant 0 : i32
    %dma_wait3A_159 = arith.constant 0 : i32
    %dma_wait3A_160 = tpu.memref_slice %arg3[%dma_wait3A_158, %dma_wait3A_159] : memref<100000x128xf32, #tpu.memory_space<hbm>> -> memref<100000x128xf32, #tpu.memory_space<hbm>>
    %dma_wait3A_161 = tpu.memref_slice %arg7[%dma_wait3A_150] : memref<8x!tpu.dma_semaphore, #tpu.memory_space<semaphore_mem>> -> memref<1x!tpu.dma_semaphore, #tpu.memory_space<semaphore_mem>>
    %dma_wait3A_162 = tpu.memref_squeeze %dma_wait3A_161 : memref<1x!tpu.dma_semaphore, #tpu.memory_space<semaphore_mem>> -> memref<!tpu.dma_semaphore, #tpu.memory_space<semaphore_mem>>
    tpu.wait_indirect_dma semaphore(%dma_wait3A_162 : memref<!tpu.dma_semaphore, #tpu.memory_space<semaphore_mem>>) src(%dma_wait3A_160 : memref<100000x128xf32, #tpu.memory_space<hbm>>) dst(%dma_wait3A_154 : memref<100x128xf32, #tpu.memory_space<vmem>>)
    %add3A_163 = arith.constant 114 : i32
    %add3A_164 = arith.addi %mul3A_2, %add3A_163 : i32
    %add3A_165 = arith.constant 0 : i32
    %add3A_166 = arith.addi %add3A_164, %add3A_165 : i32
    %run_scoped3A_167 = arith.constant 1 : i32
    "tpu.region"() ({
      %run_scoped3A_309 = tpu.sem_alloc : memref<!tpu.dma_semaphore, #tpu.memory_space<semaphore_mem>>
      %dma_start3A_310 = arith.constant 0 : i32
      %dma_start3A_311 = arith.constant 0 : i32
      %dma_start3A_312 = tpu.memref_slice %arg6[%run_scoped3A_167, %dma_start3A_310, %dma_start3A_311] : memref<8x100x128xf32, #tpu.memory_space<vmem>> -> memref<1x100x128xf32, #tpu.memory_space<vmem>>
      %dma_start3A_313 = tpu.memref_squeeze %dma_start3A_312 : memref<1x100x128xf32, #tpu.memory_space<vmem>> -> memref<100x128xf32, #tpu.memory_space<vmem>>
      %dma_start3A_314 = arith.constant 0 : i32
      %dma_start3A_315 = arith.constant 0 : i32
      %dma_start3A_316 = tpu.memref_slice %dma_start3A_313[%dma_start3A_314, %dma_start3A_315] : memref<100x128xf32, #tpu.memory_space<vmem>> -> memref<50x128xf32, #tpu.memory_space<vmem>>
      %dma_start3A_317 = arith.constant 0 : i32
      %dma_start3A_318 = arith.constant 0 : i32
      %dma_start3A_319 = tpu.memref_slice %arg4[%add3A_166, %dma_start3A_317, %dma_start3A_318] : memref<4096x50x128xf32, #tpu.memory_space<hbm>> -> memref<1x50x128xf32, #tpu.memory_space<hbm>>
      %dma_start3A_320 = tpu.memref_squeeze %dma_start3A_319 : memref<1x50x128xf32, #tpu.memory_space<hbm>> -> memref<50x128xf32, #tpu.memory_space<hbm>>
      %dma_start3A_321 = arith.constant 0 : i32
      %dma_start3A_322 = arith.constant 0 : i32
      %dma_start3A_323 = tpu.memref_slice %arg4[%add3A_166, %dma_start3A_321, %dma_start3A_322] : memref<4096x50x128xf32, #tpu.memory_space<hbm>> -> memref<1x50x128xf32, #tpu.memory_space<hbm>>
      %dma_start3A_324 = tpu.memref_squeeze %dma_start3A_323 : memref<1x50x128xf32, #tpu.memory_space<hbm>> -> memref<50x128xf32, #tpu.memory_space<hbm>>
      %dma_start3A_325 = arith.constant 0 : i32
      %dma_start3A_326 = arith.constant 0 : i32
      %dma_start3A_327 = tpu.memref_slice %arg6[%run_scoped3A_167, %dma_start3A_325, %dma_start3A_326] : memref<8x100x128xf32, #tpu.memory_space<vmem>> -> memref<1x100x128xf32, #tpu.memory_space<vmem>>
      %dma_start3A_328 = tpu.memref_squeeze %dma_start3A_327 : memref<1x100x128xf32, #tpu.memory_space<vmem>> -> memref<100x128xf32, #tpu.memory_space<vmem>>
      %dma_start3A_329 = arith.constant 0 : i32
      %dma_start3A_330 = arith.constant 0 : i32
      %dma_start3A_331 = tpu.memref_slice %dma_start3A_328[%dma_start3A_329, %dma_start3A_330] : memref<100x128xf32, #tpu.memory_space<vmem>> -> memref<50x128xf32, #tpu.memory_space<vmem>>
      tpu.enqueue_dma source(%dma_start3A_331 : memref<50x128xf32, #tpu.memory_space<vmem>>) target(%dma_start3A_324 : memref<50x128xf32, #tpu.memory_space<hbm>>) target_semaphore(%run_scoped3A_309 : memref<!tpu.dma_semaphore, #tpu.memory_space<semaphore_mem>>)
      %dma_wait3A_332 = arith.constant 0 : i32
      %dma_wait3A_333 = arith.constant 0 : i32
      %dma_wait3A_334 = tpu.memref_slice %arg6[%run_scoped3A_167, %dma_wait3A_332, %dma_wait3A_333] : memref<8x100x128xf32, #tpu.memory_space<vmem>> -> memref<1x100x128xf32, #tpu.memory_space<vmem>>
      %dma_wait3A_335 = tpu.memref_squeeze %dma_wait3A_334 : memref<1x100x128xf32, #tpu.memory_space<vmem>> -> memref<100x128xf32, #tpu.memory_space<vmem>>
      %dma_wait3A_336 = arith.constant 0 : i32
      %dma_wait3A_337 = arith.constant 0 : i32
      %dma_wait3A_338 = tpu.memref_slice %dma_wait3A_335[%dma_wait3A_336, %dma_wait3A_337] : memref<100x128xf32, #tpu.memory_space<vmem>> -> memref<50x128xf32, #tpu.memory_space<vmem>>
      %dma_wait3A_339 = arith.constant 0 : i32
      %dma_wait3A_340 = arith.constant 0 : i32
      %dma_wait3A_341 = tpu.memref_slice %arg4[%add3A_166, %dma_wait3A_339, %dma_wait3A_340] : memref<4096x50x128xf32, #tpu.memory_space<hbm>> -> memref<1x50x128xf32, #tpu.memory_space<hbm>>
      %dma_wait3A_342 = tpu.memref_squeeze %dma_wait3A_341 : memref<1x50x128xf32, #tpu.memory_space<hbm>> -> memref<50x128xf32, #tpu.memory_space<hbm>>
      %dma_wait3A_343 = arith.constant 0 : i32
      %dma_wait3A_344 = arith.constant 0 : i32
      %dma_wait3A_345 = tpu.memref_slice %arg4[%add3A_166, %dma_wait3A_343, %dma_wait3A_344] : memref<4096x50x128xf32, #tpu.memory_space<hbm>> -> memref<1x50x128xf32, #tpu.memory_space<hbm>>
      %dma_wait3A_346 = tpu.memref_squeeze %dma_wait3A_345 : memref<1x50x128xf32, #tpu.memory_space<hbm>> -> memref<50x128xf32, #tpu.memory_space<hbm>>
      %dma_wait3A_347 = arith.constant 0 : i32
      %dma_wait3A_348 = arith.constant 0 : i32
      %dma_wait3A_349 = tpu.memref_slice %arg6[%run_scoped3A_167, %dma_wait3A_347, %dma_wait3A_348] : memref<8x100x128xf32, #tpu.memory_space<vmem>> -> memref<1x100x128xf32, #tpu.memory_space<vmem>>
      %dma_wait3A_350 = tpu.memref_squeeze %dma_wait3A_349 : memref<1x100x128xf32, #tpu.memory_space<vmem>> -> memref<100x128xf32, #tpu.memory_space<vmem>>
      %dma_wait3A_351 = arith.constant 0 : i32
      %dma_wait3A_352 = arith.constant 0 : i32
      %dma_wait3A_353 = tpu.memref_slice %dma_wait3A_350[%dma_wait3A_351, %dma_wait3A_352] : memref<100x128xf32, #tpu.memory_space<vmem>> -> memref<50x128xf32, #tpu.memory_space<vmem>>
      tpu.wait_dma2 semaphore(%run_scoped3A_309 : memref<!tpu.dma_semaphore, #tpu.memory_space<semaphore_mem>>) src(%dma_wait3A_353 : memref<50x128xf32, #tpu.memory_space<vmem>>) dst(%dma_wait3A_346 : memref<50x128xf32, #tpu.memory_space<hbm>>)
      tpu.yield
    }) : () -> ()
    %add3A_168 = arith.constant 1 : i32
    %add3A_169 = arith.addi %add3A_164, %add3A_168 : i32
    %run_scoped3A_170 = arith.constant 1 : i32
    "tpu.region"() ({
      %run_scoped3A_309 = tpu.sem_alloc : memref<!tpu.dma_semaphore, #tpu.memory_space<semaphore_mem>>
      %dma_start3A_310 = arith.constant 0 : i32
      %dma_start3A_311 = arith.constant 0 : i32
      %dma_start3A_312 = tpu.memref_slice %arg6[%run_scoped3A_170, %dma_start3A_310, %dma_start3A_311] : memref<8x100x128xf32, #tpu.memory_space<vmem>> -> memref<1x100x128xf32, #tpu.memory_space<vmem>>
      %dma_start3A_313 = tpu.memref_squeeze %dma_start3A_312 : memref<1x100x128xf32, #tpu.memory_space<vmem>> -> memref<100x128xf32, #tpu.memory_space<vmem>>
      %dma_start3A_314 = arith.constant 50 : i32
      %dma_start3A_315 = arith.constant 0 : i32
      %dma_start3A_316 = tpu.memref_slice %dma_start3A_313[%dma_start3A_314, %dma_start3A_315] : memref<100x128xf32, #tpu.memory_space<vmem>> -> memref<50x128xf32, #tpu.memory_space<vmem>>
      %dma_start3A_317 = arith.constant 0 : i32
      %dma_start3A_318 = arith.constant 0 : i32
      %dma_start3A_319 = tpu.memref_slice %arg4[%add3A_169, %dma_start3A_317, %dma_start3A_318] : memref<4096x50x128xf32, #tpu.memory_space<hbm>> -> memref<1x50x128xf32, #tpu.memory_space<hbm>>
      %dma_start3A_320 = tpu.memref_squeeze %dma_start3A_319 : memref<1x50x128xf32, #tpu.memory_space<hbm>> -> memref<50x128xf32, #tpu.memory_space<hbm>>
      %dma_start3A_321 = arith.constant 0 : i32
      %dma_start3A_322 = arith.constant 0 : i32
      %dma_start3A_323 = tpu.memref_slice %arg4[%add3A_169, %dma_start3A_321, %dma_start3A_322] : memref<4096x50x128xf32, #tpu.memory_space<hbm>> -> memref<1x50x128xf32, #tpu.memory_space<hbm>>
      %dma_start3A_324 = tpu.memref_squeeze %dma_start3A_323 : memref<1x50x128xf32, #tpu.memory_space<hbm>> -> memref<50x128xf32, #tpu.memory_space<hbm>>
      %dma_start3A_325 = arith.constant 0 : i32
      %dma_start3A_326 = arith.constant 0 : i32
      %dma_start3A_327 = tpu.memref_slice %arg6[%run_scoped3A_170, %dma_start3A_325, %dma_start3A_326] : memref<8x100x128xf32, #tpu.memory_space<vmem>> -> memref<1x100x128xf32, #tpu.memory_space<vmem>>
      %dma_start3A_328 = tpu.memref_squeeze %dma_start3A_327 : memref<1x100x128xf32, #tpu.memory_space<vmem>> -> memref<100x128xf32, #tpu.memory_space<vmem>>
      %dma_start3A_329 = arith.constant 50 : i32
      %dma_start3A_330 = arith.constant 0 : i32
      %dma_start3A_331 = tpu.memref_slice %dma_start3A_328[%dma_start3A_329, %dma_start3A_330] : memref<100x128xf32, #tpu.memory_space<vmem>> -> memref<50x128xf32, #tpu.memory_space<vmem>>
      tpu.enqueue_dma source(%dma_start3A_331 : memref<50x128xf32, #tpu.memory_space<vmem>>) target(%dma_start3A_324 : memref<50x128xf32, #tpu.memory_space<hbm>>) target_semaphore(%run_scoped3A_309 : memref<!tpu.dma_semaphore, #tpu.memory_space<semaphore_mem>>)
      %dma_wait3A_332 = arith.constant 0 : i32
      %dma_wait3A_333 = arith.constant 0 : i32
      %dma_wait3A_334 = tpu.memref_slice %arg6[%run_scoped3A_170, %dma_wait3A_332, %dma_wait3A_333] : memref<8x100x128xf32, #tpu.memory_space<vmem>> -> memref<1x100x128xf32, #tpu.memory_space<vmem>>
      %dma_wait3A_335 = tpu.memref_squeeze %dma_wait3A_334 : memref<1x100x128xf32, #tpu.memory_space<vmem>> -> memref<100x128xf32, #tpu.memory_space<vmem>>
      %dma_wait3A_336 = arith.constant 50 : i32
      %dma_wait3A_337 = arith.constant 0 : i32
      %dma_wait3A_338 = tpu.memref_slice %dma_wait3A_335[%dma_wait3A_336, %dma_wait3A_337] : memref<100x128xf32, #tpu.memory_space<vmem>> -> memref<50x128xf32, #tpu.memory_space<vmem>>
      %dma_wait3A_339 = arith.constant 0 : i32
      %dma_wait3A_340 = arith.constant 0 : i32
      %dma_wait3A_341 = tpu.memref_slice %arg4[%add3A_169, %dma_wait3A_339, %dma_wait3A_340] : memref<4096x50x128xf32, #tpu.memory_space<hbm>> -> memref<1x50x128xf32, #tpu.memory_space<hbm>>
      %dma_wait3A_342 = tpu.memref_squeeze %dma_wait3A_341 : memref<1x50x128xf32, #tpu.memory_space<hbm>> -> memref<50x128xf32, #tpu.memory_space<hbm>>
      %dma_wait3A_343 = arith.constant 0 : i32
      %dma_wait3A_344 = arith.constant 0 : i32
      %dma_wait3A_345 = tpu.memref_slice %arg4[%add3A_169, %dma_wait3A_343, %dma_wait3A_344] : memref<4096x50x128xf32, #tpu.memory_space<hbm>> -> memref<1x50x128xf32, #tpu.memory_space<hbm>>
      %dma_wait3A_346 = tpu.memref_squeeze %dma_wait3A_345 : memref<1x50x128xf32, #tpu.memory_space<hbm>> -> memref<50x128xf32, #tpu.memory_space<hbm>>
      %dma_wait3A_347 = arith.constant 0 : i32
      %dma_wait3A_348 = arith.constant 0 : i32
      %dma_wait3A_349 = tpu.memref_slice %arg6[%run_scoped3A_170, %dma_wait3A_347, %dma_wait3A_348] : memref<8x100x128xf32, #tpu.memory_space<vmem>> -> memref<1x100x128xf32, #tpu.memory_space<vmem>>
      %dma_wait3A_350 = tpu.memref_squeeze %dma_wait3A_349 : memref<1x100x128xf32, #tpu.memory_space<vmem>> -> memref<100x128xf32, #tpu.memory_space<vmem>>
      %dma_wait3A_351 = arith.constant 50 : i32
      %dma_wait3A_352 = arith.constant 0 : i32
      %dma_wait3A_353 = tpu.memref_slice %dma_wait3A_350[%dma_wait3A_351, %dma_wait3A_352] : memref<100x128xf32, #tpu.memory_space<vmem>> -> memref<50x128xf32, #tpu.memory_space<vmem>>
      tpu.wait_dma2 semaphore(%run_scoped3A_309 : memref<!tpu.dma_semaphore, #tpu.memory_space<semaphore_mem>>) src(%dma_wait3A_353 : memref<50x128xf32, #tpu.memory_space<vmem>>) dst(%dma_wait3A_346 : memref<50x128xf32, #tpu.memory_space<hbm>>)
      tpu.yield
    }) : () -> ()
    %dma_wait3A_171 = arith.constant 0 : i32
    %dma_wait3A_172 = arith.constant 2 : i32
    %dma_wait3A_173 = arith.constant 2 : i32
    %dma_wait3A_174 = arith.constant 0 : i32
    %dma_wait3A_175 = arith.constant 0 : i32
    %dma_wait3A_176 = tpu.memref_slice %arg6[%dma_wait3A_172, %dma_wait3A_174, %dma_wait3A_175] : memref<8x100x128xf32, #tpu.memory_space<vmem>> -> memref<1x100x128xf32, #tpu.memory_space<vmem>>
    %dma_wait3A_177 = tpu.memref_squeeze %dma_wait3A_176 : memref<1x100x128xf32, #tpu.memory_space<vmem>> -> memref<100x128xf32, #tpu.memory_space<vmem>>
    %dma_wait3A_178 = arith.constant 0 : i32
    %dma_wait3A_179 = tpu.memref_slice %arg5[%dma_wait3A_171, %dma_wait3A_178] : memref<64x100xi32, #tpu.memory_space<vmem>> -> memref<1x100xi32, #tpu.memory_space<vmem>>
    %dma_wait3A_180 = tpu.memref_squeeze %dma_wait3A_179 : memref<1x100xi32, #tpu.memory_space<vmem>> -> memref<100xi32, #tpu.memory_space<vmem>>
    %dma_wait3A_181 = arith.constant 0 : i32
    %dma_wait3A_182 = arith.constant 0 : i32
    %dma_wait3A_183 = tpu.memref_slice %arg3[%dma_wait3A_181, %dma_wait3A_182] : memref<100000x128xf32, #tpu.memory_space<hbm>> -> memref<100000x128xf32, #tpu.memory_space<hbm>>
    %dma_wait3A_184 = tpu.memref_slice %arg7[%dma_wait3A_173] : memref<8x!tpu.dma_semaphore, #tpu.memory_space<semaphore_mem>> -> memref<1x!tpu.dma_semaphore, #tpu.memory_space<semaphore_mem>>
    %dma_wait3A_185 = tpu.memref_squeeze %dma_wait3A_184 : memref<1x!tpu.dma_semaphore, #tpu.memory_space<semaphore_mem>> -> memref<!tpu.dma_semaphore, #tpu.memory_space<semaphore_mem>>
    tpu.wait_indirect_dma semaphore(%dma_wait3A_185 : memref<!tpu.dma_semaphore, #tpu.memory_space<semaphore_mem>>) src(%dma_wait3A_183 : memref<100000x128xf32, #tpu.memory_space<hbm>>) dst(%dma_wait3A_177 : memref<100x128xf32, #tpu.memory_space<vmem>>)
    %add3A_186 = arith.constant 116 : i32
    %add3A_187 = arith.addi %mul3A_2, %add3A_186 : i32
    %add3A_188 = arith.constant 0 : i32
    %add3A_189 = arith.addi %add3A_187, %add3A_188 : i32
    %run_scoped3A_190 = arith.constant 2 : i32
    "tpu.region"() ({
      %run_scoped3A_309 = tpu.sem_alloc : memref<!tpu.dma_semaphore, #tpu.memory_space<semaphore_mem>>
      %dma_start3A_310 = arith.constant 0 : i32
      %dma_start3A_311 = arith.constant 0 : i32
      %dma_start3A_312 = tpu.memref_slice %arg6[%run_scoped3A_190, %dma_start3A_310, %dma_start3A_311] : memref<8x100x128xf32, #tpu.memory_space<vmem>> -> memref<1x100x128xf32, #tpu.memory_space<vmem>>
      %dma_start3A_313 = tpu.memref_squeeze %dma_start3A_312 : memref<1x100x128xf32, #tpu.memory_space<vmem>> -> memref<100x128xf32, #tpu.memory_space<vmem>>
      %dma_start3A_314 = arith.constant 0 : i32
      %dma_start3A_315 = arith.constant 0 : i32
      %dma_start3A_316 = tpu.memref_slice %dma_start3A_313[%dma_start3A_314, %dma_start3A_315] : memref<100x128xf32, #tpu.memory_space<vmem>> -> memref<50x128xf32, #tpu.memory_space<vmem>>
      %dma_start3A_317 = arith.constant 0 : i32
      %dma_start3A_318 = arith.constant 0 : i32
      %dma_start3A_319 = tpu.memref_slice %arg4[%add3A_189, %dma_start3A_317, %dma_start3A_318] : memref<4096x50x128xf32, #tpu.memory_space<hbm>> -> memref<1x50x128xf32, #tpu.memory_space<hbm>>
      %dma_start3A_320 = tpu.memref_squeeze %dma_start3A_319 : memref<1x50x128xf32, #tpu.memory_space<hbm>> -> memref<50x128xf32, #tpu.memory_space<hbm>>
      %dma_start3A_321 = arith.constant 0 : i32
      %dma_start3A_322 = arith.constant 0 : i32
      %dma_start3A_323 = tpu.memref_slice %arg4[%add3A_189, %dma_start3A_321, %dma_start3A_322] : memref<4096x50x128xf32, #tpu.memory_space<hbm>> -> memref<1x50x128xf32, #tpu.memory_space<hbm>>
      %dma_start3A_324 = tpu.memref_squeeze %dma_start3A_323 : memref<1x50x128xf32, #tpu.memory_space<hbm>> -> memref<50x128xf32, #tpu.memory_space<hbm>>
      %dma_start3A_325 = arith.constant 0 : i32
      %dma_start3A_326 = arith.constant 0 : i32
      %dma_start3A_327 = tpu.memref_slice %arg6[%run_scoped3A_190, %dma_start3A_325, %dma_start3A_326] : memref<8x100x128xf32, #tpu.memory_space<vmem>> -> memref<1x100x128xf32, #tpu.memory_space<vmem>>
      %dma_start3A_328 = tpu.memref_squeeze %dma_start3A_327 : memref<1x100x128xf32, #tpu.memory_space<vmem>> -> memref<100x128xf32, #tpu.memory_space<vmem>>
      %dma_start3A_329 = arith.constant 0 : i32
      %dma_start3A_330 = arith.constant 0 : i32
      %dma_start3A_331 = tpu.memref_slice %dma_start3A_328[%dma_start3A_329, %dma_start3A_330] : memref<100x128xf32, #tpu.memory_space<vmem>> -> memref<50x128xf32, #tpu.memory_space<vmem>>
      tpu.enqueue_dma source(%dma_start3A_331 : memref<50x128xf32, #tpu.memory_space<vmem>>) target(%dma_start3A_324 : memref<50x128xf32, #tpu.memory_space<hbm>>) target_semaphore(%run_scoped3A_309 : memref<!tpu.dma_semaphore, #tpu.memory_space<semaphore_mem>>)
      %dma_wait3A_332 = arith.constant 0 : i32
      %dma_wait3A_333 = arith.constant 0 : i32
      %dma_wait3A_334 = tpu.memref_slice %arg6[%run_scoped3A_190, %dma_wait3A_332, %dma_wait3A_333] : memref<8x100x128xf32, #tpu.memory_space<vmem>> -> memref<1x100x128xf32, #tpu.memory_space<vmem>>
      %dma_wait3A_335 = tpu.memref_squeeze %dma_wait3A_334 : memref<1x100x128xf32, #tpu.memory_space<vmem>> -> memref<100x128xf32, #tpu.memory_space<vmem>>
      %dma_wait3A_336 = arith.constant 0 : i32
      %dma_wait3A_337 = arith.constant 0 : i32
      %dma_wait3A_338 = tpu.memref_slice %dma_wait3A_335[%dma_wait3A_336, %dma_wait3A_337] : memref<100x128xf32, #tpu.memory_space<vmem>> -> memref<50x128xf32, #tpu.memory_space<vmem>>
      %dma_wait3A_339 = arith.constant 0 : i32
      %dma_wait3A_340 = arith.constant 0 : i32
      %dma_wait3A_341 = tpu.memref_slice %arg4[%add3A_189, %dma_wait3A_339, %dma_wait3A_340] : memref<4096x50x128xf32, #tpu.memory_space<hbm>> -> memref<1x50x128xf32, #tpu.memory_space<hbm>>
      %dma_wait3A_342 = tpu.memref_squeeze %dma_wait3A_341 : memref<1x50x128xf32, #tpu.memory_space<hbm>> -> memref<50x128xf32, #tpu.memory_space<hbm>>
      %dma_wait3A_343 = arith.constant 0 : i32
      %dma_wait3A_344 = arith.constant 0 : i32
      %dma_wait3A_345 = tpu.memref_slice %arg4[%add3A_189, %dma_wait3A_343, %dma_wait3A_344] : memref<4096x50x128xf32, #tpu.memory_space<hbm>> -> memref<1x50x128xf32, #tpu.memory_space<hbm>>
      %dma_wait3A_346 = tpu.memref_squeeze %dma_wait3A_345 : memref<1x50x128xf32, #tpu.memory_space<hbm>> -> memref<50x128xf32, #tpu.memory_space<hbm>>
      %dma_wait3A_347 = arith.constant 0 : i32
      %dma_wait3A_348 = arith.constant 0 : i32
      %dma_wait3A_349 = tpu.memref_slice %arg6[%run_scoped3A_190, %dma_wait3A_347, %dma_wait3A_348] : memref<8x100x128xf32, #tpu.memory_space<vmem>> -> memref<1x100x128xf32, #tpu.memory_space<vmem>>
      %dma_wait3A_350 = tpu.memref_squeeze %dma_wait3A_349 : memref<1x100x128xf32, #tpu.memory_space<vmem>> -> memref<100x128xf32, #tpu.memory_space<vmem>>
      %dma_wait3A_351 = arith.constant 0 : i32
      %dma_wait3A_352 = arith.constant 0 : i32
      %dma_wait3A_353 = tpu.memref_slice %dma_wait3A_350[%dma_wait3A_351, %dma_wait3A_352] : memref<100x128xf32, #tpu.memory_space<vmem>> -> memref<50x128xf32, #tpu.memory_space<vmem>>
      tpu.wait_dma2 semaphore(%run_scoped3A_309 : memref<!tpu.dma_semaphore, #tpu.memory_space<semaphore_mem>>) src(%dma_wait3A_353 : memref<50x128xf32, #tpu.memory_space<vmem>>) dst(%dma_wait3A_346 : memref<50x128xf32, #tpu.memory_space<hbm>>)
      tpu.yield
    }) : () -> ()
    %add3A_191 = arith.constant 1 : i32
    %add3A_192 = arith.addi %add3A_187, %add3A_191 : i32
    %run_scoped3A_193 = arith.constant 2 : i32
    "tpu.region"() ({
      %run_scoped3A_309 = tpu.sem_alloc : memref<!tpu.dma_semaphore, #tpu.memory_space<semaphore_mem>>
      %dma_start3A_310 = arith.constant 0 : i32
      %dma_start3A_311 = arith.constant 0 : i32
      %dma_start3A_312 = tpu.memref_slice %arg6[%run_scoped3A_193, %dma_start3A_310, %dma_start3A_311] : memref<8x100x128xf32, #tpu.memory_space<vmem>> -> memref<1x100x128xf32, #tpu.memory_space<vmem>>
      %dma_start3A_313 = tpu.memref_squeeze %dma_start3A_312 : memref<1x100x128xf32, #tpu.memory_space<vmem>> -> memref<100x128xf32, #tpu.memory_space<vmem>>
      %dma_start3A_314 = arith.constant 50 : i32
      %dma_start3A_315 = arith.constant 0 : i32
      %dma_start3A_316 = tpu.memref_slice %dma_start3A_313[%dma_start3A_314, %dma_start3A_315] : memref<100x128xf32, #tpu.memory_space<vmem>> -> memref<50x128xf32, #tpu.memory_space<vmem>>
      %dma_start3A_317 = arith.constant 0 : i32
      %dma_start3A_318 = arith.constant 0 : i32
      %dma_start3A_319 = tpu.memref_slice %arg4[%add3A_192, %dma_start3A_317, %dma_start3A_318] : memref<4096x50x128xf32, #tpu.memory_space<hbm>> -> memref<1x50x128xf32, #tpu.memory_space<hbm>>
      %dma_start3A_320 = tpu.memref_squeeze %dma_start3A_319 : memref<1x50x128xf32, #tpu.memory_space<hbm>> -> memref<50x128xf32, #tpu.memory_space<hbm>>
      %dma_start3A_321 = arith.constant 0 : i32
      %dma_start3A_322 = arith.constant 0 : i32
      %dma_start3A_323 = tpu.memref_slice %arg4[%add3A_192, %dma_start3A_321, %dma_start3A_322] : memref<4096x50x128xf32, #tpu.memory_space<hbm>> -> memref<1x50x128xf32, #tpu.memory_space<hbm>>
      %dma_start3A_324 = tpu.memref_squeeze %dma_start3A_323 : memref<1x50x128xf32, #tpu.memory_space<hbm>> -> memref<50x128xf32, #tpu.memory_space<hbm>>
      %dma_start3A_325 = arith.constant 0 : i32
      %dma_start3A_326 = arith.constant 0 : i32
      %dma_start3A_327 = tpu.memref_slice %arg6[%run_scoped3A_193, %dma_start3A_325, %dma_start3A_326] : memref<8x100x128xf32, #tpu.memory_space<vmem>> -> memref<1x100x128xf32, #tpu.memory_space<vmem>>
      %dma_start3A_328 = tpu.memref_squeeze %dma_start3A_327 : memref<1x100x128xf32, #tpu.memory_space<vmem>> -> memref<100x128xf32, #tpu.memory_space<vmem>>
      %dma_start3A_329 = arith.constant 50 : i32
      %dma_start3A_330 = arith.constant 0 : i32
      %dma_start3A_331 = tpu.memref_slice %dma_start3A_328[%dma_start3A_329, %dma_start3A_330] : memref<100x128xf32, #tpu.memory_space<vmem>> -> memref<50x128xf32, #tpu.memory_space<vmem>>
      tpu.enqueue_dma source(%dma_start3A_331 : memref<50x128xf32, #tpu.memory_space<vmem>>) target(%dma_start3A_324 : memref<50x128xf32, #tpu.memory_space<hbm>>) target_semaphore(%run_scoped3A_309 : memref<!tpu.dma_semaphore, #tpu.memory_space<semaphore_mem>>)
      %dma_wait3A_332 = arith.constant 0 : i32
      %dma_wait3A_333 = arith.constant 0 : i32
      %dma_wait3A_334 = tpu.memref_slice %arg6[%run_scoped3A_193, %dma_wait3A_332, %dma_wait3A_333] : memref<8x100x128xf32, #tpu.memory_space<vmem>> -> memref<1x100x128xf32, #tpu.memory_space<vmem>>
      %dma_wait3A_335 = tpu.memref_squeeze %dma_wait3A_334 : memref<1x100x128xf32, #tpu.memory_space<vmem>> -> memref<100x128xf32, #tpu.memory_space<vmem>>
      %dma_wait3A_336 = arith.constant 50 : i32
      %dma_wait3A_337 = arith.constant 0 : i32
      %dma_wait3A_338 = tpu.memref_slice %dma_wait3A_335[%dma_wait3A_336, %dma_wait3A_337] : memref<100x128xf32, #tpu.memory_space<vmem>> -> memref<50x128xf32, #tpu.memory_space<vmem>>
      %dma_wait3A_339 = arith.constant 0 : i32
      %dma_wait3A_340 = arith.constant 0 : i32
      %dma_wait3A_341 = tpu.memref_slice %arg4[%add3A_192, %dma_wait3A_339, %dma_wait3A_340] : memref<4096x50x128xf32, #tpu.memory_space<hbm>> -> memref<1x50x128xf32, #tpu.memory_space<hbm>>
      %dma_wait3A_342 = tpu.memref_squeeze %dma_wait3A_341 : memref<1x50x128xf32, #tpu.memory_space<hbm>> -> memref<50x128xf32, #tpu.memory_space<hbm>>
      %dma_wait3A_343 = arith.constant 0 : i32
      %dma_wait3A_344 = arith.constant 0 : i32
      %dma_wait3A_345 = tpu.memref_slice %arg4[%add3A_192, %dma_wait3A_343, %dma_wait3A_344] : memref<4096x50x128xf32, #tpu.memory_space<hbm>> -> memref<1x50x128xf32, #tpu.memory_space<hbm>>
      %dma_wait3A_346 = tpu.memref_squeeze %dma_wait3A_345 : memref<1x50x128xf32, #tpu.memory_space<hbm>> -> memref<50x128xf32, #tpu.memory_space<hbm>>
      %dma_wait3A_347 = arith.constant 0 : i32
      %dma_wait3A_348 = arith.constant 0 : i32
      %dma_wait3A_349 = tpu.memref_slice %arg6[%run_scoped3A_193, %dma_wait3A_347, %dma_wait3A_348] : memref<8x100x128xf32, #tpu.memory_space<vmem>> -> memref<1x100x128xf32, #tpu.memory_space<vmem>>
      %dma_wait3A_350 = tpu.memref_squeeze %dma_wait3A_349 : memref<1x100x128xf32, #tpu.memory_space<vmem>> -> memref<100x128xf32, #tpu.memory_space<vmem>>
      %dma_wait3A_351 = arith.constant 50 : i32
      %dma_wait3A_352 = arith.constant 0 : i32
      %dma_wait3A_353 = tpu.memref_slice %dma_wait3A_350[%dma_wait3A_351, %dma_wait3A_352] : memref<100x128xf32, #tpu.memory_space<vmem>> -> memref<50x128xf32, #tpu.memory_space<vmem>>
      tpu.wait_dma2 semaphore(%run_scoped3A_309 : memref<!tpu.dma_semaphore, #tpu.memory_space<semaphore_mem>>) src(%dma_wait3A_353 : memref<50x128xf32, #tpu.memory_space<vmem>>) dst(%dma_wait3A_346 : memref<50x128xf32, #tpu.memory_space<hbm>>)
      tpu.yield
    }) : () -> ()
    %dma_wait3A_194 = arith.constant 0 : i32
    %dma_wait3A_195 = arith.constant 3 : i32
    %dma_wait3A_196 = arith.constant 3 : i32
    %dma_wait3A_197 = arith.constant 0 : i32
    %dma_wait3A_198 = arith.constant 0 : i32
    %dma_wait3A_199 = tpu.memref_slice %arg6[%dma_wait3A_195, %dma_wait3A_197, %dma_wait3A_198] : memref<8x100x128xf32, #tpu.memory_space<vmem>> -> memref<1x100x128xf32, #tpu.memory_space<vmem>>
    %dma_wait3A_200 = tpu.memref_squeeze %dma_wait3A_199 : memref<1x100x128xf32, #tpu.memory_space<vmem>> -> memref<100x128xf32, #tpu.memory_space<vmem>>
    %dma_wait3A_201 = arith.constant 0 : i32
    %dma_wait3A_202 = tpu.memref_slice %arg5[%dma_wait3A_194, %dma_wait3A_201] : memref<64x100xi32, #tpu.memory_space<vmem>> -> memref<1x100xi32, #tpu.memory_space<vmem>>
    %dma_wait3A_203 = tpu.memref_squeeze %dma_wait3A_202 : memref<1x100xi32, #tpu.memory_space<vmem>> -> memref<100xi32, #tpu.memory_space<vmem>>
    %dma_wait3A_204 = arith.constant 0 : i32
    %dma_wait3A_205 = arith.constant 0 : i32
    %dma_wait3A_206 = tpu.memref_slice %arg3[%dma_wait3A_204, %dma_wait3A_205] : memref<100000x128xf32, #tpu.memory_space<hbm>> -> memref<100000x128xf32, #tpu.memory_space<hbm>>
    %dma_wait3A_207 = tpu.memref_slice %arg7[%dma_wait3A_196] : memref<8x!tpu.dma_semaphore, #tpu.memory_space<semaphore_mem>> -> memref<1x!tpu.dma_semaphore, #tpu.memory_space<semaphore_mem>>
    %dma_wait3A_208 = tpu.memref_squeeze %dma_wait3A_207 : memref<1x!tpu.dma_semaphore, #tpu.memory_space<semaphore_mem>> -> memref<!tpu.dma_semaphore, #tpu.memory_space<semaphore_mem>>
    tpu.wait_indirect_dma semaphore(%dma_wait3A_208 : memref<!tpu.dma_semaphore, #tpu.memory_space<semaphore_mem>>) src(%dma_wait3A_206 : memref<100000x128xf32, #tpu.memory_space<hbm>>) dst(%dma_wait3A_200 : memref<100x128xf32, #tpu.memory_space<vmem>>)
    %add3A_209 = arith.constant 118 : i32
    %add3A_210 = arith.addi %mul3A_2, %add3A_209 : i32
    %add3A_211 = arith.constant 0 : i32
    %add3A_212 = arith.addi %add3A_210, %add3A_211 : i32
    %run_scoped3A_213 = arith.constant 3 : i32
    "tpu.region"() ({
      %run_scoped3A_309 = tpu.sem_alloc : memref<!tpu.dma_semaphore, #tpu.memory_space<semaphore_mem>>
      %dma_start3A_310 = arith.constant 0 : i32
      %dma_start3A_311 = arith.constant 0 : i32
      %dma_start3A_312 = tpu.memref_slice %arg6[%run_scoped3A_213, %dma_start3A_310, %dma_start3A_311] : memref<8x100x128xf32, #tpu.memory_space<vmem>> -> memref<1x100x128xf32, #tpu.memory_space<vmem>>
      %dma_start3A_313 = tpu.memref_squeeze %dma_start3A_312 : memref<1x100x128xf32, #tpu.memory_space<vmem>> -> memref<100x128xf32, #tpu.memory_space<vmem>>
      %dma_start3A_314 = arith.constant 0 : i32
      %dma_start3A_315 = arith.constant 0 : i32
      %dma_start3A_316 = tpu.memref_slice %dma_start3A_313[%dma_start3A_314, %dma_start3A_315] : memref<100x128xf32, #tpu.memory_space<vmem>> -> memref<50x128xf32, #tpu.memory_space<vmem>>
      %dma_start3A_317 = arith.constant 0 : i32
      %dma_start3A_318 = arith.constant 0 : i32
      %dma_start3A_319 = tpu.memref_slice %arg4[%add3A_212, %dma_start3A_317, %dma_start3A_318] : memref<4096x50x128xf32, #tpu.memory_space<hbm>> -> memref<1x50x128xf32, #tpu.memory_space<hbm>>
      %dma_start3A_320 = tpu.memref_squeeze %dma_start3A_319 : memref<1x50x128xf32, #tpu.memory_space<hbm>> -> memref<50x128xf32, #tpu.memory_space<hbm>>
      %dma_start3A_321 = arith.constant 0 : i32
      %dma_start3A_322 = arith.constant 0 : i32
      %dma_start3A_323 = tpu.memref_slice %arg4[%add3A_212, %dma_start3A_321, %dma_start3A_322] : memref<4096x50x128xf32, #tpu.memory_space<hbm>> -> memref<1x50x128xf32, #tpu.memory_space<hbm>>
      %dma_start3A_324 = tpu.memref_squeeze %dma_start3A_323 : memref<1x50x128xf32, #tpu.memory_space<hbm>> -> memref<50x128xf32, #tpu.memory_space<hbm>>
      %dma_start3A_325 = arith.constant 0 : i32
      %dma_start3A_326 = arith.constant 0 : i32
      %dma_start3A_327 = tpu.memref_slice %arg6[%run_scoped3A_213, %dma_start3A_325, %dma_start3A_326] : memref<8x100x128xf32, #tpu.memory_space<vmem>> -> memref<1x100x128xf32, #tpu.memory_space<vmem>>
      %dma_start3A_328 = tpu.memref_squeeze %dma_start3A_327 : memref<1x100x128xf32, #tpu.memory_space<vmem>> -> memref<100x128xf32, #tpu.memory_space<vmem>>
      %dma_start3A_329 = arith.constant 0 : i32
      %dma_start3A_330 = arith.constant 0 : i32
      %dma_start3A_331 = tpu.memref_slice %dma_start3A_328[%dma_start3A_329, %dma_start3A_330] : memref<100x128xf32, #tpu.memory_space<vmem>> -> memref<50x128xf32, #tpu.memory_space<vmem>>
      tpu.enqueue_dma source(%dma_start3A_331 : memref<50x128xf32, #tpu.memory_space<vmem>>) target(%dma_start3A_324 : memref<50x128xf32, #tpu.memory_space<hbm>>) target_semaphore(%run_scoped3A_309 : memref<!tpu.dma_semaphore, #tpu.memory_space<semaphore_mem>>)
      %dma_wait3A_332 = arith.constant 0 : i32
      %dma_wait3A_333 = arith.constant 0 : i32
      %dma_wait3A_334 = tpu.memref_slice %arg6[%run_scoped3A_213, %dma_wait3A_332, %dma_wait3A_333] : memref<8x100x128xf32, #tpu.memory_space<vmem>> -> memref<1x100x128xf32, #tpu.memory_space<vmem>>
      %dma_wait3A_335 = tpu.memref_squeeze %dma_wait3A_334 : memref<1x100x128xf32, #tpu.memory_space<vmem>> -> memref<100x128xf32, #tpu.memory_space<vmem>>
      %dma_wait3A_336 = arith.constant 0 : i32
      %dma_wait3A_337 = arith.constant 0 : i32
      %dma_wait3A_338 = tpu.memref_slice %dma_wait3A_335[%dma_wait3A_336, %dma_wait3A_337] : memref<100x128xf32, #tpu.memory_space<vmem>> -> memref<50x128xf32, #tpu.memory_space<vmem>>
      %dma_wait3A_339 = arith.constant 0 : i32
      %dma_wait3A_340 = arith.constant 0 : i32
      %dma_wait3A_341 = tpu.memref_slice %arg4[%add3A_212, %dma_wait3A_339, %dma_wait3A_340] : memref<4096x50x128xf32, #tpu.memory_space<hbm>> -> memref<1x50x128xf32, #tpu.memory_space<hbm>>
      %dma_wait3A_342 = tpu.memref_squeeze %dma_wait3A_341 : memref<1x50x128xf32, #tpu.memory_space<hbm>> -> memref<50x128xf32, #tpu.memory_space<hbm>>
      %dma_wait3A_343 = arith.constant 0 : i32
      %dma_wait3A_344 = arith.constant 0 : i32
      %dma_wait3A_345 = tpu.memref_slice %arg4[%add3A_212, %dma_wait3A_343, %dma_wait3A_344] : memref<4096x50x128xf32, #tpu.memory_space<hbm>> -> memref<1x50x128xf32, #tpu.memory_space<hbm>>
      %dma_wait3A_346 = tpu.memref_squeeze %dma_wait3A_345 : memref<1x50x128xf32, #tpu.memory_space<hbm>> -> memref<50x128xf32, #tpu.memory_space<hbm>>
      %dma_wait3A_347 = arith.constant 0 : i32
      %dma_wait3A_348 = arith.constant 0 : i32
      %dma_wait3A_349 = tpu.memref_slice %arg6[%run_scoped3A_213, %dma_wait3A_347, %dma_wait3A_348] : memref<8x100x128xf32, #tpu.memory_space<vmem>> -> memref<1x100x128xf32, #tpu.memory_space<vmem>>
      %dma_wait3A_350 = tpu.memref_squeeze %dma_wait3A_349 : memref<1x100x128xf32, #tpu.memory_space<vmem>> -> memref<100x128xf32, #tpu.memory_space<vmem>>
      %dma_wait3A_351 = arith.constant 0 : i32
      %dma_wait3A_352 = arith.constant 0 : i32
      %dma_wait3A_353 = tpu.memref_slice %dma_wait3A_350[%dma_wait3A_351, %dma_wait3A_352] : memref<100x128xf32, #tpu.memory_space<vmem>> -> memref<50x128xf32, #tpu.memory_space<vmem>>
      tpu.wait_dma2 semaphore(%run_scoped3A_309 : memref<!tpu.dma_semaphore, #tpu.memory_space<semaphore_mem>>) src(%dma_wait3A_353 : memref<50x128xf32, #tpu.memory_space<vmem>>) dst(%dma_wait3A_346 : memref<50x128xf32, #tpu.memory_space<hbm>>)
      tpu.yield
    }) : () -> ()
    %add3A_214 = arith.constant 1 : i32
    %add3A_215 = arith.addi %add3A_210, %add3A_214 : i32
    %run_scoped3A_216 = arith.constant 3 : i32
    "tpu.region"() ({
      %run_scoped3A_309 = tpu.sem_alloc : memref<!tpu.dma_semaphore, #tpu.memory_space<semaphore_mem>>
      %dma_start3A_310 = arith.constant 0 : i32
      %dma_start3A_311 = arith.constant 0 : i32
      %dma_start3A_312 = tpu.memref_slice %arg6[%run_scoped3A_216, %dma_start3A_310, %dma_start3A_311] : memref<8x100x128xf32, #tpu.memory_space<vmem>> -> memref<1x100x128xf32, #tpu.memory_space<vmem>>
      %dma_start3A_313 = tpu.memref_squeeze %dma_start3A_312 : memref<1x100x128xf32, #tpu.memory_space<vmem>> -> memref<100x128xf32, #tpu.memory_space<vmem>>
      %dma_start3A_314 = arith.constant 50 : i32
      %dma_start3A_315 = arith.constant 0 : i32
      %dma_start3A_316 = tpu.memref_slice %dma_start3A_313[%dma_start3A_314, %dma_start3A_315] : memref<100x128xf32, #tpu.memory_space<vmem>> -> memref<50x128xf32, #tpu.memory_space<vmem>>
      %dma_start3A_317 = arith.constant 0 : i32
      %dma_start3A_318 = arith.constant 0 : i32
      %dma_start3A_319 = tpu.memref_slice %arg4[%add3A_215, %dma_start3A_317, %dma_start3A_318] : memref<4096x50x128xf32, #tpu.memory_space<hbm>> -> memref<1x50x128xf32, #tpu.memory_space<hbm>>
      %dma_start3A_320 = tpu.memref_squeeze %dma_start3A_319 : memref<1x50x128xf32, #tpu.memory_space<hbm>> -> memref<50x128xf32, #tpu.memory_space<hbm>>
      %dma_start3A_321 = arith.constant 0 : i32
      %dma_start3A_322 = arith.constant 0 : i32
      %dma_start3A_323 = tpu.memref_slice %arg4[%add3A_215, %dma_start3A_321, %dma_start3A_322] : memref<4096x50x128xf32, #tpu.memory_space<hbm>> -> memref<1x50x128xf32, #tpu.memory_space<hbm>>
      %dma_start3A_324 = tpu.memref_squeeze %dma_start3A_323 : memref<1x50x128xf32, #tpu.memory_space<hbm>> -> memref<50x128xf32, #tpu.memory_space<hbm>>
      %dma_start3A_325 = arith.constant 0 : i32
      %dma_start3A_326 = arith.constant 0 : i32
      %dma_start3A_327 = tpu.memref_slice %arg6[%run_scoped3A_216, %dma_start3A_325, %dma_start3A_326] : memref<8x100x128xf32, #tpu.memory_space<vmem>> -> memref<1x100x128xf32, #tpu.memory_space<vmem>>
      %dma_start3A_328 = tpu.memref_squeeze %dma_start3A_327 : memref<1x100x128xf32, #tpu.memory_space<vmem>> -> memref<100x128xf32, #tpu.memory_space<vmem>>
      %dma_start3A_329 = arith.constant 50 : i32
      %dma_start3A_330 = arith.constant 0 : i32
      %dma_start3A_331 = tpu.memref_slice %dma_start3A_328[%dma_start3A_329, %dma_start3A_330] : memref<100x128xf32, #tpu.memory_space<vmem>> -> memref<50x128xf32, #tpu.memory_space<vmem>>
      tpu.enqueue_dma source(%dma_start3A_331 : memref<50x128xf32, #tpu.memory_space<vmem>>) target(%dma_start3A_324 : memref<50x128xf32, #tpu.memory_space<hbm>>) target_semaphore(%run_scoped3A_309 : memref<!tpu.dma_semaphore, #tpu.memory_space<semaphore_mem>>)
      %dma_wait3A_332 = arith.constant 0 : i32
      %dma_wait3A_333 = arith.constant 0 : i32
      %dma_wait3A_334 = tpu.memref_slice %arg6[%run_scoped3A_216, %dma_wait3A_332, %dma_wait3A_333] : memref<8x100x128xf32, #tpu.memory_space<vmem>> -> memref<1x100x128xf32, #tpu.memory_space<vmem>>
      %dma_wait3A_335 = tpu.memref_squeeze %dma_wait3A_334 : memref<1x100x128xf32, #tpu.memory_space<vmem>> -> memref<100x128xf32, #tpu.memory_space<vmem>>
      %dma_wait3A_336 = arith.constant 50 : i32
      %dma_wait3A_337 = arith.constant 0 : i32
      %dma_wait3A_338 = tpu.memref_slice %dma_wait3A_335[%dma_wait3A_336, %dma_wait3A_337] : memref<100x128xf32, #tpu.memory_space<vmem>> -> memref<50x128xf32, #tpu.memory_space<vmem>>
      %dma_wait3A_339 = arith.constant 0 : i32
      %dma_wait3A_340 = arith.constant 0 : i32
      %dma_wait3A_341 = tpu.memref_slice %arg4[%add3A_215, %dma_wait3A_339, %dma_wait3A_340] : memref<4096x50x128xf32, #tpu.memory_space<hbm>> -> memref<1x50x128xf32, #tpu.memory_space<hbm>>
      %dma_wait3A_342 = tpu.memref_squeeze %dma_wait3A_341 : memref<1x50x128xf32, #tpu.memory_space<hbm>> -> memref<50x128xf32, #tpu.memory_space<hbm>>
      %dma_wait3A_343 = arith.constant 0 : i32
      %dma_wait3A_344 = arith.constant 0 : i32
      %dma_wait3A_345 = tpu.memref_slice %arg4[%add3A_215, %dma_wait3A_343, %dma_wait3A_344] : memref<4096x50x128xf32, #tpu.memory_space<hbm>> -> memref<1x50x128xf32, #tpu.memory_space<hbm>>
      %dma_wait3A_346 = tpu.memref_squeeze %dma_wait3A_345 : memref<1x50x128xf32, #tpu.memory_space<hbm>> -> memref<50x128xf32, #tpu.memory_space<hbm>>
      %dma_wait3A_347 = arith.constant 0 : i32
      %dma_wait3A_348 = arith.constant 0 : i32
      %dma_wait3A_349 = tpu.memref_slice %arg6[%run_scoped3A_216, %dma_wait3A_347, %dma_wait3A_348] : memref<8x100x128xf32, #tpu.memory_space<vmem>> -> memref<1x100x128xf32, #tpu.memory_space<vmem>>
      %dma_wait3A_350 = tpu.memref_squeeze %dma_wait3A_349 : memref<1x100x128xf32, #tpu.memory_space<vmem>> -> memref<100x128xf32, #tpu.memory_space<vmem>>
      %dma_wait3A_351 = arith.constant 50 : i32
      %dma_wait3A_352 = arith.constant 0 : i32
      %dma_wait3A_353 = tpu.memref_slice %dma_wait3A_350[%dma_wait3A_351, %dma_wait3A_352] : memref<100x128xf32, #tpu.memory_space<vmem>> -> memref<50x128xf32, #tpu.memory_space<vmem>>
      tpu.wait_dma2 semaphore(%run_scoped3A_309 : memref<!tpu.dma_semaphore, #tpu.memory_space<semaphore_mem>>) src(%dma_wait3A_353 : memref<50x128xf32, #tpu.memory_space<vmem>>) dst(%dma_wait3A_346 : memref<50x128xf32, #tpu.memory_space<hbm>>)
      tpu.yield
    }) : () -> ()
    %dma_wait3A_217 = arith.constant 0 : i32
    %dma_wait3A_218 = arith.constant 4 : i32
    %dma_wait3A_219 = arith.constant 4 : i32
    %dma_wait3A_220 = arith.constant 0 : i32
    %dma_wait3A_221 = arith.constant 0 : i32
    %dma_wait3A_222 = tpu.memref_slice %arg6[%dma_wait3A_218, %dma_wait3A_220, %dma_wait3A_221] : memref<8x100x128xf32, #tpu.memory_space<vmem>> -> memref<1x100x128xf32, #tpu.memory_space<vmem>>
    %dma_wait3A_223 = tpu.memref_squeeze %dma_wait3A_222 : memref<1x100x128xf32, #tpu.memory_space<vmem>> -> memref<100x128xf32, #tpu.memory_space<vmem>>
    %dma_wait3A_224 = arith.constant 0 : i32
    %dma_wait3A_225 = tpu.memref_slice %arg5[%dma_wait3A_217, %dma_wait3A_224] : memref<64x100xi32, #tpu.memory_space<vmem>> -> memref<1x100xi32, #tpu.memory_space<vmem>>
    %dma_wait3A_226 = tpu.memref_squeeze %dma_wait3A_225 : memref<1x100xi32, #tpu.memory_space<vmem>> -> memref<100xi32, #tpu.memory_space<vmem>>
    %dma_wait3A_227 = arith.constant 0 : i32
    %dma_wait3A_228 = arith.constant 0 : i32
    %dma_wait3A_229 = tpu.memref_slice %arg3[%dma_wait3A_227, %dma_wait3A_228] : memref<100000x128xf32, #tpu.memory_space<hbm>> -> memref<100000x128xf32, #tpu.memory_space<hbm>>
    %dma_wait3A_230 = tpu.memref_slice %arg7[%dma_wait3A_219] : memref<8x!tpu.dma_semaphore, #tpu.memory_space<semaphore_mem>> -> memref<1x!tpu.dma_semaphore, #tpu.memory_space<semaphore_mem>>
    %dma_wait3A_231 = tpu.memref_squeeze %dma_wait3A_230 : memref<1x!tpu.dma_semaphore, #tpu.memory_space<semaphore_mem>> -> memref<!tpu.dma_semaphore, #tpu.memory_space<semaphore_mem>>
    tpu.wait_indirect_dma semaphore(%dma_wait3A_231 : memref<!tpu.dma_semaphore, #tpu.memory_space<semaphore_mem>>) src(%dma_wait3A_229 : memref<100000x128xf32, #tpu.memory_space<hbm>>) dst(%dma_wait3A_223 : memref<100x128xf32, #tpu.memory_space<vmem>>)
    %add3A_232 = arith.constant 120 : i32
    %add3A_233 = arith.addi %mul3A_2, %add3A_232 : i32
    %add3A_234 = arith.constant 0 : i32
    %add3A_235 = arith.addi %add3A_233, %add3A_234 : i32
    %run_scoped3A_236 = arith.constant 4 : i32
    "tpu.region"() ({
      %run_scoped3A_309 = tpu.sem_alloc : memref<!tpu.dma_semaphore, #tpu.memory_space<semaphore_mem>>
      %dma_start3A_310 = arith.constant 0 : i32
      %dma_start3A_311 = arith.constant 0 : i32
      %dma_start3A_312 = tpu.memref_slice %arg6[%run_scoped3A_236, %dma_start3A_310, %dma_start3A_311] : memref<8x100x128xf32, #tpu.memory_space<vmem>> -> memref<1x100x128xf32, #tpu.memory_space<vmem>>
      %dma_start3A_313 = tpu.memref_squeeze %dma_start3A_312 : memref<1x100x128xf32, #tpu.memory_space<vmem>> -> memref<100x128xf32, #tpu.memory_space<vmem>>
      %dma_start3A_314 = arith.constant 0 : i32
      %dma_start3A_315 = arith.constant 0 : i32
      %dma_start3A_316 = tpu.memref_slice %dma_start3A_313[%dma_start3A_314, %dma_start3A_315] : memref<100x128xf32, #tpu.memory_space<vmem>> -> memref<50x128xf32, #tpu.memory_space<vmem>>
      %dma_start3A_317 = arith.constant 0 : i32
      %dma_start3A_318 = arith.constant 0 : i32
      %dma_start3A_319 = tpu.memref_slice %arg4[%add3A_235, %dma_start3A_317, %dma_start3A_318] : memref<4096x50x128xf32, #tpu.memory_space<hbm>> -> memref<1x50x128xf32, #tpu.memory_space<hbm>>
      %dma_start3A_320 = tpu.memref_squeeze %dma_start3A_319 : memref<1x50x128xf32, #tpu.memory_space<hbm>> -> memref<50x128xf32, #tpu.memory_space<hbm>>
      %dma_start3A_321 = arith.constant 0 : i32
      %dma_start3A_322 = arith.constant 0 : i32
      %dma_start3A_323 = tpu.memref_slice %arg4[%add3A_235, %dma_start3A_321, %dma_start3A_322] : memref<4096x50x128xf32, #tpu.memory_space<hbm>> -> memref<1x50x128xf32, #tpu.memory_space<hbm>>
      %dma_start3A_324 = tpu.memref_squeeze %dma_start3A_323 : memref<1x50x128xf32, #tpu.memory_space<hbm>> -> memref<50x128xf32, #tpu.memory_space<hbm>>
      %dma_start3A_325 = arith.constant 0 : i32
      %dma_start3A_326 = arith.constant 0 : i32
      %dma_start3A_327 = tpu.memref_slice %arg6[%run_scoped3A_236, %dma_start3A_325, %dma_start3A_326] : memref<8x100x128xf32, #tpu.memory_space<vmem>> -> memref<1x100x128xf32, #tpu.memory_space<vmem>>
      %dma_start3A_328 = tpu.memref_squeeze %dma_start3A_327 : memref<1x100x128xf32, #tpu.memory_space<vmem>> -> memref<100x128xf32, #tpu.memory_space<vmem>>
      %dma_start3A_329 = arith.constant 0 : i32
      %dma_start3A_330 = arith.constant 0 : i32
      %dma_start3A_331 = tpu.memref_slice %dma_start3A_328[%dma_start3A_329, %dma_start3A_330] : memref<100x128xf32, #tpu.memory_space<vmem>> -> memref<50x128xf32, #tpu.memory_space<vmem>>
      tpu.enqueue_dma source(%dma_start3A_331 : memref<50x128xf32, #tpu.memory_space<vmem>>) target(%dma_start3A_324 : memref<50x128xf32, #tpu.memory_space<hbm>>) target_semaphore(%run_scoped3A_309 : memref<!tpu.dma_semaphore, #tpu.memory_space<semaphore_mem>>)
      %dma_wait3A_332 = arith.constant 0 : i32
      %dma_wait3A_333 = arith.constant 0 : i32
      %dma_wait3A_334 = tpu.memref_slice %arg6[%run_scoped3A_236, %dma_wait3A_332, %dma_wait3A_333] : memref<8x100x128xf32, #tpu.memory_space<vmem>> -> memref<1x100x128xf32, #tpu.memory_space<vmem>>
      %dma_wait3A_335 = tpu.memref_squeeze %dma_wait3A_334 : memref<1x100x128xf32, #tpu.memory_space<vmem>> -> memref<100x128xf32, #tpu.memory_space<vmem>>
      %dma_wait3A_336 = arith.constant 0 : i32
      %dma_wait3A_337 = arith.constant 0 : i32
      %dma_wait3A_338 = tpu.memref_slice %dma_wait3A_335[%dma_wait3A_336, %dma_wait3A_337] : memref<100x128xf32, #tpu.memory_space<vmem>> -> memref<50x128xf32, #tpu.memory_space<vmem>>
      %dma_wait3A_339 = arith.constant 0 : i32
      %dma_wait3A_340 = arith.constant 0 : i32
      %dma_wait3A_341 = tpu.memref_slice %arg4[%add3A_235, %dma_wait3A_339, %dma_wait3A_340] : memref<4096x50x128xf32, #tpu.memory_space<hbm>> -> memref<1x50x128xf32, #tpu.memory_space<hbm>>
      %dma_wait3A_342 = tpu.memref_squeeze %dma_wait3A_341 : memref<1x50x128xf32, #tpu.memory_space<hbm>> -> memref<50x128xf32, #tpu.memory_space<hbm>>
      %dma_wait3A_343 = arith.constant 0 : i32
      %dma_wait3A_344 = arith.constant 0 : i32
      %dma_wait3A_345 = tpu.memref_slice %arg4[%add3A_235, %dma_wait3A_343, %dma_wait3A_344] : memref<4096x50x128xf32, #tpu.memory_space<hbm>> -> memref<1x50x128xf32, #tpu.memory_space<hbm>>
      %dma_wait3A_346 = tpu.memref_squeeze %dma_wait3A_345 : memref<1x50x128xf32, #tpu.memory_space<hbm>> -> memref<50x128xf32, #tpu.memory_space<hbm>>
      %dma_wait3A_347 = arith.constant 0 : i32
      %dma_wait3A_348 = arith.constant 0 : i32
      %dma_wait3A_349 = tpu.memref_slice %arg6[%run_scoped3A_236, %dma_wait3A_347, %dma_wait3A_348] : memref<8x100x128xf32, #tpu.memory_space<vmem>> -> memref<1x100x128xf32, #tpu.memory_space<vmem>>
      %dma_wait3A_350 = tpu.memref_squeeze %dma_wait3A_349 : memref<1x100x128xf32, #tpu.memory_space<vmem>> -> memref<100x128xf32, #tpu.memory_space<vmem>>
      %dma_wait3A_351 = arith.constant 0 : i32
      %dma_wait3A_352 = arith.constant 0 : i32
      %dma_wait3A_353 = tpu.memref_slice %dma_wait3A_350[%dma_wait3A_351, %dma_wait3A_352] : memref<100x128xf32, #tpu.memory_space<vmem>> -> memref<50x128xf32, #tpu.memory_space<vmem>>
      tpu.wait_dma2 semaphore(%run_scoped3A_309 : memref<!tpu.dma_semaphore, #tpu.memory_space<semaphore_mem>>) src(%dma_wait3A_353 : memref<50x128xf32, #tpu.memory_space<vmem>>) dst(%dma_wait3A_346 : memref<50x128xf32, #tpu.memory_space<hbm>>)
      tpu.yield
    }) : () -> ()
    %add3A_237 = arith.constant 1 : i32
    %add3A_238 = arith.addi %add3A_233, %add3A_237 : i32
    %run_scoped3A_239 = arith.constant 4 : i32
    "tpu.region"() ({
      %run_scoped3A_309 = tpu.sem_alloc : memref<!tpu.dma_semaphore, #tpu.memory_space<semaphore_mem>>
      %dma_start3A_310 = arith.constant 0 : i32
      %dma_start3A_311 = arith.constant 0 : i32
      %dma_start3A_312 = tpu.memref_slice %arg6[%run_scoped3A_239, %dma_start3A_310, %dma_start3A_311] : memref<8x100x128xf32, #tpu.memory_space<vmem>> -> memref<1x100x128xf32, #tpu.memory_space<vmem>>
      %dma_start3A_313 = tpu.memref_squeeze %dma_start3A_312 : memref<1x100x128xf32, #tpu.memory_space<vmem>> -> memref<100x128xf32, #tpu.memory_space<vmem>>
      %dma_start3A_314 = arith.constant 50 : i32
      %dma_start3A_315 = arith.constant 0 : i32
      %dma_start3A_316 = tpu.memref_slice %dma_start3A_313[%dma_start3A_314, %dma_start3A_315] : memref<100x128xf32, #tpu.memory_space<vmem>> -> memref<50x128xf32, #tpu.memory_space<vmem>>
      %dma_start3A_317 = arith.constant 0 : i32
      %dma_start3A_318 = arith.constant 0 : i32
      %dma_start3A_319 = tpu.memref_slice %arg4[%add3A_238, %dma_start3A_317, %dma_start3A_318] : memref<4096x50x128xf32, #tpu.memory_space<hbm>> -> memref<1x50x128xf32, #tpu.memory_space<hbm>>
      %dma_start3A_320 = tpu.memref_squeeze %dma_start3A_319 : memref<1x50x128xf32, #tpu.memory_space<hbm>> -> memref<50x128xf32, #tpu.memory_space<hbm>>
      %dma_start3A_321 = arith.constant 0 : i32
      %dma_start3A_322 = arith.constant 0 : i32
      %dma_start3A_323 = tpu.memref_slice %arg4[%add3A_238, %dma_start3A_321, %dma_start3A_322] : memref<4096x50x128xf32, #tpu.memory_space<hbm>> -> memref<1x50x128xf32, #tpu.memory_space<hbm>>
      %dma_start3A_324 = tpu.memref_squeeze %dma_start3A_323 : memref<1x50x128xf32, #tpu.memory_space<hbm>> -> memref<50x128xf32, #tpu.memory_space<hbm>>
      %dma_start3A_325 = arith.constant 0 : i32
      %dma_start3A_326 = arith.constant 0 : i32
      %dma_start3A_327 = tpu.memref_slice %arg6[%run_scoped3A_239, %dma_start3A_325, %dma_start3A_326] : memref<8x100x128xf32, #tpu.memory_space<vmem>> -> memref<1x100x128xf32, #tpu.memory_space<vmem>>
      %dma_start3A_328 = tpu.memref_squeeze %dma_start3A_327 : memref<1x100x128xf32, #tpu.memory_space<vmem>> -> memref<100x128xf32, #tpu.memory_space<vmem>>
      %dma_start3A_329 = arith.constant 50 : i32
      %dma_start3A_330 = arith.constant 0 : i32
      %dma_start3A_331 = tpu.memref_slice %dma_start3A_328[%dma_start3A_329, %dma_start3A_330] : memref<100x128xf32, #tpu.memory_space<vmem>> -> memref<50x128xf32, #tpu.memory_space<vmem>>
      tpu.enqueue_dma source(%dma_start3A_331 : memref<50x128xf32, #tpu.memory_space<vmem>>) target(%dma_start3A_324 : memref<50x128xf32, #tpu.memory_space<hbm>>) target_semaphore(%run_scoped3A_309 : memref<!tpu.dma_semaphore, #tpu.memory_space<semaphore_mem>>)
      %dma_wait3A_332 = arith.constant 0 : i32
      %dma_wait3A_333 = arith.constant 0 : i32
      %dma_wait3A_334 = tpu.memref_slice %arg6[%run_scoped3A_239, %dma_wait3A_332, %dma_wait3A_333] : memref<8x100x128xf32, #tpu.memory_space<vmem>> -> memref<1x100x128xf32, #tpu.memory_space<vmem>>
      %dma_wait3A_335 = tpu.memref_squeeze %dma_wait3A_334 : memref<1x100x128xf32, #tpu.memory_space<vmem>> -> memref<100x128xf32, #tpu.memory_space<vmem>>
      %dma_wait3A_336 = arith.constant 50 : i32
      %dma_wait3A_337 = arith.constant 0 : i32
      %dma_wait3A_338 = tpu.memref_slice %dma_wait3A_335[%dma_wait3A_336, %dma_wait3A_337] : memref<100x128xf32, #tpu.memory_space<vmem>> -> memref<50x128xf32, #tpu.memory_space<vmem>>
      %dma_wait3A_339 = arith.constant 0 : i32
      %dma_wait3A_340 = arith.constant 0 : i32
      %dma_wait3A_341 = tpu.memref_slice %arg4[%add3A_238, %dma_wait3A_339, %dma_wait3A_340] : memref<4096x50x128xf32, #tpu.memory_space<hbm>> -> memref<1x50x128xf32, #tpu.memory_space<hbm>>
      %dma_wait3A_342 = tpu.memref_squeeze %dma_wait3A_341 : memref<1x50x128xf32, #tpu.memory_space<hbm>> -> memref<50x128xf32, #tpu.memory_space<hbm>>
      %dma_wait3A_343 = arith.constant 0 : i32
      %dma_wait3A_344 = arith.constant 0 : i32
      %dma_wait3A_345 = tpu.memref_slice %arg4[%add3A_238, %dma_wait3A_343, %dma_wait3A_344] : memref<4096x50x128xf32, #tpu.memory_space<hbm>> -> memref<1x50x128xf32, #tpu.memory_space<hbm>>
      %dma_wait3A_346 = tpu.memref_squeeze %dma_wait3A_345 : memref<1x50x128xf32, #tpu.memory_space<hbm>> -> memref<50x128xf32, #tpu.memory_space<hbm>>
      %dma_wait3A_347 = arith.constant 0 : i32
      %dma_wait3A_348 = arith.constant 0 : i32
      %dma_wait3A_349 = tpu.memref_slice %arg6[%run_scoped3A_239, %dma_wait3A_347, %dma_wait3A_348] : memref<8x100x128xf32, #tpu.memory_space<vmem>> -> memref<1x100x128xf32, #tpu.memory_space<vmem>>
      %dma_wait3A_350 = tpu.memref_squeeze %dma_wait3A_349 : memref<1x100x128xf32, #tpu.memory_space<vmem>> -> memref<100x128xf32, #tpu.memory_space<vmem>>
      %dma_wait3A_351 = arith.constant 50 : i32
      %dma_wait3A_352 = arith.constant 0 : i32
      %dma_wait3A_353 = tpu.memref_slice %dma_wait3A_350[%dma_wait3A_351, %dma_wait3A_352] : memref<100x128xf32, #tpu.memory_space<vmem>> -> memref<50x128xf32, #tpu.memory_space<vmem>>
      tpu.wait_dma2 semaphore(%run_scoped3A_309 : memref<!tpu.dma_semaphore, #tpu.memory_space<semaphore_mem>>) src(%dma_wait3A_353 : memref<50x128xf32, #tpu.memory_space<vmem>>) dst(%dma_wait3A_346 : memref<50x128xf32, #tpu.memory_space<hbm>>)
      tpu.yield
    }) : () -> ()
    %dma_wait3A_240 = arith.constant 0 : i32
    %dma_wait3A_241 = arith.constant 5 : i32
    %dma_wait3A_242 = arith.constant 5 : i32
    %dma_wait3A_243 = arith.constant 0 : i32
    %dma_wait3A_244 = arith.constant 0 : i32
    %dma_wait3A_245 = tpu.memref_slice %arg6[%dma_wait3A_241, %dma_wait3A_243, %dma_wait3A_244] : memref<8x100x128xf32, #tpu.memory_space<vmem>> -> memref<1x100x128xf32, #tpu.memory_space<vmem>>
    %dma_wait3A_246 = tpu.memref_squeeze %dma_wait3A_245 : memref<1x100x128xf32, #tpu.memory_space<vmem>> -> memref<100x128xf32, #tpu.memory_space<vmem>>
    %dma_wait3A_247 = arith.constant 0 : i32
    %dma_wait3A_248 = tpu.memref_slice %arg5[%dma_wait3A_240, %dma_wait3A_247] : memref<64x100xi32, #tpu.memory_space<vmem>> -> memref<1x100xi32, #tpu.memory_space<vmem>>
    %dma_wait3A_249 = tpu.memref_squeeze %dma_wait3A_248 : memref<1x100xi32, #tpu.memory_space<vmem>> -> memref<100xi32, #tpu.memory_space<vmem>>
    %dma_wait3A_250 = arith.constant 0 : i32
    %dma_wait3A_251 = arith.constant 0 : i32
    %dma_wait3A_252 = tpu.memref_slice %arg3[%dma_wait3A_250, %dma_wait3A_251] : memref<100000x128xf32, #tpu.memory_space<hbm>> -> memref<100000x128xf32, #tpu.memory_space<hbm>>
    %dma_wait3A_253 = tpu.memref_slice %arg7[%dma_wait3A_242] : memref<8x!tpu.dma_semaphore, #tpu.memory_space<semaphore_mem>> -> memref<1x!tpu.dma_semaphore, #tpu.memory_space<semaphore_mem>>
    %dma_wait3A_254 = tpu.memref_squeeze %dma_wait3A_253 : memref<1x!tpu.dma_semaphore, #tpu.memory_space<semaphore_mem>> -> memref<!tpu.dma_semaphore, #tpu.memory_space<semaphore_mem>>
    tpu.wait_indirect_dma semaphore(%dma_wait3A_254 : memref<!tpu.dma_semaphore, #tpu.memory_space<semaphore_mem>>) src(%dma_wait3A_252 : memref<100000x128xf32, #tpu.memory_space<hbm>>) dst(%dma_wait3A_246 : memref<100x128xf32, #tpu.memory_space<vmem>>)
    %add3A_255 = arith.constant 122 : i32
    %add3A_256 = arith.addi %mul3A_2, %add3A_255 : i32
    %add3A_257 = arith.constant 0 : i32
    %add3A_258 = arith.addi %add3A_256, %add3A_257 : i32
    %run_scoped3A_259 = arith.constant 5 : i32
    "tpu.region"() ({
      %run_scoped3A_309 = tpu.sem_alloc : memref<!tpu.dma_semaphore, #tpu.memory_space<semaphore_mem>>
      %dma_start3A_310 = arith.constant 0 : i32
      %dma_start3A_311 = arith.constant 0 : i32
      %dma_start3A_312 = tpu.memref_slice %arg6[%run_scoped3A_259, %dma_start3A_310, %dma_start3A_311] : memref<8x100x128xf32, #tpu.memory_space<vmem>> -> memref<1x100x128xf32, #tpu.memory_space<vmem>>
      %dma_start3A_313 = tpu.memref_squeeze %dma_start3A_312 : memref<1x100x128xf32, #tpu.memory_space<vmem>> -> memref<100x128xf32, #tpu.memory_space<vmem>>
      %dma_start3A_314 = arith.constant 0 : i32
      %dma_start3A_315 = arith.constant 0 : i32
      %dma_start3A_316 = tpu.memref_slice %dma_start3A_313[%dma_start3A_314, %dma_start3A_315] : memref<100x128xf32, #tpu.memory_space<vmem>> -> memref<50x128xf32, #tpu.memory_space<vmem>>
      %dma_start3A_317 = arith.constant 0 : i32
      %dma_start3A_318 = arith.constant 0 : i32
      %dma_start3A_319 = tpu.memref_slice %arg4[%add3A_258, %dma_start3A_317, %dma_start3A_318] : memref<4096x50x128xf32, #tpu.memory_space<hbm>> -> memref<1x50x128xf32, #tpu.memory_space<hbm>>
      %dma_start3A_320 = tpu.memref_squeeze %dma_start3A_319 : memref<1x50x128xf32, #tpu.memory_space<hbm>> -> memref<50x128xf32, #tpu.memory_space<hbm>>
      %dma_start3A_321 = arith.constant 0 : i32
      %dma_start3A_322 = arith.constant 0 : i32
      %dma_start3A_323 = tpu.memref_slice %arg4[%add3A_258, %dma_start3A_321, %dma_start3A_322] : memref<4096x50x128xf32, #tpu.memory_space<hbm>> -> memref<1x50x128xf32, #tpu.memory_space<hbm>>
      %dma_start3A_324 = tpu.memref_squeeze %dma_start3A_323 : memref<1x50x128xf32, #tpu.memory_space<hbm>> -> memref<50x128xf32, #tpu.memory_space<hbm>>
      %dma_start3A_325 = arith.constant 0 : i32
      %dma_start3A_326 = arith.constant 0 : i32
      %dma_start3A_327 = tpu.memref_slice %arg6[%run_scoped3A_259, %dma_start3A_325, %dma_start3A_326] : memref<8x100x128xf32, #tpu.memory_space<vmem>> -> memref<1x100x128xf32, #tpu.memory_space<vmem>>
      %dma_start3A_328 = tpu.memref_squeeze %dma_start3A_327 : memref<1x100x128xf32, #tpu.memory_space<vmem>> -> memref<100x128xf32, #tpu.memory_space<vmem>>
      %dma_start3A_329 = arith.constant 0 : i32
      %dma_start3A_330 = arith.constant 0 : i32
      %dma_start3A_331 = tpu.memref_slice %dma_start3A_328[%dma_start3A_329, %dma_start3A_330] : memref<100x128xf32, #tpu.memory_space<vmem>> -> memref<50x128xf32, #tpu.memory_space<vmem>>
      tpu.enqueue_dma source(%dma_start3A_331 : memref<50x128xf32, #tpu.memory_space<vmem>>) target(%dma_start3A_324 : memref<50x128xf32, #tpu.memory_space<hbm>>) target_semaphore(%run_scoped3A_309 : memref<!tpu.dma_semaphore, #tpu.memory_space<semaphore_mem>>)
      %dma_wait3A_332 = arith.constant 0 : i32
      %dma_wait3A_333 = arith.constant 0 : i32
      %dma_wait3A_334 = tpu.memref_slice %arg6[%run_scoped3A_259, %dma_wait3A_332, %dma_wait3A_333] : memref<8x100x128xf32, #tpu.memory_space<vmem>> -> memref<1x100x128xf32, #tpu.memory_space<vmem>>
      %dma_wait3A_335 = tpu.memref_squeeze %dma_wait3A_334 : memref<1x100x128xf32, #tpu.memory_space<vmem>> -> memref<100x128xf32, #tpu.memory_space<vmem>>
      %dma_wait3A_336 = arith.constant 0 : i32
      %dma_wait3A_337 = arith.constant 0 : i32
      %dma_wait3A_338 = tpu.memref_slice %dma_wait3A_335[%dma_wait3A_336, %dma_wait3A_337] : memref<100x128xf32, #tpu.memory_space<vmem>> -> memref<50x128xf32, #tpu.memory_space<vmem>>
      %dma_wait3A_339 = arith.constant 0 : i32
      %dma_wait3A_340 = arith.constant 0 : i32
      %dma_wait3A_341 = tpu.memref_slice %arg4[%add3A_258, %dma_wait3A_339, %dma_wait3A_340] : memref<4096x50x128xf32, #tpu.memory_space<hbm>> -> memref<1x50x128xf32, #tpu.memory_space<hbm>>
      %dma_wait3A_342 = tpu.memref_squeeze %dma_wait3A_341 : memref<1x50x128xf32, #tpu.memory_space<hbm>> -> memref<50x128xf32, #tpu.memory_space<hbm>>
      %dma_wait3A_343 = arith.constant 0 : i32
      %dma_wait3A_344 = arith.constant 0 : i32
      %dma_wait3A_345 = tpu.memref_slice %arg4[%add3A_258, %dma_wait3A_343, %dma_wait3A_344] : memref<4096x50x128xf32, #tpu.memory_space<hbm>> -> memref<1x50x128xf32, #tpu.memory_space<hbm>>
      %dma_wait3A_346 = tpu.memref_squeeze %dma_wait3A_345 : memref<1x50x128xf32, #tpu.memory_space<hbm>> -> memref<50x128xf32, #tpu.memory_space<hbm>>
      %dma_wait3A_347 = arith.constant 0 : i32
      %dma_wait3A_348 = arith.constant 0 : i32
      %dma_wait3A_349 = tpu.memref_slice %arg6[%run_scoped3A_259, %dma_wait3A_347, %dma_wait3A_348] : memref<8x100x128xf32, #tpu.memory_space<vmem>> -> memref<1x100x128xf32, #tpu.memory_space<vmem>>
      %dma_wait3A_350 = tpu.memref_squeeze %dma_wait3A_349 : memref<1x100x128xf32, #tpu.memory_space<vmem>> -> memref<100x128xf32, #tpu.memory_space<vmem>>
      %dma_wait3A_351 = arith.constant 0 : i32
      %dma_wait3A_352 = arith.constant 0 : i32
      %dma_wait3A_353 = tpu.memref_slice %dma_wait3A_350[%dma_wait3A_351, %dma_wait3A_352] : memref<100x128xf32, #tpu.memory_space<vmem>> -> memref<50x128xf32, #tpu.memory_space<vmem>>
      tpu.wait_dma2 semaphore(%run_scoped3A_309 : memref<!tpu.dma_semaphore, #tpu.memory_space<semaphore_mem>>) src(%dma_wait3A_353 : memref<50x128xf32, #tpu.memory_space<vmem>>) dst(%dma_wait3A_346 : memref<50x128xf32, #tpu.memory_space<hbm>>)
      tpu.yield
    }) : () -> ()
    %add3A_260 = arith.constant 1 : i32
    %add3A_261 = arith.addi %add3A_256, %add3A_260 : i32
    %run_scoped3A_262 = arith.constant 5 : i32
    "tpu.region"() ({
      %run_scoped3A_309 = tpu.sem_alloc : memref<!tpu.dma_semaphore, #tpu.memory_space<semaphore_mem>>
      %dma_start3A_310 = arith.constant 0 : i32
      %dma_start3A_311 = arith.constant 0 : i32
      %dma_start3A_312 = tpu.memref_slice %arg6[%run_scoped3A_262, %dma_start3A_310, %dma_start3A_311] : memref<8x100x128xf32, #tpu.memory_space<vmem>> -> memref<1x100x128xf32, #tpu.memory_space<vmem>>
      %dma_start3A_313 = tpu.memref_squeeze %dma_start3A_312 : memref<1x100x128xf32, #tpu.memory_space<vmem>> -> memref<100x128xf32, #tpu.memory_space<vmem>>
      %dma_start3A_314 = arith.constant 50 : i32
      %dma_start3A_315 = arith.constant 0 : i32
      %dma_start3A_316 = tpu.memref_slice %dma_start3A_313[%dma_start3A_314, %dma_start3A_315] : memref<100x128xf32, #tpu.memory_space<vmem>> -> memref<50x128xf32, #tpu.memory_space<vmem>>
      %dma_start3A_317 = arith.constant 0 : i32
      %dma_start3A_318 = arith.constant 0 : i32
      %dma_start3A_319 = tpu.memref_slice %arg4[%add3A_261, %dma_start3A_317, %dma_start3A_318] : memref<4096x50x128xf32, #tpu.memory_space<hbm>> -> memref<1x50x128xf32, #tpu.memory_space<hbm>>
      %dma_start3A_320 = tpu.memref_squeeze %dma_start3A_319 : memref<1x50x128xf32, #tpu.memory_space<hbm>> -> memref<50x128xf32, #tpu.memory_space<hbm>>
      %dma_start3A_321 = arith.constant 0 : i32
      %dma_start3A_322 = arith.constant 0 : i32
      %dma_start3A_323 = tpu.memref_slice %arg4[%add3A_261, %dma_start3A_321, %dma_start3A_322] : memref<4096x50x128xf32, #tpu.memory_space<hbm>> -> memref<1x50x128xf32, #tpu.memory_space<hbm>>
      %dma_start3A_324 = tpu.memref_squeeze %dma_start3A_323 : memref<1x50x128xf32, #tpu.memory_space<hbm>> -> memref<50x128xf32, #tpu.memory_space<hbm>>
      %dma_start3A_325 = arith.constant 0 : i32
      %dma_start3A_326 = arith.constant 0 : i32
      %dma_start3A_327 = tpu.memref_slice %arg6[%run_scoped3A_262, %dma_start3A_325, %dma_start3A_326] : memref<8x100x128xf32, #tpu.memory_space<vmem>> -> memref<1x100x128xf32, #tpu.memory_space<vmem>>
      %dma_start3A_328 = tpu.memref_squeeze %dma_start3A_327 : memref<1x100x128xf32, #tpu.memory_space<vmem>> -> memref<100x128xf32, #tpu.memory_space<vmem>>
      %dma_start3A_329 = arith.constant 50 : i32
      %dma_start3A_330 = arith.constant 0 : i32
      %dma_start3A_331 = tpu.memref_slice %dma_start3A_328[%dma_start3A_329, %dma_start3A_330] : memref<100x128xf32, #tpu.memory_space<vmem>> -> memref<50x128xf32, #tpu.memory_space<vmem>>
      tpu.enqueue_dma source(%dma_start3A_331 : memref<50x128xf32, #tpu.memory_space<vmem>>) target(%dma_start3A_324 : memref<50x128xf32, #tpu.memory_space<hbm>>) target_semaphore(%run_scoped3A_309 : memref<!tpu.dma_semaphore, #tpu.memory_space<semaphore_mem>>)
      %dma_wait3A_332 = arith.constant 0 : i32
      %dma_wait3A_333 = arith.constant 0 : i32
      %dma_wait3A_334 = tpu.memref_slice %arg6[%run_scoped3A_262, %dma_wait3A_332, %dma_wait3A_333] : memref<8x100x128xf32, #tpu.memory_space<vmem>> -> memref<1x100x128xf32, #tpu.memory_space<vmem>>
      %dma_wait3A_335 = tpu.memref_squeeze %dma_wait3A_334 : memref<1x100x128xf32, #tpu.memory_space<vmem>> -> memref<100x128xf32, #tpu.memory_space<vmem>>
      %dma_wait3A_336 = arith.constant 50 : i32
      %dma_wait3A_337 = arith.constant 0 : i32
      %dma_wait3A_338 = tpu.memref_slice %dma_wait3A_335[%dma_wait3A_336, %dma_wait3A_337] : memref<100x128xf32, #tpu.memory_space<vmem>> -> memref<50x128xf32, #tpu.memory_space<vmem>>
      %dma_wait3A_339 = arith.constant 0 : i32
      %dma_wait3A_340 = arith.constant 0 : i32
      %dma_wait3A_341 = tpu.memref_slice %arg4[%add3A_261, %dma_wait3A_339, %dma_wait3A_340] : memref<4096x50x128xf32, #tpu.memory_space<hbm>> -> memref<1x50x128xf32, #tpu.memory_space<hbm>>
      %dma_wait3A_342 = tpu.memref_squeeze %dma_wait3A_341 : memref<1x50x128xf32, #tpu.memory_space<hbm>> -> memref<50x128xf32, #tpu.memory_space<hbm>>
      %dma_wait3A_343 = arith.constant 0 : i32
      %dma_wait3A_344 = arith.constant 0 : i32
      %dma_wait3A_345 = tpu.memref_slice %arg4[%add3A_261, %dma_wait3A_343, %dma_wait3A_344] : memref<4096x50x128xf32, #tpu.memory_space<hbm>> -> memref<1x50x128xf32, #tpu.memory_space<hbm>>
      %dma_wait3A_346 = tpu.memref_squeeze %dma_wait3A_345 : memref<1x50x128xf32, #tpu.memory_space<hbm>> -> memref<50x128xf32, #tpu.memory_space<hbm>>
      %dma_wait3A_347 = arith.constant 0 : i32
      %dma_wait3A_348 = arith.constant 0 : i32
      %dma_wait3A_349 = tpu.memref_slice %arg6[%run_scoped3A_262, %dma_wait3A_347, %dma_wait3A_348] : memref<8x100x128xf32, #tpu.memory_space<vmem>> -> memref<1x100x128xf32, #tpu.memory_space<vmem>>
      %dma_wait3A_350 = tpu.memref_squeeze %dma_wait3A_349 : memref<1x100x128xf32, #tpu.memory_space<vmem>> -> memref<100x128xf32, #tpu.memory_space<vmem>>
      %dma_wait3A_351 = arith.constant 50 : i32
      %dma_wait3A_352 = arith.constant 0 : i32
      %dma_wait3A_353 = tpu.memref_slice %dma_wait3A_350[%dma_wait3A_351, %dma_wait3A_352] : memref<100x128xf32, #tpu.memory_space<vmem>> -> memref<50x128xf32, #tpu.memory_space<vmem>>
      tpu.wait_dma2 semaphore(%run_scoped3A_309 : memref<!tpu.dma_semaphore, #tpu.memory_space<semaphore_mem>>) src(%dma_wait3A_353 : memref<50x128xf32, #tpu.memory_space<vmem>>) dst(%dma_wait3A_346 : memref<50x128xf32, #tpu.memory_space<hbm>>)
      tpu.yield
    }) : () -> ()
    %dma_wait3A_263 = arith.constant 0 : i32
    %dma_wait3A_264 = arith.constant 6 : i32
    %dma_wait3A_265 = arith.constant 6 : i32
    %dma_wait3A_266 = arith.constant 0 : i32
    %dma_wait3A_267 = arith.constant 0 : i32
    %dma_wait3A_268 = tpu.memref_slice %arg6[%dma_wait3A_264, %dma_wait3A_266, %dma_wait3A_267] : memref<8x100x128xf32, #tpu.memory_space<vmem>> -> memref<1x100x128xf32, #tpu.memory_space<vmem>>
    %dma_wait3A_269 = tpu.memref_squeeze %dma_wait3A_268 : memref<1x100x128xf32, #tpu.memory_space<vmem>> -> memref<100x128xf32, #tpu.memory_space<vmem>>
    %dma_wait3A_270 = arith.constant 0 : i32
    %dma_wait3A_271 = tpu.memref_slice %arg5[%dma_wait3A_263, %dma_wait3A_270] : memref<64x100xi32, #tpu.memory_space<vmem>> -> memref<1x100xi32, #tpu.memory_space<vmem>>
    %dma_wait3A_272 = tpu.memref_squeeze %dma_wait3A_271 : memref<1x100xi32, #tpu.memory_space<vmem>> -> memref<100xi32, #tpu.memory_space<vmem>>
    %dma_wait3A_273 = arith.constant 0 : i32
    %dma_wait3A_274 = arith.constant 0 : i32
    %dma_wait3A_275 = tpu.memref_slice %arg3[%dma_wait3A_273, %dma_wait3A_274] : memref<100000x128xf32, #tpu.memory_space<hbm>> -> memref<100000x128xf32, #tpu.memory_space<hbm>>
    %dma_wait3A_276 = tpu.memref_slice %arg7[%dma_wait3A_265] : memref<8x!tpu.dma_semaphore, #tpu.memory_space<semaphore_mem>> -> memref<1x!tpu.dma_semaphore, #tpu.memory_space<semaphore_mem>>
    %dma_wait3A_277 = tpu.memref_squeeze %dma_wait3A_276 : memref<1x!tpu.dma_semaphore, #tpu.memory_space<semaphore_mem>> -> memref<!tpu.dma_semaphore, #tpu.memory_space<semaphore_mem>>
    tpu.wait_indirect_dma semaphore(%dma_wait3A_277 : memref<!tpu.dma_semaphore, #tpu.memory_space<semaphore_mem>>) src(%dma_wait3A_275 : memref<100000x128xf32, #tpu.memory_space<hbm>>) dst(%dma_wait3A_269 : memref<100x128xf32, #tpu.memory_space<vmem>>)
    %add3A_278 = arith.constant 124 : i32
    %add3A_279 = arith.addi %mul3A_2, %add3A_278 : i32
    %add3A_280 = arith.constant 0 : i32
    %add3A_281 = arith.addi %add3A_279, %add3A_280 : i32
    %run_scoped3A_282 = arith.constant 6 : i32
    "tpu.region"() ({
      %run_scoped3A_309 = tpu.sem_alloc : memref<!tpu.dma_semaphore, #tpu.memory_space<semaphore_mem>>
      %dma_start3A_310 = arith.constant 0 : i32
      %dma_start3A_311 = arith.constant 0 : i32
      %dma_start3A_312 = tpu.memref_slice %arg6[%run_scoped3A_282, %dma_start3A_310, %dma_start3A_311] : memref<8x100x128xf32, #tpu.memory_space<vmem>> -> memref<1x100x128xf32, #tpu.memory_space<vmem>>
      %dma_start3A_313 = tpu.memref_squeeze %dma_start3A_312 : memref<1x100x128xf32, #tpu.memory_space<vmem>> -> memref<100x128xf32, #tpu.memory_space<vmem>>
      %dma_start3A_314 = arith.constant 0 : i32
      %dma_start3A_315 = arith.constant 0 : i32
      %dma_start3A_316 = tpu.memref_slice %dma_start3A_313[%dma_start3A_314, %dma_start3A_315] : memref<100x128xf32, #tpu.memory_space<vmem>> -> memref<50x128xf32, #tpu.memory_space<vmem>>
      %dma_start3A_317 = arith.constant 0 : i32
      %dma_start3A_318 = arith.constant 0 : i32
      %dma_start3A_319 = tpu.memref_slice %arg4[%add3A_281, %dma_start3A_317, %dma_start3A_318] : memref<4096x50x128xf32, #tpu.memory_space<hbm>> -> memref<1x50x128xf32, #tpu.memory_space<hbm>>
      %dma_start3A_320 = tpu.memref_squeeze %dma_start3A_319 : memref<1x50x128xf32, #tpu.memory_space<hbm>> -> memref<50x128xf32, #tpu.memory_space<hbm>>
      %dma_start3A_321 = arith.constant 0 : i32
      %dma_start3A_322 = arith.constant 0 : i32
      %dma_start3A_323 = tpu.memref_slice %arg4[%add3A_281, %dma_start3A_321, %dma_start3A_322] : memref<4096x50x128xf32, #tpu.memory_space<hbm>> -> memref<1x50x128xf32, #tpu.memory_space<hbm>>
      %dma_start3A_324 = tpu.memref_squeeze %dma_start3A_323 : memref<1x50x128xf32, #tpu.memory_space<hbm>> -> memref<50x128xf32, #tpu.memory_space<hbm>>
      %dma_start3A_325 = arith.constant 0 : i32
      %dma_start3A_326 = arith.constant 0 : i32
      %dma_start3A_327 = tpu.memref_slice %arg6[%run_scoped3A_282, %dma_start3A_325, %dma_start3A_326] : memref<8x100x128xf32, #tpu.memory_space<vmem>> -> memref<1x100x128xf32, #tpu.memory_space<vmem>>
      %dma_start3A_328 = tpu.memref_squeeze %dma_start3A_327 : memref<1x100x128xf32, #tpu.memory_space<vmem>> -> memref<100x128xf32, #tpu.memory_space<vmem>>
      %dma_start3A_329 = arith.constant 0 : i32
      %dma_start3A_330 = arith.constant 0 : i32
      %dma_start3A_331 = tpu.memref_slice %dma_start3A_328[%dma_start3A_329, %dma_start3A_330] : memref<100x128xf32, #tpu.memory_space<vmem>> -> memref<50x128xf32, #tpu.memory_space<vmem>>
      tpu.enqueue_dma source(%dma_start3A_331 : memref<50x128xf32, #tpu.memory_space<vmem>>) target(%dma_start3A_324 : memref<50x128xf32, #tpu.memory_space<hbm>>) target_semaphore(%run_scoped3A_309 : memref<!tpu.dma_semaphore, #tpu.memory_space<semaphore_mem>>)
      %dma_wait3A_332 = arith.constant 0 : i32
      %dma_wait3A_333 = arith.constant 0 : i32
      %dma_wait3A_334 = tpu.memref_slice %arg6[%run_scoped3A_282, %dma_wait3A_332, %dma_wait3A_333] : memref<8x100x128xf32, #tpu.memory_space<vmem>> -> memref<1x100x128xf32, #tpu.memory_space<vmem>>
      %dma_wait3A_335 = tpu.memref_squeeze %dma_wait3A_334 : memref<1x100x128xf32, #tpu.memory_space<vmem>> -> memref<100x128xf32, #tpu.memory_space<vmem>>
      %dma_wait3A_336 = arith.constant 0 : i32
      %dma_wait3A_337 = arith.constant 0 : i32
      %dma_wait3A_338 = tpu.memref_slice %dma_wait3A_335[%dma_wait3A_336, %dma_wait3A_337] : memref<100x128xf32, #tpu.memory_space<vmem>> -> memref<50x128xf32, #tpu.memory_space<vmem>>
      %dma_wait3A_339 = arith.constant 0 : i32
      %dma_wait3A_340 = arith.constant 0 : i32
      %dma_wait3A_341 = tpu.memref_slice %arg4[%add3A_281, %dma_wait3A_339, %dma_wait3A_340] : memref<4096x50x128xf32, #tpu.memory_space<hbm>> -> memref<1x50x128xf32, #tpu.memory_space<hbm>>
      %dma_wait3A_342 = tpu.memref_squeeze %dma_wait3A_341 : memref<1x50x128xf32, #tpu.memory_space<hbm>> -> memref<50x128xf32, #tpu.memory_space<hbm>>
      %dma_wait3A_343 = arith.constant 0 : i32
      %dma_wait3A_344 = arith.constant 0 : i32
      %dma_wait3A_345 = tpu.memref_slice %arg4[%add3A_281, %dma_wait3A_343, %dma_wait3A_344] : memref<4096x50x128xf32, #tpu.memory_space<hbm>> -> memref<1x50x128xf32, #tpu.memory_space<hbm>>
      %dma_wait3A_346 = tpu.memref_squeeze %dma_wait3A_345 : memref<1x50x128xf32, #tpu.memory_space<hbm>> -> memref<50x128xf32, #tpu.memory_space<hbm>>
      %dma_wait3A_347 = arith.constant 0 : i32
      %dma_wait3A_348 = arith.constant 0 : i32
      %dma_wait3A_349 = tpu.memref_slice %arg6[%run_scoped3A_282, %dma_wait3A_347, %dma_wait3A_348] : memref<8x100x128xf32, #tpu.memory_space<vmem>> -> memref<1x100x128xf32, #tpu.memory_space<vmem>>
      %dma_wait3A_350 = tpu.memref_squeeze %dma_wait3A_349 : memref<1x100x128xf32, #tpu.memory_space<vmem>> -> memref<100x128xf32, #tpu.memory_space<vmem>>
      %dma_wait3A_351 = arith.constant 0 : i32
      %dma_wait3A_352 = arith.constant 0 : i32
      %dma_wait3A_353 = tpu.memref_slice %dma_wait3A_350[%dma_wait3A_351, %dma_wait3A_352] : memref<100x128xf32, #tpu.memory_space<vmem>> -> memref<50x128xf32, #tpu.memory_space<vmem>>
      tpu.wait_dma2 semaphore(%run_scoped3A_309 : memref<!tpu.dma_semaphore, #tpu.memory_space<semaphore_mem>>) src(%dma_wait3A_353 : memref<50x128xf32, #tpu.memory_space<vmem>>) dst(%dma_wait3A_346 : memref<50x128xf32, #tpu.memory_space<hbm>>)
      tpu.yield
    }) : () -> ()
    %add3A_283 = arith.constant 1 : i32
    %add3A_284 = arith.addi %add3A_279, %add3A_283 : i32
    %run_scoped3A_285 = arith.constant 6 : i32
    "tpu.region"() ({
      %run_scoped3A_309 = tpu.sem_alloc : memref<!tpu.dma_semaphore, #tpu.memory_space<semaphore_mem>>
      %dma_start3A_310 = arith.constant 0 : i32
      %dma_start3A_311 = arith.constant 0 : i32
      %dma_start3A_312 = tpu.memref_slice %arg6[%run_scoped3A_285, %dma_start3A_310, %dma_start3A_311] : memref<8x100x128xf32, #tpu.memory_space<vmem>> -> memref<1x100x128xf32, #tpu.memory_space<vmem>>
      %dma_start3A_313 = tpu.memref_squeeze %dma_start3A_312 : memref<1x100x128xf32, #tpu.memory_space<vmem>> -> memref<100x128xf32, #tpu.memory_space<vmem>>
      %dma_start3A_314 = arith.constant 50 : i32
      %dma_start3A_315 = arith.constant 0 : i32
      %dma_start3A_316 = tpu.memref_slice %dma_start3A_313[%dma_start3A_314, %dma_start3A_315] : memref<100x128xf32, #tpu.memory_space<vmem>> -> memref<50x128xf32, #tpu.memory_space<vmem>>
      %dma_start3A_317 = arith.constant 0 : i32
      %dma_start3A_318 = arith.constant 0 : i32
      %dma_start3A_319 = tpu.memref_slice %arg4[%add3A_284, %dma_start3A_317, %dma_start3A_318] : memref<4096x50x128xf32, #tpu.memory_space<hbm>> -> memref<1x50x128xf32, #tpu.memory_space<hbm>>
      %dma_start3A_320 = tpu.memref_squeeze %dma_start3A_319 : memref<1x50x128xf32, #tpu.memory_space<hbm>> -> memref<50x128xf32, #tpu.memory_space<hbm>>
      %dma_start3A_321 = arith.constant 0 : i32
      %dma_start3A_322 = arith.constant 0 : i32
      %dma_start3A_323 = tpu.memref_slice %arg4[%add3A_284, %dma_start3A_321, %dma_start3A_322] : memref<4096x50x128xf32, #tpu.memory_space<hbm>> -> memref<1x50x128xf32, #tpu.memory_space<hbm>>
      %dma_start3A_324 = tpu.memref_squeeze %dma_start3A_323 : memref<1x50x128xf32, #tpu.memory_space<hbm>> -> memref<50x128xf32, #tpu.memory_space<hbm>>
      %dma_start3A_325 = arith.constant 0 : i32
      %dma_start3A_326 = arith.constant 0 : i32
      %dma_start3A_327 = tpu.memref_slice %arg6[%run_scoped3A_285, %dma_start3A_325, %dma_start3A_326] : memref<8x100x128xf32, #tpu.memory_space<vmem>> -> memref<1x100x128xf32, #tpu.memory_space<vmem>>
      %dma_start3A_328 = tpu.memref_squeeze %dma_start3A_327 : memref<1x100x128xf32, #tpu.memory_space<vmem>> -> memref<100x128xf32, #tpu.memory_space<vmem>>
      %dma_start3A_329 = arith.constant 50 : i32
      %dma_start3A_330 = arith.constant 0 : i32
      %dma_start3A_331 = tpu.memref_slice %dma_start3A_328[%dma_start3A_329, %dma_start3A_330] : memref<100x128xf32, #tpu.memory_space<vmem>> -> memref<50x128xf32, #tpu.memory_space<vmem>>
      tpu.enqueue_dma source(%dma_start3A_331 : memref<50x128xf32, #tpu.memory_space<vmem>>) target(%dma_start3A_324 : memref<50x128xf32, #tpu.memory_space<hbm>>) target_semaphore(%run_scoped3A_309 : memref<!tpu.dma_semaphore, #tpu.memory_space<semaphore_mem>>)
      %dma_wait3A_332 = arith.constant 0 : i32
      %dma_wait3A_333 = arith.constant 0 : i32
      %dma_wait3A_334 = tpu.memref_slice %arg6[%run_scoped3A_285, %dma_wait3A_332, %dma_wait3A_333] : memref<8x100x128xf32, #tpu.memory_space<vmem>> -> memref<1x100x128xf32, #tpu.memory_space<vmem>>
      %dma_wait3A_335 = tpu.memref_squeeze %dma_wait3A_334 : memref<1x100x128xf32, #tpu.memory_space<vmem>> -> memref<100x128xf32, #tpu.memory_space<vmem>>
      %dma_wait3A_336 = arith.constant 50 : i32
      %dma_wait3A_337 = arith.constant 0 : i32
      %dma_wait3A_338 = tpu.memref_slice %dma_wait3A_335[%dma_wait3A_336, %dma_wait3A_337] : memref<100x128xf32, #tpu.memory_space<vmem>> -> memref<50x128xf32, #tpu.memory_space<vmem>>
      %dma_wait3A_339 = arith.constant 0 : i32
      %dma_wait3A_340 = arith.constant 0 : i32
      %dma_wait3A_341 = tpu.memref_slice %arg4[%add3A_284, %dma_wait3A_339, %dma_wait3A_340] : memref<4096x50x128xf32, #tpu.memory_space<hbm>> -> memref<1x50x128xf32, #tpu.memory_space<hbm>>
      %dma_wait3A_342 = tpu.memref_squeeze %dma_wait3A_341 : memref<1x50x128xf32, #tpu.memory_space<hbm>> -> memref<50x128xf32, #tpu.memory_space<hbm>>
      %dma_wait3A_343 = arith.constant 0 : i32
      %dma_wait3A_344 = arith.constant 0 : i32
      %dma_wait3A_345 = tpu.memref_slice %arg4[%add3A_284, %dma_wait3A_343, %dma_wait3A_344] : memref<4096x50x128xf32, #tpu.memory_space<hbm>> -> memref<1x50x128xf32, #tpu.memory_space<hbm>>
      %dma_wait3A_346 = tpu.memref_squeeze %dma_wait3A_345 : memref<1x50x128xf32, #tpu.memory_space<hbm>> -> memref<50x128xf32, #tpu.memory_space<hbm>>
      %dma_wait3A_347 = arith.constant 0 : i32
      %dma_wait3A_348 = arith.constant 0 : i32
      %dma_wait3A_349 = tpu.memref_slice %arg6[%run_scoped3A_285, %dma_wait3A_347, %dma_wait3A_348] : memref<8x100x128xf32, #tpu.memory_space<vmem>> -> memref<1x100x128xf32, #tpu.memory_space<vmem>>
      %dma_wait3A_350 = tpu.memref_squeeze %dma_wait3A_349 : memref<1x100x128xf32, #tpu.memory_space<vmem>> -> memref<100x128xf32, #tpu.memory_space<vmem>>
      %dma_wait3A_351 = arith.constant 50 : i32
      %dma_wait3A_352 = arith.constant 0 : i32
      %dma_wait3A_353 = tpu.memref_slice %dma_wait3A_350[%dma_wait3A_351, %dma_wait3A_352] : memref<100x128xf32, #tpu.memory_space<vmem>> -> memref<50x128xf32, #tpu.memory_space<vmem>>
      tpu.wait_dma2 semaphore(%run_scoped3A_309 : memref<!tpu.dma_semaphore, #tpu.memory_space<semaphore_mem>>) src(%dma_wait3A_353 : memref<50x128xf32, #tpu.memory_space<vmem>>) dst(%dma_wait3A_346 : memref<50x128xf32, #tpu.memory_space<hbm>>)
      tpu.yield
    }) : () -> ()
    %dma_wait3A_286 = arith.constant 0 : i32
    %dma_wait3A_287 = arith.constant 7 : i32
    %dma_wait3A_288 = arith.constant 7 : i32
    %dma_wait3A_289 = arith.constant 0 : i32
    %dma_wait3A_290 = arith.constant 0 : i32
    %dma_wait3A_291 = tpu.memref_slice %arg6[%dma_wait3A_287, %dma_wait3A_289, %dma_wait3A_290] : memref<8x100x128xf32, #tpu.memory_space<vmem>> -> memref<1x100x128xf32, #tpu.memory_space<vmem>>
    %dma_wait3A_292 = tpu.memref_squeeze %dma_wait3A_291 : memref<1x100x128xf32, #tpu.memory_space<vmem>> -> memref<100x128xf32, #tpu.memory_space<vmem>>
    %dma_wait3A_293 = arith.constant 0 : i32
    %dma_wait3A_294 = tpu.memref_slice %arg5[%dma_wait3A_286, %dma_wait3A_293] : memref<64x100xi32, #tpu.memory_space<vmem>> -> memref<1x100xi32, #tpu.memory_space<vmem>>
    %dma_wait3A_295 = tpu.memref_squeeze %dma_wait3A_294 : memref<1x100xi32, #tpu.memory_space<vmem>> -> memref<100xi32, #tpu.memory_space<vmem>>
    %dma_wait3A_296 = arith.constant 0 : i32
    %dma_wait3A_297 = arith.constant 0 : i32
    %dma_wait3A_298 = tpu.memref_slice %arg3[%dma_wait3A_296, %dma_wait3A_297] : memref<100000x128xf32, #tpu.memory_space<hbm>> -> memref<100000x128xf32, #tpu.memory_space<hbm>>
    %dma_wait3A_299 = tpu.memref_slice %arg7[%dma_wait3A_288] : memref<8x!tpu.dma_semaphore, #tpu.memory_space<semaphore_mem>> -> memref<1x!tpu.dma_semaphore, #tpu.memory_space<semaphore_mem>>
    %dma_wait3A_300 = tpu.memref_squeeze %dma_wait3A_299 : memref<1x!tpu.dma_semaphore, #tpu.memory_space<semaphore_mem>> -> memref<!tpu.dma_semaphore, #tpu.memory_space<semaphore_mem>>
    tpu.wait_indirect_dma semaphore(%dma_wait3A_300 : memref<!tpu.dma_semaphore, #tpu.memory_space<semaphore_mem>>) src(%dma_wait3A_298 : memref<100000x128xf32, #tpu.memory_space<hbm>>) dst(%dma_wait3A_292 : memref<100x128xf32, #tpu.memory_space<vmem>>)
    %add3A_301 = arith.constant 126 : i32
    %add3A_302 = arith.addi %mul3A_2, %add3A_301 : i32
    %add3A_303 = arith.constant 0 : i32
    %add3A_304 = arith.addi %add3A_302, %add3A_303 : i32
    %run_scoped3A_305 = arith.constant 7 : i32
    "tpu.region"() ({
      %run_scoped3A_309 = tpu.sem_alloc : memref<!tpu.dma_semaphore, #tpu.memory_space<semaphore_mem>>
      %dma_start3A_310 = arith.constant 0 : i32
      %dma_start3A_311 = arith.constant 0 : i32
      %dma_start3A_312 = tpu.memref_slice %arg6[%run_scoped3A_305, %dma_start3A_310, %dma_start3A_311] : memref<8x100x128xf32, #tpu.memory_space<vmem>> -> memref<1x100x128xf32, #tpu.memory_space<vmem>>
      %dma_start3A_313 = tpu.memref_squeeze %dma_start3A_312 : memref<1x100x128xf32, #tpu.memory_space<vmem>> -> memref<100x128xf32, #tpu.memory_space<vmem>>
      %dma_start3A_314 = arith.constant 0 : i32
      %dma_start3A_315 = arith.constant 0 : i32
      %dma_start3A_316 = tpu.memref_slice %dma_start3A_313[%dma_start3A_314, %dma_start3A_315] : memref<100x128xf32, #tpu.memory_space<vmem>> -> memref<50x128xf32, #tpu.memory_space<vmem>>
      %dma_start3A_317 = arith.constant 0 : i32
      %dma_start3A_318 = arith.constant 0 : i32
      %dma_start3A_319 = tpu.memref_slice %arg4[%add3A_304, %dma_start3A_317, %dma_start3A_318] : memref<4096x50x128xf32, #tpu.memory_space<hbm>> -> memref<1x50x128xf32, #tpu.memory_space<hbm>>
      %dma_start3A_320 = tpu.memref_squeeze %dma_start3A_319 : memref<1x50x128xf32, #tpu.memory_space<hbm>> -> memref<50x128xf32, #tpu.memory_space<hbm>>
      %dma_start3A_321 = arith.constant 0 : i32
      %dma_start3A_322 = arith.constant 0 : i32
      %dma_start3A_323 = tpu.memref_slice %arg4[%add3A_304, %dma_start3A_321, %dma_start3A_322] : memref<4096x50x128xf32, #tpu.memory_space<hbm>> -> memref<1x50x128xf32, #tpu.memory_space<hbm>>
      %dma_start3A_324 = tpu.memref_squeeze %dma_start3A_323 : memref<1x50x128xf32, #tpu.memory_space<hbm>> -> memref<50x128xf32, #tpu.memory_space<hbm>>
      %dma_start3A_325 = arith.constant 0 : i32
      %dma_start3A_326 = arith.constant 0 : i32
      %dma_start3A_327 = tpu.memref_slice %arg6[%run_scoped3A_305, %dma_start3A_325, %dma_start3A_326] : memref<8x100x128xf32, #tpu.memory_space<vmem>> -> memref<1x100x128xf32, #tpu.memory_space<vmem>>
      %dma_start3A_328 = tpu.memref_squeeze %dma_start3A_327 : memref<1x100x128xf32, #tpu.memory_space<vmem>> -> memref<100x128xf32, #tpu.memory_space<vmem>>
      %dma_start3A_329 = arith.constant 0 : i32
      %dma_start3A_330 = arith.constant 0 : i32
      %dma_start3A_331 = tpu.memref_slice %dma_start3A_328[%dma_start3A_329, %dma_start3A_330] : memref<100x128xf32, #tpu.memory_space<vmem>> -> memref<50x128xf32, #tpu.memory_space<vmem>>
      tpu.enqueue_dma source(%dma_start3A_331 : memref<50x128xf32, #tpu.memory_space<vmem>>) target(%dma_start3A_324 : memref<50x128xf32, #tpu.memory_space<hbm>>) target_semaphore(%run_scoped3A_309 : memref<!tpu.dma_semaphore, #tpu.memory_space<semaphore_mem>>)
      %dma_wait3A_332 = arith.constant 0 : i32
      %dma_wait3A_333 = arith.constant 0 : i32
      %dma_wait3A_334 = tpu.memref_slice %arg6[%run_scoped3A_305, %dma_wait3A_332, %dma_wait3A_333] : memref<8x100x128xf32, #tpu.memory_space<vmem>> -> memref<1x100x128xf32, #tpu.memory_space<vmem>>
      %dma_wait3A_335 = tpu.memref_squeeze %dma_wait3A_334 : memref<1x100x128xf32, #tpu.memory_space<vmem>> -> memref<100x128xf32, #tpu.memory_space<vmem>>
      %dma_wait3A_336 = arith.constant 0 : i32
      %dma_wait3A_337 = arith.constant 0 : i32
      %dma_wait3A_338 = tpu.memref_slice %dma_wait3A_335[%dma_wait3A_336, %dma_wait3A_337] : memref<100x128xf32, #tpu.memory_space<vmem>> -> memref<50x128xf32, #tpu.memory_space<vmem>>
      %dma_wait3A_339 = arith.constant 0 : i32
      %dma_wait3A_340 = arith.constant 0 : i32
      %dma_wait3A_341 = tpu.memref_slice %arg4[%add3A_304, %dma_wait3A_339, %dma_wait3A_340] : memref<4096x50x128xf32, #tpu.memory_space<hbm>> -> memref<1x50x128xf32, #tpu.memory_space<hbm>>
      %dma_wait3A_342 = tpu.memref_squeeze %dma_wait3A_341 : memref<1x50x128xf32, #tpu.memory_space<hbm>> -> memref<50x128xf32, #tpu.memory_space<hbm>>
      %dma_wait3A_343 = arith.constant 0 : i32
      %dma_wait3A_344 = arith.constant 0 : i32
      %dma_wait3A_345 = tpu.memref_slice %arg4[%add3A_304, %dma_wait3A_343, %dma_wait3A_344] : memref<4096x50x128xf32, #tpu.memory_space<hbm>> -> memref<1x50x128xf32, #tpu.memory_space<hbm>>
      %dma_wait3A_346 = tpu.memref_squeeze %dma_wait3A_345 : memref<1x50x128xf32, #tpu.memory_space<hbm>> -> memref<50x128xf32, #tpu.memory_space<hbm>>
      %dma_wait3A_347 = arith.constant 0 : i32
      %dma_wait3A_348 = arith.constant 0 : i32
      %dma_wait3A_349 = tpu.memref_slice %arg6[%run_scoped3A_305, %dma_wait3A_347, %dma_wait3A_348] : memref<8x100x128xf32, #tpu.memory_space<vmem>> -> memref<1x100x128xf32, #tpu.memory_space<vmem>>
      %dma_wait3A_350 = tpu.memref_squeeze %dma_wait3A_349 : memref<1x100x128xf32, #tpu.memory_space<vmem>> -> memref<100x128xf32, #tpu.memory_space<vmem>>
      %dma_wait3A_351 = arith.constant 0 : i32
      %dma_wait3A_352 = arith.constant 0 : i32
      %dma_wait3A_353 = tpu.memref_slice %dma_wait3A_350[%dma_wait3A_351, %dma_wait3A_352] : memref<100x128xf32, #tpu.memory_space<vmem>> -> memref<50x128xf32, #tpu.memory_space<vmem>>
      tpu.wait_dma2 semaphore(%run_scoped3A_309 : memref<!tpu.dma_semaphore, #tpu.memory_space<semaphore_mem>>) src(%dma_wait3A_353 : memref<50x128xf32, #tpu.memory_space<vmem>>) dst(%dma_wait3A_346 : memref<50x128xf32, #tpu.memory_space<hbm>>)
      tpu.yield
    }) : () -> ()
    %add3A_306 = arith.constant 1 : i32
    %add3A_307 = arith.addi %add3A_302, %add3A_306 : i32
    %run_scoped3A_308 = arith.constant 7 : i32
    "tpu.region"() ({
      %run_scoped3A_309 = tpu.sem_alloc : memref<!tpu.dma_semaphore, #tpu.memory_space<semaphore_mem>>
      %dma_start3A_310 = arith.constant 0 : i32
      %dma_start3A_311 = arith.constant 0 : i32
      %dma_start3A_312 = tpu.memref_slice %arg6[%run_scoped3A_308, %dma_start3A_310, %dma_start3A_311] : memref<8x100x128xf32, #tpu.memory_space<vmem>> -> memref<1x100x128xf32, #tpu.memory_space<vmem>>
      %dma_start3A_313 = tpu.memref_squeeze %dma_start3A_312 : memref<1x100x128xf32, #tpu.memory_space<vmem>> -> memref<100x128xf32, #tpu.memory_space<vmem>>
      %dma_start3A_314 = arith.constant 50 : i32
      %dma_start3A_315 = arith.constant 0 : i32
      %dma_start3A_316 = tpu.memref_slice %dma_start3A_313[%dma_start3A_314, %dma_start3A_315] : memref<100x128xf32, #tpu.memory_space<vmem>> -> memref<50x128xf32, #tpu.memory_space<vmem>>
      %dma_start3A_317 = arith.constant 0 : i32
      %dma_start3A_318 = arith.constant 0 : i32
      %dma_start3A_319 = tpu.memref_slice %arg4[%add3A_307, %dma_start3A_317, %dma_start3A_318] : memref<4096x50x128xf32, #tpu.memory_space<hbm>> -> memref<1x50x128xf32, #tpu.memory_space<hbm>>
      %dma_start3A_320 = tpu.memref_squeeze %dma_start3A_319 : memref<1x50x128xf32, #tpu.memory_space<hbm>> -> memref<50x128xf32, #tpu.memory_space<hbm>>
      %dma_start3A_321 = arith.constant 0 : i32
      %dma_start3A_322 = arith.constant 0 : i32
      %dma_start3A_323 = tpu.memref_slice %arg4[%add3A_307, %dma_start3A_321, %dma_start3A_322] : memref<4096x50x128xf32, #tpu.memory_space<hbm>> -> memref<1x50x128xf32, #tpu.memory_space<hbm>>
      %dma_start3A_324 = tpu.memref_squeeze %dma_start3A_323 : memref<1x50x128xf32, #tpu.memory_space<hbm>> -> memref<50x128xf32, #tpu.memory_space<hbm>>
      %dma_start3A_325 = arith.constant 0 : i32
      %dma_start3A_326 = arith.constant 0 : i32
      %dma_start3A_327 = tpu.memref_slice %arg6[%run_scoped3A_308, %dma_start3A_325, %dma_start3A_326] : memref<8x100x128xf32, #tpu.memory_space<vmem>> -> memref<1x100x128xf32, #tpu.memory_space<vmem>>
      %dma_start3A_328 = tpu.memref_squeeze %dma_start3A_327 : memref<1x100x128xf32, #tpu.memory_space<vmem>> -> memref<100x128xf32, #tpu.memory_space<vmem>>
      %dma_start3A_329 = arith.constant 50 : i32
      %dma_start3A_330 = arith.constant 0 : i32
      %dma_start3A_331 = tpu.memref_slice %dma_start3A_328[%dma_start3A_329, %dma_start3A_330] : memref<100x128xf32, #tpu.memory_space<vmem>> -> memref<50x128xf32, #tpu.memory_space<vmem>>
      tpu.enqueue_dma source(%dma_start3A_331 : memref<50x128xf32, #tpu.memory_space<vmem>>) target(%dma_start3A_324 : memref<50x128xf32, #tpu.memory_space<hbm>>) target_semaphore(%run_scoped3A_309 : memref<!tpu.dma_semaphore, #tpu.memory_space<semaphore_mem>>)
      %dma_wait3A_332 = arith.constant 0 : i32
      %dma_wait3A_333 = arith.constant 0 : i32
      %dma_wait3A_334 = tpu.memref_slice %arg6[%run_scoped3A_308, %dma_wait3A_332, %dma_wait3A_333] : memref<8x100x128xf32, #tpu.memory_space<vmem>> -> memref<1x100x128xf32, #tpu.memory_space<vmem>>
      %dma_wait3A_335 = tpu.memref_squeeze %dma_wait3A_334 : memref<1x100x128xf32, #tpu.memory_space<vmem>> -> memref<100x128xf32, #tpu.memory_space<vmem>>
      %dma_wait3A_336 = arith.constant 50 : i32
      %dma_wait3A_337 = arith.constant 0 : i32
      %dma_wait3A_338 = tpu.memref_slice %dma_wait3A_335[%dma_wait3A_336, %dma_wait3A_337] : memref<100x128xf32, #tpu.memory_space<vmem>> -> memref<50x128xf32, #tpu.memory_space<vmem>>
      %dma_wait3A_339 = arith.constant 0 : i32
      %dma_wait3A_340 = arith.constant 0 : i32
      %dma_wait3A_341 = tpu.memref_slice %arg4[%add3A_307, %dma_wait3A_339, %dma_wait3A_340] : memref<4096x50x128xf32, #tpu.memory_space<hbm>> -> memref<1x50x128xf32, #tpu.memory_space<hbm>>
      %dma_wait3A_342 = tpu.memref_squeeze %dma_wait3A_341 : memref<1x50x128xf32, #tpu.memory_space<hbm>> -> memref<50x128xf32, #tpu.memory_space<hbm>>
      %dma_wait3A_343 = arith.constant 0 : i32
      %dma_wait3A_344 = arith.constant 0 : i32
      %dma_wait3A_345 = tpu.memref_slice %arg4[%add3A_307, %dma_wait3A_343, %dma_wait3A_344] : memref<4096x50x128xf32, #tpu.memory_space<hbm>> -> memref<1x50x128xf32, #tpu.memory_space<hbm>>
      %dma_wait3A_346 = tpu.memref_squeeze %dma_wait3A_345 : memref<1x50x128xf32, #tpu.memory_space<hbm>> -> memref<50x128xf32, #tpu.memory_space<hbm>>
      %dma_wait3A_347 = arith.constant 0 : i32
      %dma_wait3A_348 = arith.constant 0 : i32
      %dma_wait3A_349 = tpu.memref_slice %arg6[%run_scoped3A_308, %dma_wait3A_347, %dma_wait3A_348] : memref<8x100x128xf32, #tpu.memory_space<vmem>> -> memref<1x100x128xf32, #tpu.memory_space<vmem>>
      %dma_wait3A_350 = tpu.memref_squeeze %dma_wait3A_349 : memref<1x100x128xf32, #tpu.memory_space<vmem>> -> memref<100x128xf32, #tpu.memory_space<vmem>>
      %dma_wait3A_351 = arith.constant 50 : i32
      %dma_wait3A_352 = arith.constant 0 : i32
      %dma_wait3A_353 = tpu.memref_slice %dma_wait3A_350[%dma_wait3A_351, %dma_wait3A_352] : memref<100x128xf32, #tpu.memory_space<vmem>> -> memref<50x128xf32, #tpu.memory_space<vmem>>
      tpu.wait_dma2 semaphore(%run_scoped3A_309 : memref<!tpu.dma_semaphore, #tpu.memory_space<semaphore_mem>>) src(%dma_wait3A_353 : memref<50x128xf32, #tpu.memory_space<vmem>>) dst(%dma_wait3A_346 : memref<50x128xf32, #tpu.memory_space<hbm>>)
      tpu.yield
    }) : () -> ()
    return
  }
}

</mosaic_0001>

<sc_bundles>
// kernel: kernel.3.cloned.1.call-start
scs
__scs_entry_jumppad:
0x0: {  	(pc) =	sbr.rel $0x88, $3  }
0x1: {  	(tag) =	ssettag $0x0;
	lr =	simm.s32 $0x1  }
0x2: {  	[smem:$0x3F9F] =	sst lr;
	_ =	strace $0xD0000000  }
0x3: {  	_ = 	snop  }
0x4: {  	_ = 	snop  }
0x5: {  	_ = 	snop  }
0x6: {  	_ = 	snop  }
0x7: {  	_ = 	snop  }
__scs_overlays_trampoline_lowered:
0x8: {  	[smem:$0x3FAE] =	sst s0  }
0x9: {  	[smem:$0x3FAF] =	sst s1  }
0xa: {  	[smem:$0x3FB0] =	sst s2  }
0xb: {  	[smem:$0x3FB1] =	sst s3  }
0xc: {  	[smem:$0x3FB2] =	sst s4  }
0xd: {  	[smem:$0x3FB3] =	sst s5  }
0xe: {  	[smem:$0x3FB4] =	sst s6  }
0xf: {  	[smem:$0x3FB5] =	sst s7  }
0x10: {  	[smem:$0x3FB6] =	sst s8  }
0x11: {  	[smem:$0x3FB7] =	sst s9;
	s0 =	simm.s32 @!p0 $0x0  }
0x12: {  	s1 =	sld [smem:$0x3F9D];
	s0 =	simm.s32 @p0 $0x1  }
0x13: {  	[smem:$0x3FB8] =	sst s0;
	s0 =	simm.s32 @!p1 $0x0  }
0x14: {  	s2 =	sld [smem:$0x3F9C];
	s0 =	simm.s32 @p1 $0x1  }
0x15: {  	[smem:$0x3FB9] =	sst s0;
	s0 =	simm.s32 @!p2 $0x0  }
0x16: {  	s3 =	sld [smem:$0x3FDB];
	s0 =	simm.s32 @p2 $0x1  }
0x17: {  	s4 =	simm.s32 $0x1BF5;
	[smem:$0x3FBB] =	sst s0  }
0x18: {  	s0 =	sld [smem:$0x3F9E];
	_ =	swait.ge [sflag:s4], $0x0  }
0x19: {  	s7 =	sld [smem:$0x3F9F]  }
0x1a: {  	s8 =	sadd.s32 $0xFFFFE003, lr  }
0x1b: {  	s9 =	sadd.s32 $0xFFFFFEF7, lr;
	s5 =	simm.s32 $0xFFFFFFFF;
	p2 =	slt.u32 s8, $0xFFFFF086  }
0x1c: {  	p1 =	slt.u32 s9, $0xF7A;
	s5 =	simm.s32 @!p2 $0x0  }
0x1d: {  	s5 =	simm.s32 @p1 $0x1;
	p0 =	seq.s32 s7, s2  }
0x1e: {  	s7 =	smul.u32 @!p0 $0xF7A, s2;
	p2 =	seq.s32 @!p0 s5, $0x0  }
0x1f: {  	s9 =	smul.u32 $0xF7A, s1;
	s8 =	simm.s32 @!p0 $0x1BF5;
	p2 =	por !p2, p0  }
0x20: {  	[sflag:s8] =	ssyncset.s32 @!p0 $0xFFFFF086;
	s6 =	sadd.s32 @!p0 s3, s7;
	s7 =	simm.s32 @!p0 $0x108  }
0x21: {  	s3 =	sadd.s32 s3, s9;
	s6 =	sadd.s32 @!p0 $0x88, s6;
	s7 =	simm.s32 @p2 $0x1082  }
0x22: {  	[simem:s7], [sflag:s8] =	dma.local @!p0 [hbm:s6], $0xF7A  }
0x23: {  	s9 =	sor.u32 $0xD0000000, s2;
	s6 =	simm.s32 $0x108;
	_ =	swait.ge @!p0 [sflag:s8], $0x0  }
0x24: {  	s3 =	sadd.s32 $0x88, s3;
	s6 =	simm.s32 @!p1 $0x1082;
	[sflag:s4] =	ssyncset.s32 $0xFFFFF086  }
0x25: {  	[simem:s6], [sflag:s4] =	dma.local [hbm:s3], $0xF7A  }
0x26: {  	[smem:$0x3F9F] =	sst s1;
	(tag) =	ssettag s2;
	_ =	strace s9  }
0x27: {  	s1 =	sld [smem:$0x3FAF]  }
0x28: {  	s2 =	sld [smem:$0x3FB0]  }
0x29: {  	s4 =	sld [smem:$0x3FB2]  }
0x2a: {  	p0 =	seq.s32 s5, $0x0;
	s5 =	sld [smem:$0x3FB3]  }
0x2b: {  	s6 =	sld [smem:$0x3FB4]  }
0x2c: {  	s7 =	sld [smem:$0x3FB5]  }
0x2d: {  	s3 =	simm.s32 $0x108;
	s8 =	sld [smem:$0x3FB6]  }
0x2e: {  	s3 =	simm.s32 @!p0 $0x1082;
	s9 =	sld [smem:$0x3FB7]  }
0x2f: {  	lr =	sadd.s32 s0, s3;
	s0 =	sld [smem:$0x3FAE]  }
0x30: {  	s3 =	sld [smem:$0x3FB1]  }
0x31: {  	[smem:$0x3FBA] =	sst s10  }
0x32: {  	s10 =	sld [smem:$0x3FB8];
	_ =	sdelay $0x3  }
0x33: {  	p0 =	seq.s32 s10, $0x1;
	s10 =	sld [smem:$0x3FBA];
	_ =	sdelay $0x3  }
0x34: {  	[smem:$0x3FBA] =	sst s10  }
0x35: {  	s10 =	sld [smem:$0x3FB9];
	_ =	sdelay $0x3  }
0x36: {  	p1 =	seq.s32 s10, $0x1;
	s10 =	sld [smem:$0x3FBA];
	_ =	sdelay $0x3  }
0x37: {  	[smem:$0x3FBA] =	sst s10  }
0x38: {  	s10 =	sld [smem:$0x3FBB]  }
0x39: {  	_ = 	snop;
	(pc) =	sbr.ind lr, $3  }
0x3a: {  	_ = 	snop  }
0x3b: {  	_ = 	snop  }
0x3c: {  	p2 =	seq.s32 s10, $0x1;
	s10 =	sld [smem:$0x3FBA]  }
0x3d: {  	_ =	shalt  }
0x3e: {  	_ =	shalt  }
0x3f: {  	_ =	shalt  }
0x40: {  	_ =	shalt  }
0x41: {  	_ =	shalt  }
0x42: {  	_ =	shalt  }
0x43: {  	_ =	shalt  }
0x44: {  	_ =	shalt  }
0x45: {  	_ =	shalt  }
0x46: {  	_ =	shalt  }
0x47: {  	_ =	shalt  }
0x48: {  	_ =	shalt  }
0x49: {  	_ =	shalt  }
0x4a: {  	_ =	shalt  }
0x4b: {  	_ =	shalt  }
0x4c: {  	_ =	shalt  }
0x4d: {  	_ =	shalt  }
0x4e: {  	_ =	shalt  }
0x4f: {  	_ =	shalt  }
0x50: {  	_ =	shalt  }
0x51: {  	_ =	shalt  }
0x52: {  	_ =	shalt  }
0x53: {  	_ =	shalt  }
0x54: {  	_ =	shalt  }
0x55: {  	_ =	shalt  }
0x56: {  	_ =	shalt  }
0x57: {  	_ =	shalt  }
0x58: {  	_ =	shalt  }
0x59: {  	_ =	shalt  }
0x5a: {  	_ =	shalt  }
0x5b: {  	_ =	shalt  }
0x5c: {  	_ =	shalt  }
0x5d: {  	_ =	shalt  }
0x5e: {  	_ =	shalt  }
0x5f: {  	_ =	shalt  }
0x60: {  	_ =	shalt  }
0x61: {  	_ =	shalt  }
0x62: {  	_ =	shalt  }
0x63: {  	_ =	shalt  }
0x64: {  	_ =	shalt  }
0x65: {  	_ =	shalt  }
0x66: {  	_ =	shalt  }
0x67: {  	_ =	shalt  }
0x68: {  	_ =	shalt  }
0x69: {  	_ =	shalt  }
0x6a: {  	_ =	shalt  }
0x6b: {  	_ =	shalt  }
0x6c: {  	_ =	shalt  }
0x6d: {  	_ =	shalt  }
0x6e: {  	_ =	shalt  }
0x6f: {  	_ =	shalt  }
0x70: {  	_ =	shalt  }
0x71: {  	_ =	shalt  }
0x72: {  	_ =	shalt  }
0x73: {  	_ =	shalt  }
0x74: {  	_ =	shalt  }
0x75: {  	_ =	shalt  }
0x76: {  	_ =	shalt  }
0x77: {  	_ =	shalt  }
0x78: {  	_ =	shalt  }
0x79: {  	_ =	shalt  }
0x7a: {  	_ =	shalt  }
0x7b: {  	_ =	shalt  }
0x7c: {  	_ =	shalt  }
0x7d: {  	_ =	shalt  }
0x7e: {  	_ =	shalt  }
0x7f: {  	_ =	shalt  }
0x80: {  	_ =	shalt  }
0x81: {  	_ =	shalt  }
0x82: {  	_ =	shalt  }
0x83: {  	_ =	shalt  }
0x84: {  	_ =	shalt  }
0x85: {  	_ =	shalt  }
0x86: {  	_ =	shalt  }
0x87: {  	_ =	shalt  }
.Lfunc_end0:
.L_simem_size_0:
called_computation_lowered:
.L_overlay_start_0:
0x88: {  	s2 =	sld [smem:$0x3FD9]  }
0x89: {  	s3 =	sld [smem:$0x3FFE];
	_ =	sdelay $0x1  }
0x8a: {  	s1 =	srdreg.scid  }
0x8b: {  	s0 =	sand.u32 $0x1, s1  }
0x8c: {  	s17 =	sshll.u32 s0, $0xA;
	s2 =	sadd.s32 s3, s2  }
0x8d: {  	s2 =	sadd.s32 s2, s17  }
0x8e: {  	[smem:$0x3FC6] =	sst s2  }
0x8f: {  	_ = 	snop  }
0x90: {  	s2 =	sld [smem:$0x3FC8]  }
0x91: {  	s18 =	sld [smem:$0x3FD0];
	(tm) =	ssettm $0x1  }
0x92: {  	s4 =	sld [smem:$0x3FFB];
	_ =	sdelay $0x3  }
0x93: {  	_ =	strace s4  }
0x94: {  	s4 =	sld [smem:$0x3FFC];
	_ =	sdelay $0x3  }
0x95: {  	_ =	strace s4  }
0x96: {  	s4 =	sld [smem:$0x3FFD];
	_ =	sdelay $0x3  }
0x97: {  	_ =	strace s4  }
0x98: {  	_ =	strace $0x8FFFFFFF  }
0x99: {  	s19 =	sld [smem:$0x3FDB];
	_ =	sdelay $0x1  }
0x9a: {  	s5 =	simm.s32 $_scs_section_size  }
0x9b: {  	s6 =	simm.s32 $_size__tile_overlayer_lowered;
	s7 =	simm.s32 $_tile_overlayer_lowered  }
0x9c: {  	s22 =	simm.s32 $0x1BFF;
	s21 =	sshll.u32 s7, $0x1;
	s4 =	sadd.s32 s5, s19  }
0x9d: {  	s8 =	simm.s32 $0x0;
	s20 =	sshll.u32 s6, $0x1;
	s6 =	sadd.s32 s21, s4  }
0x9e: {  	[timem:s8], [sflag:s22] =	dma.local [hbm:s6], s20  }
0x9f: {  	_ =	swait.ge [sflag:s22], s20  }
0xa0: {  	s5 =	ssub.s32 $0x0, s20;
	[sflag:s22] =	ssyncset.done $0x0  }
0xa1: {  	[sflag:s22] =	ssyncadd.s32 s5;
	_ =	sdelay $0x1  }
0xa2: {  	s23 =	simm.s32 $0x1B8B  }
0xa3: {  	_ =	swait.ge [sflag:s23], $0x1  }
0xa4: {  	[sflag:s23] =	ssyncset.done $0x0  }
0xa5: {  	s25 =	simm.s32 $0x1B8E;
	s24 =	sld [smem:$0x3FFE];
	[sflag:s23] =	ssyncadd.s32 $0xFFFFFFFF  }
0xa6: {  	s26 =	simm.s32 $execute0_lowered;
	[smem:$0x3FD2] =	sst s25  }
0xa7: {  	s6 =	sshll.u32 s26, $0x1;
	_ =	strace $0x80000046;
	[dreg:$0x1] =	wrdreg $0xFFFFFFFF  }
0xa8: {  	s28 =	simm.s32 $_size_execute0_lowered;
	s4 =	sadd.s32 s4, s6;
	[dreg:$0x0] =	wrdreg $0x0  }
0xa9: {  	s6 =	sshll.u32 s28, $0x1;
	[dreg:$0x2] =	wrdreg s4  }
0xaa: {  	[dreg:$0x3] =	wrdreg s6  }
0xab: {  	[dreg:$0x4] =	wrdreg $0xC0  }
0xac: {  	_ =	task [dreg:s8], $0x5FFFF  }
0xad: {  	[dreg:$0x1] =	wrdreg $0xFFFFFFFF  }
0xae: {  	[dreg:$0x0] =	wrdreg $0x60  }
0xaf: {  	[dreg:$0x2] =	wrdreg s18  }
0xb0: {  	[dreg:$0x3] =	wrdreg s2  }
0xb1: {  	[dreg:$0x4] =	wrdreg s24  }
0xb2: {  	[dreg:$0x5] =	wrdreg $0x9  }
0xb3: {  	_ =	task.clear_ibuf [dreg:s8], $0x6FFFF;
	_ =	strace $0x90000046  }
0xb4: {  	s29 =	simm.s32 $0x9;
	_ =	strace $0x80000048  }
0xb5: {  	_ =	swait.ge [sflag:s29], $0x1  }
0xb6: {  	[sflag:s29] =	ssyncadd.s32 $0xFFFFFFFF  }
0xb7: {  	_ =	strace $0x90000048  }
0xb8: {  	_ =	sfence  }
0xb9: {  	s30 =	sld [smem:$0x0];
	_ =	sdelay $0x2  }
0xba: {  	s31 =	sshll.u32 s1, $0xD;
	s1 =	sshrl.u32 s1, $0x2  }
0xbb: {  	s3 =	sand.u32 $0x4000, s31;
	s1 =	sadd.s32 s1, s30  }
0xbc: {  	s0 =	sor.u32 s3, s0;
	s1 =	sshll.u32 s1, $0x11  }
0xbd: {  	s0 =	sor.u32 s1, s0  }
0xbe: {  	s0 =	sadd.s32 $0x8F2B, s0  }
0xbf: {  	[sflag:s0] =	ssyncadd.remote.s32 $0x1  }
0xc0: {  	_ =	sfence.sel $0xFFFF  }
0xc1: {  	[dreg:$0x0] =	wrdreg $0xFFFFFFFF;
	(pc) =	sbr.abs _section_cstart, $3  }
0xc2: {  	[dreg:$0x1] =	wrdreg $0xFFFFFFFF  }
0xc3: {  	_ =	task.clear_ibuf [dreg:s8], $0x2FFFF;
	_ =	strace $0x9FFFFFFF  }
0xc4: {  	(tm) =	ssettm $0x7FFFFFFF  }
0xc5: {  	_ =	shalt  }
tec
execute0_lowered:
.L_overlay_start_1:
0x0: {  	(tag) =	ssettag $0x1  }
0x1: {  	s0 =	rddreg [dreg:$0x0]  }
0x2: {  	s2 =	rddreg [dreg:$0x1];
	s1 =	srdreg.scid  }
0x3: {  	s9 =	stileid.u32;
	s4 =	rddreg [dreg:$0x2]  }
0x4: {  	s3 =	simm.s32 $0x0;
	s1 =	sand.u32 $0x1, s1;
	s5 =	sshll.u32 s9, $0x1  }
0x5: {  	[smem:$0x7FF] =	sst s3;
	s4 =	sadd.s32 $0x400, s4;
	s13 =	smul.u32 $0x38000, s9  }
0x6: {  	s5 =	sor.u32 s1, s5;
	s7 =	ssub.s32 $0x2, s1;
	s22 =	smul.u32 $0xE0000, s1  }
0x7: {  	_ =	strace $0x80000047;
	s6 =	smul.u32 $0xE0000, s5;
	s8 =	sshrl.u32 s7, $0x1  }
0x8: {  	s1 =	smul.u32 $0x1C000, s1;
	s5 =	sshll.u32 s5, $0xA;
	s7 =	ssub.s32 s7, s8  }
0x9: {  	s0 =	sadd.s32 s0, s5;
	s8 =	sadd.s32 s13, s4;
	s6 =	sshrl.u32 s6, $0x3  }
0xa: {  	[dreg:$0xb] =	wrdreg s0;
	s1 =	sadd.s32 s1, s8;
	s6 =	sadd.s32 s4, s6  }
0xb: {  	[dreg:$0x5] =	wrdreg s1;
	s15 =	sadd.s32 $0x18800, s6  }
0xc: {  	s16 =	sadd.s32 $0x18B80, s6;
	[dreg:$0xc] =	wrdreg s15  }
0xd: {  	s17 =	sadd.s32 $0x18F00, s6;
	[dreg:$0xd] =	wrdreg s16  }
0xe: {  	s29 =	simm.s32 $0x8800;
	s18 =	sadd.s32 $0x19280, s6;
	[dreg:$0xe] =	wrdreg s17  }
0xf: {  	s31 =	simm.s32 $0xBC00;
	s20 =	sadd.s32 $0x19600, s6;
	[dreg:$0xf] =	wrdreg s18  }
0x10: {  	s28 =	simm.s32 $0x12400;
	s21 =	sadd.s32 $0x19980, s6;
	[dreg:$0x10] =	wrdreg s20  }
0x11: {  	s30 =	simm.s32 $0x18C00;
	s23 =	sadd.s32 $0x19D00, s6;
	[dreg:$0x11] =	wrdreg s21  }
0x12: {  	s19 =	smul.u32 $0x1C0000, s9;
	s24 =	sadd.s32 $0x1A080, s6;
	[dreg:$0x12] =	wrdreg s23  }
0x13: {  	s9 =	simm.s32 $0x4;
	s25 =	sadd.s32 $0x1A400, s6;
	[dreg:$0x13] =	wrdreg s24  }
0x14: {  	s13 =	simm.s32 $0x6;
	s26 =	sadd.s32 $0x1A780, s6;
	[dreg:$0x14] =	wrdreg s25  }
0x15: {  	s0 =	sadd.s32 s22, s19;
	s10 =	sadd.s32 $0x1AB00, s6;
	[dreg:$0x15] =	wrdreg s26  }
0x16: {  	s12 =	sor.u32 $0x1A400, s0;
	s11 =	sadd.s32 $0x1AE80, s6;
	[dreg:$0x16] =	wrdreg s10  }
0x17: {  	s14 =	sadd.s32 $0x1B200, s6;
	s5 =	sshrl.u32 s12, $0x3;
	[dreg:$0x17] =	wrdreg s11  }
0x18: {  	s19 =	sadd.s32 $0x1B900, s6;
	s12 =	simm.s32 $0x10900;
	[dreg:$0x18] =	wrdreg s14  }
0x19: {  	s15 =	sadd.s32 $0x1B580, s6;
	s5 =	sadd.s32 s5, s4;
	s16 =	sor.u32 $0x16C00, s0  }
0x1a: {  	s18 =	sor.u32 $0x13400, s0;
	[dreg:$0x1a] =	wrdreg s19;
	s21 =	sor.u32 $0xC400, s0  }
0x1b: {  	s23 =	sor.u32 $0x8C00, s0;
	s0 =	sor.u32 $0x5400, s0;
	s25 =	sadd.s32 $0x1BC80, s6  }
0x1c: {  	s26 =	smax.u32 s7, $0x1;
	s7 =	simm.s32 $0x3;
	s11 =	simm.s32 $0x5  }
0x1d: {  	s14 =	simm.s32 $0x13D00;
	s6 =	simm.s32 $0x0;
	[dreg:$0x19] =	wrdreg s15  }
0x1e: {  	[dreg:$0x4] =	wrdreg s5;
	s17 =	sshrl.u32 s16, $0x3;
	s5 =	sshrl.u32 s18, $0x3  }
0x1f: {  	s22 =	sshrl.u32 s21, $0x3;
	s0 =	sshrl.u32 s0, $0x3;
	[dreg:$0x1b] =	wrdreg s25  }
0x20: {  	[dreg:$0x1c] =	wrdreg s26;
	s26 =	simm.s32 $0x5400;
	s25 =	simm.s32 $0x1  }
0x21: {  	s15 =	simm.s32 $0x7;
	s16 =	simm.s32 $0x17100;
	s18 =	simm.s32 $0x1A500  }
0x22: {  	s1 =	sadd.s32 s17, s4;
	s20 =	sadd.s32 s5, s4;
	s5 =	sshrl.u32 s23, $0x3  }
0x23: {  	s0 =	sadd.s32 s0, s4;
	s23 =	simm.s32 $0x64;
	[dreg:$0x6] =	wrdreg s1  }
0x24: {  	s17 =	simm.s32 $0x8;
	[dreg:$0x7] =	wrdreg s20;
	s1 =	sadd.s32 s22, s4  }
0x25: {  	s24 =	sadd.s32 s5, s4;
	[dreg:$0xa] =	wrdreg s0;
	s22 =	simm.s32 $0x9  }
0x26: {  	s0 =	simm.s32 $0xF000;
	s5 =	simm.s32 $0x2;
	[dreg:$0x8] =	wrdreg s1  }
0x27: {  	[dreg:$0x9] =	wrdreg s24;
	s24 =	simm.s32 $0x2000;
	s1 =	simm.s32 $0x15800  }
.LBB2_1:
0x28: {  	[dreg:$0x1d] =	wrdreg s6  }
0x29: {  	s4 =	rddreg [dreg:$0xb]  }
0x2a: {  	[tilespmem:s3], [sflag:$0x9] =	stream.linear.gather [hbm4b:s4+s3], $0x2000, $0x38;
	[tilespmem:$0x1C000] =	vst v63  }
0x2b: {  	_ =	swait.ge [sflag:s22], $0x2000  }
0x2c: {  	[sflag:s22] =	ssyncset.done $0x0  }
0x2d: {  	[sflag:s22] =	ssyncadd.s32 $0xFFFFE000  }
0x2e: {  	[tilespmem:s24], [sflag:$0x1] =	stream.indirect.gather [hbm4b:s2+s23], $0x80, s3, s23, $0xb8;
	[tilespmem:$0x1C000] =	vst v63  }
0x2f: {  	s19 =	simm.s32 $0x80  }
0x30: {  	[tilespmem:s26], [sflag:$0x2] =	stream.indirect.gather [hbm4b:s2+s23], $0x80, s19, s23, $0xb8;
	[tilespmem:$0x1C000] =	vst v63  }
0x31: {  	s20 =	simm.s32 $0x100  }
0x32: {  	[tilespmem:s29], [sflag:$0x3] =	stream.indirect.gather [hbm4b:s2+s23], $0x80, s20, s23, $0xb8;
	[tilespmem:$0x1C000] =	vst v63  }
0x33: {  	s21 =	simm.s32 $0x180  }
0x34: {  	[tilespmem:s31], [sflag:$0x4] =	stream.indirect.gather [hbm4b:s2+s23], $0x80, s21, s23, $0xb8;
	[tilespmem:$0x1C000] =	vst v63  }
0x35: {  	s6 =	simm.s32 $0x200  }
0x36: {  	[tilespmem:s0], [sflag:$0x5] =	stream.indirect.gather [hbm4b:s2+s23], $0x80, s6, s23, $0xb8;
	[tilespmem:$0x1C000] =	vst v63  }
0x37: {  	s8 =	simm.s32 $0x280  }
0x38: {  	[tilespmem:s28], [sflag:$0x6] =	stream.indirect.gather [hbm4b:s2+s23], $0x80, s8, s23, $0xb8;
	[tilespmem:$0x1C000] =	vst v63  }
0x39: {  	s10 =	simm.s32 $0x300  }
0x3a: {  	[tilespmem:s1], [sflag:$0x7] =	stream.indirect.gather [hbm4b:s2+s23], $0x80, s10, s23, $0xb8;
	[tilespmem:$0x1C000] =	vst v63  }
0x3b: {  	s19 =	simm.s32 $0x380  }
0x3c: {  	[tilespmem:s30], [sflag:$0x8] =	stream.indirect.gather [hbm4b:s2+s23], $0x80, s19, s23, $0xb8;
	[tilespmem:$0x1C000] =	vst v63  }
0x3d: {  	_ =	swait.ge [sflag:s25], $0x3200  }
0x3e: {  	s20 =	rddreg [dreg:$0x5];
	[sflag:s25] =	ssyncset.done $0x0  }
0x3f: {  	[sflag:s25] =	ssyncadd.s32 $0xFFFFCE00;
	s4 =	sadd.s32 $0x0, s20  }
0x40: {  	[hbm4b:s4+s3] =	stream.linear.scatter [tilespmem:s24], [sflag:$0x9], $0x1900, $0x38;
	[tilespmem:$0x1C000] =	vst v63  }
0x41: {  	_ =	swait.ge [sflag:s22], $0x1900  }
0x42: {  	[sflag:s22] =	ssyncset.done $0x0  }
0x43: {  	s8 =	simm.s32 $0x3900;
	s21 =	sadd.s32 $0x380, s4;
	[sflag:s22] =	ssyncadd.s32 $0xFFFFE700  }
0x44: {  	[hbm4b:s21+s3] =	stream.linear.scatter [tilespmem:s8], [sflag:$0x9], $0x1900, $0x38;
	[tilespmem:$0x1C000] =	vst v63  }
0x45: {  	_ =	swait.ge [sflag:s22], $0x1900  }
0x46: {  	[sflag:s22] =	ssyncset.done $0x0  }
0x47: {  	s10 =	simm.s32 $0x400;
	[sflag:s22] =	ssyncadd.s32 $0xFFFFE700  }
0x48: {  	[tilespmem:s24], [sflag:$0x1] =	stream.indirect.gather [hbm4b:s2+s23], $0x80, s10, s23, $0xb8;
	[tilespmem:$0x1C000] =	vst v63  }
0x49: {  	_ =	swait.ge [sflag:s5], $0x3200  }
0x4a: {  	[sflag:s5] =	ssyncset.done $0x0  }
0x4b: {  	s19 =	sadd.s32 $0x700, s4;
	[sflag:s5] =	ssyncadd.s32 $0xFFFFCE00  }
0x4c: {  	[hbm4b:s19+s3] =	stream.linear.scatter [tilespmem:s26], [sflag:$0x9], $0x1900, $0x38;
	[tilespmem:$0x1C000] =	vst v63  }
0x4d: {  	_ =	swait.ge [sflag:s22], $0x1900  }
0x4e: {  	s20 =	rddreg [dreg:$0xa];
	[sflag:s22] =	ssyncset.done $0x0  }
0x4f: {  	s21 =	simm.s32 $0x6D00;
	[sflag:s22] =	ssyncadd.s32 $0xFFFFE700;
	s6 =	sadd.s32 $0x0, s20  }
0x50: {  	[hbm4b:s6+s3] =	stream.linear.scatter [tilespmem:s21], [sflag:$0x9], $0x1900, $0x38;
	[tilespmem:$0x1C000] =	vst v63  }
0x51: {  	_ =	swait.ge [sflag:s22], $0x1900  }
0x52: {  	[sflag:s22] =	ssyncset.done $0x0  }
0x53: {  	s10 =	simm.s32 $0x480;
	[sflag:s22] =	ssyncadd.s32 $0xFFFFE700  }
0x54: {  	[tilespmem:s26], [sflag:$0x2] =	stream.indirect.gather [hbm4b:s2+s23], $0x80, s10, s23, $0xb8;
	[tilespmem:$0x1C000] =	vst v63  }
0x55: {  	_ =	swait.ge [sflag:s7], $0x3200  }
0x56: {  	[sflag:s7] =	ssyncset.done $0x0  }
0x57: {  	s19 =	sadd.s32 $0xE00, s4;
	[sflag:s7] =	ssyncadd.s32 $0xFFFFCE00  }
0x58: {  	[hbm4b:s19+s3] =	stream.linear.scatter [tilespmem:s29], [sflag:$0x9], $0x1900, $0x38;
	[tilespmem:$0x1C000] =	vst v63  }
0x59: {  	_ =	swait.ge [sflag:s22], $0x1900  }
0x5a: {  	s20 =	rddreg [dreg:$0x9];
	[sflag:s22] =	ssyncset.done $0x0  }
0x5b: {  	s21 =	simm.s32 $0xA100;
	[sflag:s22] =	ssyncadd.s32 $0xFFFFE700;
	s6 =	sadd.s32 $0x0, s20  }
0x5c: {  	[hbm4b:s6+s3] =	stream.linear.scatter [tilespmem:s21], [sflag:$0x9], $0x1900, $0x38;
	[tilespmem:$0x1C000] =	vst v63  }
0x5d: {  	_ =	swait.ge [sflag:s22], $0x1900  }
0x5e: {  	[sflag:s22] =	ssyncset.done $0x0  }
0x5f: {  	s8 =	simm.s32 $0x500;
	[sflag:s22] =	ssyncadd.s32 $0xFFFFE700  }
0x60: {  	[tilespmem:s29], [sflag:$0x3] =	stream.indirect.gather [hbm4b:s2+s23], $0x80, s8, s23, $0xb8;
	[tilespmem:$0x1C000] =	vst v63  }
0x61: {  	_ =	swait.ge [sflag:s9], $0x3200  }
0x62: {  	[sflag:s9] =	ssyncset.done $0x0  }
0x63: {  	s10 =	sadd.s32 $0x1500, s4;
	[sflag:s9] =	ssyncadd.s32 $0xFFFFCE00  }
0x64: {  	[hbm4b:s10+s3] =	stream.linear.scatter [tilespmem:s31], [sflag:$0x9], $0x1900, $0x38;
	[tilespmem:$0x1C000] =	vst v63  }
0x65: {  	_ =	swait.ge [sflag:s22], $0x1900  }
0x66: {  	s19 =	rddreg [dreg:$0x8];
	[sflag:s22] =	ssyncset.done $0x0  }
0x67: {  	s20 =	simm.s32 $0xD500;
	[sflag:s22] =	ssyncadd.s32 $0xFFFFE700;
	s6 =	sadd.s32 $0x0, s19  }
0x68: {  	[hbm4b:s6+s3] =	stream.linear.scatter [tilespmem:s20], [sflag:$0x9], $0x1900, $0x38;
	[tilespmem:$0x1C000] =	vst v63  }
0x69: {  	_ =	swait.ge [sflag:s22], $0x1900  }
0x6a: {  	[sflag:s22] =	ssyncset.done $0x0  }
0x6b: {  	s21 =	simm.s32 $0x580;
	[sflag:s22] =	ssyncadd.s32 $0xFFFFE700  }
0x6c: {  	[tilespmem:s31], [sflag:$0x4] =	stream.indirect.gather [hbm4b:s2+s23], $0x80, s21, s23, $0xb8;
	[tilespmem:$0x1C000] =	vst v63  }
0x6d: {  	_ =	swait.ge [sflag:s11], $0x3200  }
0x6e: {  	[sflag:s11] =	ssyncset.done $0x0  }
0x6f: {  	s8 =	sadd.s32 $0x1C00, s4;
	[sflag:s11] =	ssyncadd.s32 $0xFFFFCE00  }
0x70: {  	[hbm4b:s8+s3] =	stream.linear.scatter [tilespmem:s0], [sflag:$0x9], $0x1900, $0x38;
	[tilespmem:$0x1C000] =	vst v63  }
0x71: {  	_ =	swait.ge [sflag:s22], $0x1900  }
0x72: {  	[sflag:s22] =	ssyncset.done $0x0  }
0x73: {  	s10 =	sadd.s32 $0x1F80, s4;
	[sflag:s22] =	ssyncadd.s32 $0xFFFFE700  }
0x74: {  	[hbm4b:s10+s3] =	stream.linear.scatter [tilespmem:s12], [sflag:$0x9], $0x1900, $0x38;
	[tilespmem:$0x1C000] =	vst v63  }
0x75: {  	_ =	swait.ge [sflag:s22], $0x1900  }
0x76: {  	[sflag:s22] =	ssyncset.done $0x0  }
0x77: {  	s19 =	simm.s32 $0x600;
	[sflag:s22] =	ssyncadd.s32 $0xFFFFE700  }
0x78: {  	[tilespmem:s0], [sflag:$0x5] =	stream.indirect.gather [hbm4b:s2+s23], $0x80, s19, s23, $0xb8;
	[tilespmem:$0x1C000] =	vst v63  }
0x79: {  	_ =	swait.ge [sflag:s13], $0x3200  }
0x7a: {  	[sflag:s13] =	ssyncset.done $0x0  }
0x7b: {  	s20 =	sadd.s32 $0x2300, s4;
	[sflag:s13] =	ssyncadd.s32 $0xFFFFCE00  }
0x7c: {  	[hbm4b:s20+s3] =	stream.linear.scatter [tilespmem:s28], [sflag:$0x9], $0x1900, $0x38;
	[tilespmem:$0x1C000] =	vst v63  }
0x7d: {  	_ =	swait.ge [sflag:s22], $0x1900  }
0x7e: {  	s21 =	rddreg [dreg:$0x7];
	[sflag:s22] =	ssyncset.done $0x0  }
0x7f: {  	[sflag:s22] =	ssyncadd.s32 $0xFFFFE700;
	s6 =	sadd.s32 $0x0, s21  }
0x80: {  	[hbm4b:s6+s3] =	stream.linear.scatter [tilespmem:s14], [sflag:$0x9], $0x1900, $0x38;
	[tilespmem:$0x1C000] =	vst v63  }
0x81: {  	_ =	swait.ge [sflag:s22], $0x1900  }
0x82: {  	[sflag:s22] =	ssyncset.done $0x0  }
0x83: {  	s8 =	simm.s32 $0x680;
	[sflag:s22] =	ssyncadd.s32 $0xFFFFE700  }
0x84: {  	[tilespmem:s28], [sflag:$0x6] =	stream.indirect.gather [hbm4b:s2+s23], $0x80, s8, s23, $0xb8;
	[tilespmem:$0x1C000] =	vst v63  }
0x85: {  	_ =	swait.ge [sflag:s15], $0x3200  }
0x86: {  	[sflag:s15] =	ssyncset.done $0x0  }
0x87: {  	s10 =	sadd.s32 $0x2A00, s4;
	[sflag:s15] =	ssyncadd.s32 $0xFFFFCE00  }
0x88: {  	[hbm4b:s10+s3] =	stream.linear.scatter [tilespmem:s1], [sflag:$0x9], $0x1900, $0x38;
	[tilespmem:$0x1C000] =	vst v63  }
0x89: {  	_ =	swait.ge [sflag:s22], $0x1900  }
0x8a: {  	s19 =	rddreg [dreg:$0x6];
	[sflag:s22] =	ssyncset.done $0x0  }
0x8b: {  	[sflag:s22] =	ssyncadd.s32 $0xFFFFE700;
	s6 =	sadd.s32 $0x0, s19  }
0x8c: {  	[hbm4b:s6+s3] =	stream.linear.scatter [tilespmem:s16], [sflag:$0x9], $0x1900, $0x38;
	[tilespmem:$0x1C000] =	vst v63  }
0x8d: {  	_ =	swait.ge [sflag:s22], $0x1900  }
0x8e: {  	[sflag:s22] =	ssyncset.done $0x0  }
0x8f: {  	s20 =	simm.s32 $0x700;
	[sflag:s22] =	ssyncadd.s32 $0xFFFFE700  }
0x90: {  	[tilespmem:s1], [sflag:$0x7] =	stream.indirect.gather [hbm4b:s2+s23], $0x80, s20, s23, $0xb8;
	[tilespmem:$0x1C000] =	vst v63  }
0x91: {  	_ =	swait.ge [sflag:s17], $0x3200  }
0x92: {  	[sflag:s17] =	ssyncset.done $0x0  }
0x93: {  	s4 =	sadd.s32 $0x3100, s4;
	[sflag:s17] =	ssyncadd.s32 $0xFFFFCE00  }
0x94: {  	[hbm4b:s4+s3] =	stream.linear.scatter [tilespmem:s30], [sflag:$0x9], $0x1900, $0x38;
	[tilespmem:$0x1C000] =	vst v63  }
0x95: {  	_ =	swait.ge [sflag:s22], $0x1900  }
0x96: {  	s21 =	rddreg [dreg:$0x4];
	[sflag:s22] =	ssyncset.done $0x0  }
0x97: {  	[sflag:s22] =	ssyncadd.s32 $0xFFFFE700;
	s4 =	sadd.s32 $0x0, s21  }
0x98: {  	[hbm4b:s4+s3] =	stream.linear.scatter [tilespmem:s18], [sflag:$0x9], $0x1900, $0x38;
	[tilespmem:$0x1C000] =	vst v63  }
0x99: {  	_ =	swait.ge [sflag:s22], $0x1900  }
0x9a: {  	s19 =	simm.s32 $0xB80;
	[sflag:s22] =	ssyncset.done $0x0  }
0x9b: {  	s20 =	simm.s32 $0x780;
	s21 =	simm.s32 $0x3800;
	[sflag:s22] =	ssyncadd.s32 $0xFFFFE700  }
.LBB2_2:
0x9c: {  	[tilespmem:s30], [sflag:$0x8] =	stream.indirect.gather [hbm4b:s2+s23], $0x80, s20, s23, $0xb8;
	[tilespmem:$0x1C000] =	vst v63  }
0x9d: {  	_ =	swait.ge [sflag:s25], $0x3200  }
0x9e: {  	s4 =	smov.u32 s21;
	s6 =	rddreg [dreg:$0x5];
	[sflag:s25] =	ssyncset.done $0x0  }
0x9f: {  	[sflag:s25] =	ssyncadd.s32 $0xFFFFCE00;
	s6 =	sadd.s32 s4, s6  }
0xa0: {  	[hbm4b:s6+s3] =	stream.linear.scatter [tilespmem:s24], [sflag:$0x9], $0x1900, $0x38;
	[tilespmem:$0x1C000] =	vst v63  }
0xa1: {  	_ =	swait.ge [sflag:s22], $0x1900  }
0xa2: {  	[sflag:s22] =	ssyncset.done $0x0  }
0xa3: {  	s10 =	simm.s32 $0x3900;
	s8 =	sadd.s32 $0x380, s6;
	[sflag:s22] =	ssyncadd.s32 $0xFFFFE700  }
0xa4: {  	[hbm4b:s8+s3] =	stream.linear.scatter [tilespmem:s10], [sflag:$0x9], $0x1900, $0x38;
	[tilespmem:$0x1C000] =	vst v63  }
0xa5: {  	_ =	swait.ge [sflag:s22], $0x1900  }
0xa6: {  	[sflag:s22] =	ssyncset.done $0x0  }
0xa7: {  	s10 =	sadd.s32 $0xFFFFFC80, s19;
	[sflag:s22] =	ssyncadd.s32 $0xFFFFE700  }
0xa8: {  	[tilespmem:s24], [sflag:$0x1] =	stream.indirect.gather [hbm4b:s2+s23], $0x80, s10, s23, $0xb8;
	[tilespmem:$0x1C000] =	vst v63  }
0xa9: {  	_ =	swait.ge [sflag:s5], $0x3200  }
0xaa: {  	[sflag:s5] =	ssyncset.done $0x0  }
0xab: {  	s10 =	sadd.s32 $0x700, s6;
	[sflag:s5] =	ssyncadd.s32 $0xFFFFCE00  }
0xac: {  	[hbm4b:s10+s3] =	stream.linear.scatter [tilespmem:s26], [sflag:$0x9], $0x1900, $0x38;
	[tilespmem:$0x1C000] =	vst v63  }
0xad: {  	_ =	swait.ge [sflag:s22], $0x1900  }
0xae: {  	s10 =	rddreg [dreg:$0xa];
	[sflag:s22] =	ssyncset.done $0x0  }
0xaf: {  	[sflag:s22] =	ssyncadd.s32 $0xFFFFE700;
	s8 =	sadd.s32 s4, s10;
	s10 =	simm.s32 $0x6D00  }
0xb0: {  	[hbm4b:s8+s3] =	stream.linear.scatter [tilespmem:s10], [sflag:$0x9], $0x1900, $0x38;
	[tilespmem:$0x1C000] =	vst v63  }
0xb1: {  	_ =	swait.ge [sflag:s22], $0x1900  }
0xb2: {  	[sflag:s22] =	ssyncset.done $0x0  }
0xb3: {  	s10 =	sadd.s32 $0xFFFFFD00, s19;
	[sflag:s22] =	ssyncadd.s32 $0xFFFFE700  }
0xb4: {  	[tilespmem:s26], [sflag:$0x2] =	stream.indirect.gather [hbm4b:s2+s23], $0x80, s10, s23, $0xb8;
	[tilespmem:$0x1C000] =	vst v63  }
0xb5: {  	_ =	swait.ge [sflag:s7], $0x3200  }
0xb6: {  	[sflag:s7] =	ssyncset.done $0x0  }
0xb7: {  	s10 =	sadd.s32 $0xE00, s6;
	[sflag:s7] =	ssyncadd.s32 $0xFFFFCE00  }
0xb8: {  	[hbm4b:s10+s3] =	stream.linear.scatter [tilespmem:s29], [sflag:$0x9], $0x1900, $0x38;
	[tilespmem:$0x1C000] =	vst v63  }
0xb9: {  	_ =	swait.ge [sflag:s22], $0x1900  }
0xba: {  	s10 =	rddreg [dreg:$0x9];
	[sflag:s22] =	ssyncset.done $0x0  }
0xbb: {  	[sflag:s22] =	ssyncadd.s32 $0xFFFFE700;
	s8 =	sadd.s32 s4, s10;
	s10 =	simm.s32 $0xA100  }
0xbc: {  	[hbm4b:s8+s3] =	stream.linear.scatter [tilespmem:s10], [sflag:$0x9], $0x1900, $0x38;
	[tilespmem:$0x1C000] =	vst v63  }
0xbd: {  	_ =	swait.ge [sflag:s22], $0x1900  }
0xbe: {  	[sflag:s22] =	ssyncset.done $0x0  }
0xbf: {  	s10 =	sadd.s32 $0xFFFFFD80, s19;
	[sflag:s22] =	ssyncadd.s32 $0xFFFFE700  }
0xc0: {  	[tilespmem:s29], [sflag:$0x3] =	stream.indirect.gather [hbm4b:s2+s23], $0x80, s10, s23, $0xb8;
	[tilespmem:$0x1C000] =	vst v63  }
0xc1: {  	_ =	swait.ge [sflag:s9], $0x3200  }
0xc2: {  	[sflag:s9] =	ssyncset.done $0x0  }
0xc3: {  	s10 =	sadd.s32 $0x1500, s6;
	[sflag:s9] =	ssyncadd.s32 $0xFFFFCE00  }
0xc4: {  	[hbm4b:s10+s3] =	stream.linear.scatter [tilespmem:s31], [sflag:$0x9], $0x1900, $0x38;
	[tilespmem:$0x1C000] =	vst v63  }
0xc5: {  	_ =	swait.ge [sflag:s22], $0x1900  }
0xc6: {  	s10 =	rddreg [dreg:$0x8];
	[sflag:s22] =	ssyncset.done $0x0  }
0xc7: {  	[sflag:s22] =	ssyncadd.s32 $0xFFFFE700;
	s8 =	sadd.s32 s4, s10;
	s10 =	simm.s32 $0xD500  }
0xc8: {  	[hbm4b:s8+s3] =	stream.linear.scatter [tilespmem:s10], [sflag:$0x9], $0x1900, $0x38;
	[tilespmem:$0x1C000] =	vst v63  }
0xc9: {  	_ =	swait.ge [sflag:s22], $0x1900  }
0xca: {  	[sflag:s22] =	ssyncset.done $0x0  }
0xcb: {  	s10 =	sadd.s32 $0xFFFFFE00, s19;
	[sflag:s22] =	ssyncadd.s32 $0xFFFFE700  }
0xcc: {  	[tilespmem:s31], [sflag:$0x4] =	stream.indirect.gather [hbm4b:s2+s23], $0x80, s10, s23, $0xb8;
	[tilespmem:$0x1C000] =	vst v63  }
0xcd: {  	_ =	swait.ge [sflag:s11], $0x3200  }
0xce: {  	[sflag:s11] =	ssyncset.done $0x0  }
0xcf: {  	s10 =	sadd.s32 $0x1C00, s6;
	[sflag:s11] =	ssyncadd.s32 $0xFFFFCE00  }
0xd0: {  	[hbm4b:s10+s3] =	stream.linear.scatter [tilespmem:s0], [sflag:$0x9], $0x1900, $0x38;
	[tilespmem:$0x1C000] =	vst v63  }
0xd1: {  	_ =	swait.ge [sflag:s22], $0x1900  }
0xd2: {  	[sflag:s22] =	ssyncset.done $0x0  }
0xd3: {  	s10 =	sadd.s32 $0x1F80, s6;
	[sflag:s22] =	ssyncadd.s32 $0xFFFFE700  }
0xd4: {  	[hbm4b:s10+s3] =	stream.linear.scatter [tilespmem:s12], [sflag:$0x9], $0x1900, $0x38;
	[tilespmem:$0x1C000] =	vst v63  }
0xd5: {  	_ =	swait.ge [sflag:s22], $0x1900  }
0xd6: {  	[sflag:s22] =	ssyncset.done $0x0  }
0xd7: {  	s10 =	sadd.s32 $0xFFFFFE80, s19;
	[sflag:s22] =	ssyncadd.s32 $0xFFFFE700  }
0xd8: {  	[tilespmem:s0], [sflag:$0x5] =	stream.indirect.gather [hbm4b:s2+s23], $0x80, s10, s23, $0xb8;
	[tilespmem:$0x1C000] =	vst v63  }
0xd9: {  	_ =	swait.ge [sflag:s13], $0x3200  }
0xda: {  	[sflag:s13] =	ssyncset.done $0x0  }
0xdb: {  	s10 =	sadd.s32 $0x2300, s6;
	[sflag:s13] =	ssyncadd.s32 $0xFFFFCE00  }
0xdc: {  	[hbm4b:s10+s3] =	stream.linear.scatter [tilespmem:s28], [sflag:$0x9], $0x1900, $0x38;
	[tilespmem:$0x1C000] =	vst v63  }
0xdd: {  	_ =	swait.ge [sflag:s22], $0x1900  }
0xde: {  	s10 =	rddreg [dreg:$0x7];
	[sflag:s22] =	ssyncset.done $0x0  }
0xdf: {  	[sflag:s22] =	ssyncadd.s32 $0xFFFFE700;
	s8 =	sadd.s32 s4, s10  }
0xe0: {  	[hbm4b:s8+s3] =	stream.linear.scatter [tilespmem:s14], [sflag:$0x9], $0x1900, $0x38;
	[tilespmem:$0x1C000] =	vst v63  }
0xe1: {  	_ =	swait.ge [sflag:s22], $0x1900  }
0xe2: {  	[sflag:s22] =	ssyncset.done $0x0  }
0xe3: {  	s10 =	sadd.s32 $0xFFFFFF00, s19;
	[sflag:s22] =	ssyncadd.s32 $0xFFFFE700  }
0xe4: {  	[tilespmem:s28], [sflag:$0x6] =	stream.indirect.gather [hbm4b:s2+s23], $0x80, s10, s23, $0xb8;
	[tilespmem:$0x1C000] =	vst v63  }
0xe5: {  	_ =	swait.ge [sflag:s15], $0x3200  }
0xe6: {  	[sflag:s15] =	ssyncset.done $0x0  }
0xe7: {  	s10 =	sadd.s32 $0x2A00, s6;
	[sflag:s15] =	ssyncadd.s32 $0xFFFFCE00  }
0xe8: {  	[hbm4b:s10+s3] =	stream.linear.scatter [tilespmem:s1], [sflag:$0x9], $0x1900, $0x38;
	[tilespmem:$0x1C000] =	vst v63  }
0xe9: {  	_ =	swait.ge [sflag:s22], $0x1900  }
0xea: {  	s10 =	rddreg [dreg:$0x6];
	[sflag:s22] =	ssyncset.done $0x0  }
0xeb: {  	[sflag:s22] =	ssyncadd.s32 $0xFFFFE700;
	s8 =	sadd.s32 s4, s10  }
0xec: {  	[hbm4b:s8+s3] =	stream.linear.scatter [tilespmem:s16], [sflag:$0x9], $0x1900, $0x38;
	[tilespmem:$0x1C000] =	vst v63  }
0xed: {  	_ =	swait.ge [sflag:s22], $0x1900  }
0xee: {  	[sflag:s22] =	ssyncset.done $0x0  }
0xef: {  	s10 =	sadd.s32 $0xFFFFFF80, s19;
	[sflag:s22] =	ssyncadd.s32 $0xFFFFE700  }
0xf0: {  	[tilespmem:s1], [sflag:$0x7] =	stream.indirect.gather [hbm4b:s2+s23], $0x80, s10, s23, $0xb8;
	[tilespmem:$0x1C000] =	vst v63  }
0xf1: {  	_ =	swait.ge [sflag:s17], $0x3200  }
0xf2: {  	[sflag:s17] =	ssyncset.done $0x0  }
0xf3: {  	s6 =	sadd.s32 $0x3100, s6;
	[sflag:s17] =	ssyncadd.s32 $0xFFFFCE00  }
0xf4: {  	[hbm4b:s6+s3] =	stream.linear.scatter [tilespmem:s30], [sflag:$0x9], $0x1900, $0x38;
	[tilespmem:$0x1C000] =	vst v63  }
0xf5: {  	_ =	swait.ge [sflag:s22], $0x1900  }
0xf6: {  	p0 =	sne.s32 s21, $0x15000;
	s10 =	rddreg [dreg:$0x4];
	[sflag:s22] =	ssyncset.done $0x0  }
.Ltmp0:
0xf7: {  	[sflag:s22] =	ssyncadd.s32 $0xFFFFE700;
	s4 =	sadd.s32 s4, s10;
	(pc) =	sbr.rel @p0 .LBB2_2-.Ltmp0, $4  }
0xf8: {  	[hbm4b:s4+s3] =	stream.linear.scatter [tilespmem:s18], [sflag:$0x9], $0x1900, $0x38;
	[tilespmem:$0x1C000] =	vst v63  }
0xf9: {  	_ =	swait.ge [sflag:s22], $0x1900  }
0xfa: {  	s20 =	smov.u32 s19;
	[sflag:s22] =	ssyncset.done $0x0  }
0xfb: {  	s21 =	sadd.s32 $0x3800, s21;
	s19 =	sadd.s32 $0x400, s19;
	[sflag:s22] =	ssyncadd.s32 $0xFFFFE700  }
0xfc: {  	[tilespmem:s30], [sflag:$0x8] =	stream.indirect.gather [hbm4b:s2+s23], $0x80, s20, s23, $0xb8;
	[tilespmem:$0x1C000] =	vst v63  }
0xfd: {  	_ =	swait.ge [sflag:s25], $0x3200  }
0xfe: {  	[sflag:s25] =	ssyncset.done $0x0  }
0xff: {  	s4 =	rddreg [dreg:$0xc];
	[sflag:s25] =	ssyncadd.s32 $0xFFFFCE00  }
0x100: {  	[hbm4b:s4+s3] =	stream.linear.scatter [tilespmem:s24], [sflag:$0x9], $0x1900, $0x38;
	[tilespmem:$0x1C000] =	vst v63  }
0x101: {  	_ =	swait.ge [sflag:s22], $0x1900  }
0x102: {  	[sflag:s22] =	ssyncset.done $0x0  }
0x103: {  	s6 =	simm.s32 $0x3900;
	s20 =	rddreg [dreg:$0xd];
	[sflag:s22] =	ssyncadd.s32 $0xFFFFE700  }
0x104: {  	[hbm4b:s20+s3] =	stream.linear.scatter [tilespmem:s6], [sflag:$0x9], $0x1900, $0x38;
	[tilespmem:$0x1C000] =	vst v63  }
0x105: {  	_ =	swait.ge [sflag:s22], $0x1900  }
0x106: {  	[sflag:s22] =	ssyncset.done $0x0  }
0x107: {  	[sflag:s22] =	ssyncadd.s32 $0xFFFFE700  }
0x108: {  	_ =	swait.ge [sflag:s5], $0x3200  }
0x109: {  	[sflag:s5] =	ssyncset.done $0x0  }
0x10a: {  	s21 =	rddreg [dreg:$0xe];
	[sflag:s5] =	ssyncadd.s32 $0xFFFFCE00  }
0x10b: {  	[hbm4b:s21+s3] =	stream.linear.scatter [tilespmem:s26], [sflag:$0x9], $0x1900, $0x38;
	[tilespmem:$0x1C000] =	vst v63  }
0x10c: {  	_ =	swait.ge [sflag:s22], $0x1900  }
0x10d: {  	[sflag:s22] =	ssyncset.done $0x0  }
0x10e: {  	s8 =	simm.s32 $0x6D00;
	s6 =	rddreg [dreg:$0xf];
	[sflag:s22] =	ssyncadd.s32 $0xFFFFE700  }
0x10f: {  	[hbm4b:s6+s3] =	stream.linear.scatter [tilespmem:s8], [sflag:$0x9], $0x1900, $0x38;
	[tilespmem:$0x1C000] =	vst v63  }
0x110: {  	_ =	swait.ge [sflag:s22], $0x1900  }
0x111: {  	[sflag:s22] =	ssyncset.done $0x0  }
0x112: {  	[sflag:s22] =	ssyncadd.s32 $0xFFFFE700  }
0x113: {  	_ =	swait.ge [sflag:s7], $0x3200  }
0x114: {  	[sflag:s7] =	ssyncset.done $0x0  }
0x115: {  	s10 =	rddreg [dreg:$0x10];
	[sflag:s7] =	ssyncadd.s32 $0xFFFFCE00  }
0x116: {  	[hbm4b:s10+s3] =	stream.linear.scatter [tilespmem:s29], [sflag:$0x9], $0x1900, $0x38;
	[tilespmem:$0x1C000] =	vst v63  }
0x117: {  	_ =	swait.ge [sflag:s22], $0x1900  }
0x118: {  	[sflag:s22] =	ssyncset.done $0x0  }
0x119: {  	s20 =	simm.s32 $0xA100;
	s19 =	rddreg [dreg:$0x11];
	[sflag:s22] =	ssyncadd.s32 $0xFFFFE700  }
0x11a: {  	[hbm4b:s19+s3] =	stream.linear.scatter [tilespmem:s20], [sflag:$0x9], $0x1900, $0x38;
	[tilespmem:$0x1C000] =	vst v63  }
0x11b: {  	_ =	swait.ge [sflag:s22], $0x1900  }
0x11c: {  	[sflag:s22] =	ssyncset.done $0x0  }
0x11d: {  	[sflag:s22] =	ssyncadd.s32 $0xFFFFE700  }
0x11e: {  	_ =	swait.ge [sflag:s9], $0x3200  }
0x11f: {  	[sflag:s9] =	ssyncset.done $0x0  }
0x120: {  	s21 =	rddreg [dreg:$0x12];
	[sflag:s9] =	ssyncadd.s32 $0xFFFFCE00  }
0x121: {  	[hbm4b:s21+s3] =	stream.linear.scatter [tilespmem:s31], [sflag:$0x9], $0x1900, $0x38;
	[tilespmem:$0x1C000] =	vst v63  }
0x122: {  	_ =	swait.ge [sflag:s22], $0x1900  }
0x123: {  	[sflag:s22] =	ssyncset.done $0x0  }
0x124: {  	s8 =	simm.s32 $0xD500;
	s6 =	rddreg [dreg:$0x13];
	[sflag:s22] =	ssyncadd.s32 $0xFFFFE700  }
0x125: {  	[hbm4b:s6+s3] =	stream.linear.scatter [tilespmem:s8], [sflag:$0x9], $0x1900, $0x38;
	[tilespmem:$0x1C000] =	vst v63  }
0x126: {  	_ =	swait.ge [sflag:s22], $0x1900  }
0x127: {  	[sflag:s22] =	ssyncset.done $0x0  }
0x128: {  	[sflag:s22] =	ssyncadd.s32 $0xFFFFE700  }
0x129: {  	_ =	swait.ge [sflag:s11], $0x3200  }
0x12a: {  	[sflag:s11] =	ssyncset.done $0x0  }
0x12b: {  	s10 =	rddreg [dreg:$0x14];
	[sflag:s11] =	ssyncadd.s32 $0xFFFFCE00  }
0x12c: {  	[hbm4b:s10+s3] =	stream.linear.scatter [tilespmem:s0], [sflag:$0x9], $0x1900, $0x38;
	[tilespmem:$0x1C000] =	vst v63  }
0x12d: {  	_ =	swait.ge [sflag:s22], $0x1900  }
0x12e: {  	[sflag:s22] =	ssyncset.done $0x0  }
0x12f: {  	s19 =	rddreg [dreg:$0x15];
	[sflag:s22] =	ssyncadd.s32 $0xFFFFE700  }
0x130: {  	[hbm4b:s19+s3] =	stream.linear.scatter [tilespmem:s12], [sflag:$0x9], $0x1900, $0x38;
	[tilespmem:$0x1C000] =	vst v63  }
0x131: {  	_ =	swait.ge [sflag:s22], $0x1900  }
0x132: {  	[sflag:s22] =	ssyncset.done $0x0  }
0x133: {  	[sflag:s22] =	ssyncadd.s32 $0xFFFFE700  }
0x134: {  	_ =	swait.ge [sflag:s13], $0x3200  }
0x135: {  	[sflag:s13] =	ssyncset.done $0x0  }
0x136: {  	s20 =	rddreg [dreg:$0x16];
	[sflag:s13] =	ssyncadd.s32 $0xFFFFCE00  }
0x137: {  	[hbm4b:s20+s3] =	stream.linear.scatter [tilespmem:s28], [sflag:$0x9], $0x1900, $0x38;
	[tilespmem:$0x1C000] =	vst v63  }
0x138: {  	_ =	swait.ge [sflag:s22], $0x1900  }
0x139: {  	[sflag:s22] =	ssyncset.done $0x0  }
0x13a: {  	s21 =	rddreg [dreg:$0x17];
	[sflag:s22] =	ssyncadd.s32 $0xFFFFE700  }
0x13b: {  	[hbm4b:s21+s3] =	stream.linear.scatter [tilespmem:s14], [sflag:$0x9], $0x1900, $0x38;
	[tilespmem:$0x1C000] =	vst v63  }
0x13c: {  	_ =	swait.ge [sflag:s22], $0x1900  }
0x13d: {  	[sflag:s22] =	ssyncset.done $0x0  }
0x13e: {  	[sflag:s22] =	ssyncadd.s32 $0xFFFFE700  }
0x13f: {  	_ =	swait.ge [sflag:s15], $0x3200  }
0x140: {  	[sflag:s15] =	ssyncset.done $0x0  }
0x141: {  	s6 =	rddreg [dreg:$0x18];
	[sflag:s15] =	ssyncadd.s32 $0xFFFFCE00  }
0x142: {  	[hbm4b:s6+s3] =	stream.linear.scatter [tilespmem:s1], [sflag:$0x9], $0x1900, $0x38;
	[tilespmem:$0x1C000] =	vst v63  }
0x143: {  	_ =	swait.ge [sflag:s22], $0x1900  }
0x144: {  	[sflag:s22] =	ssyncset.done $0x0  }
0x145: {  	s8 =	rddreg [dreg:$0x19];
	[sflag:s22] =	ssyncadd.s32 $0xFFFFE700  }
0x146: {  	[hbm4b:s8+s3] =	stream.linear.scatter [tilespmem:s16], [sflag:$0x9], $0x1900, $0x38;
	[tilespmem:$0x1C000] =	vst v63  }
0x147: {  	_ =	swait.ge [sflag:s22], $0x1900  }
0x148: {  	[sflag:s22] =	ssyncset.done $0x0  }
0x149: {  	[sflag:s22] =	ssyncadd.s32 $0xFFFFE700  }
0x14a: {  	_ =	swait.ge [sflag:s17], $0x3200  }
0x14b: {  	[sflag:s17] =	ssyncset.done $0x0  }
0x14c: {  	s10 =	rddreg [dreg:$0x1a];
	[sflag:s17] =	ssyncadd.s32 $0xFFFFCE00  }
0x14d: {  	[hbm4b:s10+s3] =	stream.linear.scatter [tilespmem:s30], [sflag:$0x9], $0x1900, $0x38;
	[tilespmem:$0x1C000] =	vst v63  }
0x14e: {  	_ =	swait.ge [sflag:s22], $0x1900  }
0x14f: {  	[sflag:s22] =	ssyncset.done $0x0  }
0x150: {  	s19 =	rddreg [dreg:$0x1b];
	[sflag:s22] =	ssyncadd.s32 $0xFFFFE700  }
0x151: {  	[hbm4b:s19+s3] =	stream.linear.scatter [tilespmem:s18], [sflag:$0x9], $0x1900, $0x38;
	[tilespmem:$0x1C000] =	vst v63  }
0x152: {  	_ =	swait.ge [sflag:s22], $0x1900  }
0x153: {  	s20 =	rddreg [dreg:$0x1d]  }
0x154: {  	s21 =	rddreg [dreg:$0x1c];
	s6 =	sadd.s32 $0x1, s20  }
0x155: {  	p0 =	sne.s32 s6, s21  }
.Ltmp1:
0x156: {  	_ = 	snop;
	(pc) =	sbr.rel @p0 .LBB2_1-.Ltmp1, $3  }
0x157: {  	_ =	sdelay $0x1  }
0x158: {  	[sflag:s22] =	ssyncset.done $0x0  }
0x159: {  	[sflag:s22] =	ssyncadd.s32 $0xFFFFE700  }
0x15a: {  	_ =	sfence.sel $0x180000  }
0x15b: {  	[bflag:$0x0] =	sbarrier.arrive $0xFFFF  }
0x15c: {  	_ =	strace $0x90000047  }
0x15d: {  	s0 =	stileid.u32;
	[bflag:$0x2] =	sbarrier.arrive $0xFFFF  }
0x15e: {  	p0 =	sne.s32 s0, $0x0;
	s0 =	rddreg [dreg:$0x3]  }
0x15f: {  	s0 =	sadd.s32 @!p0 $0x100000, s0  }
0x160: {  	[sflag:s0] =	ssyncadd.tile.s32 @!p0 $0x1;
	_ =	shalt  }
.Lfunc_end2:
_tile_overlayer_lowered:
.L_overlay_start_2:
0x161: {  	(tag) =	ssettag $0x2  }
0x162: {  	s0 =	rddreg [dreg:$0x0];
	s2 =	stileid.u32  }
0x163: {  	s1 =	rddreg [dreg:$0x1];
	p0 =	sne.s32 s2, $0x0  }
0x164: {  	s3 =	rddreg [dreg:$0x2];
	[bflag:$0x3] =	sbarrier.arrive $0xFFFF;
	s2 =	simm.s32 @!p0 $0x1C09  }
0x165: {  	[timem:s3], [sflag:s2] =	dma.local @!p0 [hbm:s0], s1  }
0x166: {  	s0 =	simm.s32 @!p0 $0x9  }
0x167: {  	_ =	swait.ge @!p0 [sflag:s0], s1  }
0x168: {  	s1 =	ssub.s32 @!p0 $0x0, s1;
	[sflag:s0] =	ssyncset.done @!p0 $0x0  }
0x169: {  	[sflag:s0] =	ssyncadd.s32 @!p0 s1  }
0x16a: {  	[bflag:$0x3] =	sbarrier.arrive $0xFFFF  }
0x16b: {  	_ =	shalt  }

</sc_bundles>
